<compile_context>
chip_gen: v7x
topology: tpu7x:2x2x1
jax: 0.10.2.dev20260603
libtpu: 0.0.44.dev20260713+nightly
codegen_flags: <defaults>
</compile_context>

<pallas_src>
import jax
import jax.numpy as jnp
from jax import lax
from jax.experimental import pallas as pl
from jax.experimental.pallas import tpu as pltpu
from jax.experimental.pallas import tpu_sc as plsc

_B, _C, _E, _P = 32, 64, 64, 256
_L = 16
_NC, _NS = 2, 16
_NW = _NC * _NS
_CPW = _C // _NW
_NSLAB = _B * _CPW


def _gather_slab(in_ref, out_ref, idx_v, cl):
    base = [idx_v[pl.ds(cl * _P + j * _L, _L)] for j in range(_P // _L)]

    @plsc.parallel_loop(0, _E, unroll=2)
    def e_body(e):
        e_vec = jnp.full((_L,), e, dtype=jnp.int32)
        for j in range(_P // _L):
            g = plsc.load_gather(in_ref, [e_vec, base[j]])
            out_ref[e, pl.ds(j * _L, _L)] = g


_DI = 4


def _shuffle_body(x_hbm, idx_hbm, out_hbm, idx_v, in0, in1, in2, in3,
                  out0, out1, si0, si1, si2, si3, so0, so1):
    wid = lax.axis_index("s") * _NC + lax.axis_index("c")
    c0 = wid * _CPW

    ins, isems = (in0, in1, in2, in3), (si0, si1, si2, si3)
    outs, osems = (out0, out1), (so0, so1)

    def cp_in(s, buf, sem):
        cl, b = s % _CPW, s // _CPW
        return pltpu.make_async_copy(x_hbm.at[b, c0 + cl], buf, sem)

    def cp_out(s, buf, sem):
        cl, b = s % _CPW, s // _CPW
        return pltpu.make_async_copy(buf, out_hbm.at[b, c0 + cl], sem)

    for k in range(_DI):
        cp_in(k, ins[k], isems[k]).start()
    pltpu.sync_copy(idx_hbm.at[pl.ds(c0 * _P, _CPW * _P)], idx_v)

    def quad_body(i, carry):
        s0 = i * _DI
        for k in range(_DI):
            s = s0 + k
            pi, po = k, k % 2
            cp_in(s, ins[pi], isems[pi]).wait()

            if k < 2:
                @pl.when(i > 0)
                def _():
                    cp_out(s - 2, outs[po], osems[po]).wait()
            else:
                cp_out(s - 2, outs[po], osems[po]).wait()

            _gather_slab(ins[pi], outs[po], idx_v, k % _CPW)
            cp_out(s, outs[po], osems[po]).start()

            @pl.when(s + _DI < _NSLAB)
            def _():
                cp_in(s + _DI, ins[pi], isems[pi]).start()
        return carry

    lax.fori_loop(0, _NSLAB // _DI, quad_body, 0)
    cp_out(_NSLAB - 2, outs[0], osems[0]).wait()
    cp_out(_NSLAB - 1, outs[1], osems[1]).wait()


@jax.jit
def _shuffle(X, idxmat):
    kern = pl.kernel(
        _shuffle_body,
        mesh=plsc.VectorSubcoreMesh(core_axis_name="c", subcore_axis_name="s"),
        compiler_params=pltpu.CompilerParams(needs_layout_passes=False),
        out_type=jax.ShapeDtypeStruct((_B, _C, _E, _P), jnp.float32),
        scratch_types=[
            pltpu.VMEM((_CPW * _P,), jnp.int32),
            pltpu.VMEM((_E, _P), jnp.float32),
            pltpu.VMEM((_E, _P), jnp.float32),
            pltpu.VMEM((_E, _P), jnp.float32),
            pltpu.VMEM((_E, _P), jnp.float32),
            pltpu.VMEM((_E, _P), jnp.float32),
            pltpu.VMEM((_E, _P), jnp.float32),
            pltpu.SemaphoreType.DMA,
            pltpu.SemaphoreType.DMA,
            pltpu.SemaphoreType.DMA,
            pltpu.SemaphoreType.DMA,
            pltpu.SemaphoreType.DMA,
            pltpu.SemaphoreType.DMA,
        ],
    )
    return kern(X, idxmat.reshape(_C * _P))


def kernel(X, perm_tensor, random_idx):
    idx = lax.dynamic_index_in_dim(perm_tensor, random_idx, 0, keepdims=False)
    return _shuffle(X, idx)

# --- scband reference (transcript-rebuilt; emitter-appended) ---
"""Pipeline reference for scband-pptshuffle-85461259256282 (READ-ONLY COPY).

The authoritative reference and input builder live on the scoring server;
editing this copy changes nothing except your own understanding.
"""

import jax, jax.numpy as jnp
import numpy as np

B, C, E, P, S, FREQ = 32, 64, 64, 256, 1000, 5


def _make_perm_tensor(rng, S, C, P, freq):
    # Faithful to torch _create_permutation_index_tensor with strategy 'random':
    # start from arange(P) per (sample, channel) and apply `freq` random swaps.
    idx = np.tile(np.arange(P, dtype=np.int32), (S, C, 1))
    s = np.arange(S)[:, None]
    c = np.arange(C)[None, :]
    for _ in range(freq):
        i1 = rng.integers(0, P, size=(S, C))
        i2 = rng.integers(0, P, size=(S, C))
        tmp = idx[s, c, i1].copy()
        idx[s, c, i1] = idx[s, c, i2]
        idx[s, c, i2] = tmp
    return idx


def setup_inputs(seed: int = 0) -> dict:
    key = jax.random.key(seed)
    X = jax.random.normal(key, (B, C, E, P), dtype=jnp.float32)
    rng = np.random.default_rng(0)
    perm_tensor = jnp.asarray(_make_perm_tensor(rng, S, C, P, FREQ), dtype=jnp.int32)
    # torch forward draws random_idx = randint(0, S-1); fixed here for determinism
    random_idx = 42
    return {"X": X, "perm_tensor": perm_tensor, "random_idx": random_idx}


def reference(X, perm_tensor, random_idx):
    # rearrange 'b c e p -> b e c p'
    Xr = jnp.transpose(X, (0, 2, 1, 3))
    # shuffled_idx = perm[random_idx] -> [C, P]; expand to [B, C(=channel_num), C, P]
    shuffled = perm_tensor[random_idx]
    idx = jnp.broadcast_to(shuffled[None, None, :, :], (X.shape[0], C, C, P))
    # torch.gather(X, 3, idx)
    Xp = jnp.take_along_axis(Xr, idx, axis=3)
    # rearrange 'b e c p -> b c e p'
    X_shuffled = jnp.transpose(Xp, (0, 2, 1, 3))
    return X_shuffled

if __name__ == "__main__":
    import jax
    _d = setup_inputs()
    print(jax.jit(kernel)(*tuple(_d.values())))

</pallas_src>

<mosaic_0001>
#map = affine_map<(d0, d1) -> (0, 0, 0, 0)>
#map1 = affine_map<(d0, d1) -> (0)>
module attributes {stable_mosaic.version = 14 : i64} {
  func.func @_shuffle_body(%arg0: i32, %arg1: i32, %arg2: memref<32x64x64x256xf32, #tpu.memory_space<hbm>>, %arg3: memref<16384xi32, #tpu.memory_space<hbm>>, %arg4: memref<32x64x64x256xf32, #tpu.memory_space<hbm>>, %arg5: memref<512xi32, #tpu.memory_space<vmem>>, %arg6: memref<64x256xf32, #tpu.memory_space<vmem>>, %arg7: memref<64x256xf32, #tpu.memory_space<vmem>>, %arg8: memref<64x256xf32, #tpu.memory_space<vmem>>, %arg9: memref<64x256xf32, #tpu.memory_space<vmem>>, %arg10: memref<64x256xf32, #tpu.memory_space<vmem>>, %arg11: memref<64x256xf32, #tpu.memory_space<vmem>>, %arg12: memref<!tpu.dma_semaphore, #tpu.memory_space<semaphore_mem>>, %arg13: memref<!tpu.dma_semaphore, #tpu.memory_space<semaphore_mem>>, %arg14: memref<!tpu.dma_semaphore, #tpu.memory_space<semaphore_mem>>, %arg15: memref<!tpu.dma_semaphore, #tpu.memory_space<semaphore_mem>>, %arg16: memref<!tpu.dma_semaphore, #tpu.memory_space<semaphore_mem>>, %arg17: memref<!tpu.dma_semaphore, #tpu.memory_space<semaphore_mem>>) attributes {dimension_semantics = [#tpu.dimension_semantics<core_parallel>, #tpu.dimension_semantics<subcore_parallel>], iteration_bounds = array<i64: 2, 16>, scalar_prefetch = 0 : i64, scratch_operands = 13 : i64, tpu.core_type = #tpu.core_type<sc_vector_subcore>, window_params = [{transform_indices = #map}, {transform_indices = #map1}, {transform_indices = #map}]} {
    %mul3A = arith.constant 2 : i32
    %mul3A_0 = arith.muli %arg1, %mul3A : i32
    %add3A = arith.addi %mul3A_0, %arg0 : i32
    %mul3A_1 = arith.constant 2 : i32
    %mul3A_2 = arith.muli %add3A, %mul3A_1 : i32
    %add3A_3 = arith.constant 0 : i32
    %add3A_4 = arith.addi %mul3A_2, %add3A_3 : i32
    %dma_start3A = arith.constant 0 : i32
    %dma_start3A_5 = arith.constant 0 : i32
    %dma_start3A_6 = arith.constant 0 : i32
    %dma_start3A_7 = tpu.memref_slice %arg2[%dma_start3A, %add3A_4, %dma_start3A_5, %dma_start3A_6] : memref<32x64x64x256xf32, #tpu.memory_space<hbm>> -> memref<1x1x64x256xf32, #tpu.memory_space<hbm>>
    %dma_start3A_8 = tpu.memref_squeeze %dma_start3A_7 : memref<1x1x64x256xf32, #tpu.memory_space<hbm>> -> memref<64x256xf32, #tpu.memory_space<hbm>>
    %dma_start3A_9 = arith.constant 0 : i32
    %dma_start3A_10 = arith.constant 0 : i32
    %dma_start3A_11 = tpu.memref_slice %arg2[%dma_start3A, %add3A_4, %dma_start3A_9, %dma_start3A_10] : memref<32x64x64x256xf32, #tpu.memory_space<hbm>> -> memref<1x1x64x256xf32, #tpu.memory_space<hbm>>
    %dma_start3A_12 = tpu.memref_squeeze %dma_start3A_11 : memref<1x1x64x256xf32, #tpu.memory_space<hbm>> -> memref<64x256xf32, #tpu.memory_space<hbm>>
    tpu.enqueue_dma source(%dma_start3A_12 : memref<64x256xf32, #tpu.memory_space<hbm>>) target(%arg6 : memref<64x256xf32, #tpu.memory_space<vmem>>) target_semaphore(%arg12 : memref<!tpu.dma_semaphore, #tpu.memory_space<semaphore_mem>>)
    %add3A_13 = arith.constant 1 : i32
    %add3A_14 = arith.addi %mul3A_2, %add3A_13 : i32
    %dma_start3A_15 = arith.constant 0 : i32
    %dma_start3A_16 = arith.constant 0 : i32
    %dma_start3A_17 = arith.constant 0 : i32
    %dma_start3A_18 = tpu.memref_slice %arg2[%dma_start3A_15, %add3A_14, %dma_start3A_16, %dma_start3A_17] : memref<32x64x64x256xf32, #tpu.memory_space<hbm>> -> memref<1x1x64x256xf32, #tpu.memory_space<hbm>>
    %dma_start3A_19 = tpu.memref_squeeze %dma_start3A_18 : memref<1x1x64x256xf32, #tpu.memory_space<hbm>> -> memref<64x256xf32, #tpu.memory_space<hbm>>
    %dma_start3A_20 = arith.constant 0 : i32
    %dma_start3A_21 = arith.constant 0 : i32
    %dma_start3A_22 = tpu.memref_slice %arg2[%dma_start3A_15, %add3A_14, %dma_start3A_20, %dma_start3A_21] : memref<32x64x64x256xf32, #tpu.memory_space<hbm>> -> memref<1x1x64x256xf32, #tpu.memory_space<hbm>>
    %dma_start3A_23 = tpu.memref_squeeze %dma_start3A_22 : memref<1x1x64x256xf32, #tpu.memory_space<hbm>> -> memref<64x256xf32, #tpu.memory_space<hbm>>
    tpu.enqueue_dma source(%dma_start3A_23 : memref<64x256xf32, #tpu.memory_space<hbm>>) target(%arg7 : memref<64x256xf32, #tpu.memory_space<vmem>>) target_semaphore(%arg13 : memref<!tpu.dma_semaphore, #tpu.memory_space<semaphore_mem>>)
    %add3A_24 = arith.constant 0 : i32
    %add3A_25 = arith.addi %mul3A_2, %add3A_24 : i32
    %dma_start3A_26 = arith.constant 1 : i32
    %dma_start3A_27 = arith.constant 0 : i32
    %dma_start3A_28 = arith.constant 0 : i32
    %dma_start3A_29 = tpu.memref_slice %arg2[%dma_start3A_26, %add3A_25, %dma_start3A_27, %dma_start3A_28] : memref<32x64x64x256xf32, #tpu.memory_space<hbm>> -> memref<1x1x64x256xf32, #tpu.memory_space<hbm>>
    %dma_start3A_30 = tpu.memref_squeeze %dma_start3A_29 : memref<1x1x64x256xf32, #tpu.memory_space<hbm>> -> memref<64x256xf32, #tpu.memory_space<hbm>>
    %dma_start3A_31 = arith.constant 0 : i32
    %dma_start3A_32 = arith.constant 0 : i32
    %dma_start3A_33 = tpu.memref_slice %arg2[%dma_start3A_26, %add3A_25, %dma_start3A_31, %dma_start3A_32] : memref<32x64x64x256xf32, #tpu.memory_space<hbm>> -> memref<1x1x64x256xf32, #tpu.memory_space<hbm>>
    %dma_start3A_34 = tpu.memref_squeeze %dma_start3A_33 : memref<1x1x64x256xf32, #tpu.memory_space<hbm>> -> memref<64x256xf32, #tpu.memory_space<hbm>>
    tpu.enqueue_dma source(%dma_start3A_34 : memref<64x256xf32, #tpu.memory_space<hbm>>) target(%arg8 : memref<64x256xf32, #tpu.memory_space<vmem>>) target_semaphore(%arg14 : memref<!tpu.dma_semaphore, #tpu.memory_space<semaphore_mem>>)
    %add3A_35 = arith.constant 1 : i32
    %add3A_36 = arith.addi %mul3A_2, %add3A_35 : i32
    %dma_start3A_37 = arith.constant 1 : i32
    %dma_start3A_38 = arith.constant 0 : i32
    %dma_start3A_39 = arith.constant 0 : i32
    %dma_start3A_40 = tpu.memref_slice %arg2[%dma_start3A_37, %add3A_36, %dma_start3A_38, %dma_start3A_39] : memref<32x64x64x256xf32, #tpu.memory_space<hbm>> -> memref<1x1x64x256xf32, #tpu.memory_space<hbm>>
    %dma_start3A_41 = tpu.memref_squeeze %dma_start3A_40 : memref<1x1x64x256xf32, #tpu.memory_space<hbm>> -> memref<64x256xf32, #tpu.memory_space<hbm>>
    %dma_start3A_42 = arith.constant 0 : i32
    %dma_start3A_43 = arith.constant 0 : i32
    %dma_start3A_44 = tpu.memref_slice %arg2[%dma_start3A_37, %add3A_36, %dma_start3A_42, %dma_start3A_43] : memref<32x64x64x256xf32, #tpu.memory_space<hbm>> -> memref<1x1x64x256xf32, #tpu.memory_space<hbm>>
    %dma_start3A_45 = tpu.memref_squeeze %dma_start3A_44 : memref<1x1x64x256xf32, #tpu.memory_space<hbm>> -> memref<64x256xf32, #tpu.memory_space<hbm>>
    tpu.enqueue_dma source(%dma_start3A_45 : memref<64x256xf32, #tpu.memory_space<hbm>>) target(%arg9 : memref<64x256xf32, #tpu.memory_space<vmem>>) target_semaphore(%arg15 : memref<!tpu.dma_semaphore, #tpu.memory_space<semaphore_mem>>)
    %mul3A_46 = arith.constant 256 : i32
    %mul3A_47 = arith.muli %mul3A_2, %mul3A_46 : i32
    "tpu.region"() ({
      %run_scoped3A = tpu.sem_alloc : memref<!tpu.dma_semaphore, #tpu.memory_space<semaphore_mem>>
      %dma_start3A_74 = tpu.memref_slice %arg3[%mul3A_47] : memref<16384xi32, #tpu.memory_space<hbm>> -> memref<512xi32, #tpu.memory_space<hbm>>
      %dma_start3A_75 = tpu.memref_slice %arg3[%mul3A_47] : memref<16384xi32, #tpu.memory_space<hbm>> -> memref<512xi32, #tpu.memory_space<hbm>>
      tpu.enqueue_dma source(%dma_start3A_75 : memref<512xi32, #tpu.memory_space<hbm>>) target(%arg5 : memref<512xi32, #tpu.memory_space<vmem>>) target_semaphore(%run_scoped3A : memref<!tpu.dma_semaphore, #tpu.memory_space<semaphore_mem>>)
      %dma_wait3A_76 = tpu.memref_slice %arg3[%mul3A_47] : memref<16384xi32, #tpu.memory_space<hbm>> -> memref<512xi32, #tpu.memory_space<hbm>>
      %dma_wait3A_77 = tpu.memref_slice %arg3[%mul3A_47] : memref<16384xi32, #tpu.memory_space<hbm>> -> memref<512xi32, #tpu.memory_space<hbm>>
      tpu.wait_dma2 semaphore(%run_scoped3A : memref<!tpu.dma_semaphore, #tpu.memory_space<semaphore_mem>>) src(%dma_wait3A_77 : memref<512xi32, #tpu.memory_space<hbm>>) dst(%arg5 : memref<512xi32, #tpu.memory_space<vmem>>)
      tpu.yield
    }) : () -> ()
    %scan3A = arith.constant 0 : i32
    %scan3A_48 = arith.constant 0 : i32
    %scan3A_49 = arith.constant 16 : i32
    %scan3A_50 = arith.addi %scan3A_48, %scan3A_49 : i32
    %scan3A_51 = arith.constant 1 : i32
    scf.for %scan3A_74 = %scan3A_48 to %scan3A_50 step %scan3A_51  : i32 {
      %mul3A_75 = arith.constant 4 : i32
      %mul3A_76 = arith.muli %scan3A_74, %mul3A_75 : i32
      %add3A_77 = arith.constant 0 : i32
      %add3A_78 = arith.addi %mul3A_76, %add3A_77 : i32
      %jit3A = arith.constant 2 : i32
      %eq3A = arith.constant 0 : i32
      %eq3A_79 = arith.cmpi eq, %jit3A, %eq3A : i32
      %jit3A_80 = arith.constant 1 : i32
      %select_n3A = arith.select %eq3A_79, %jit3A_80, %jit3A : i32
      %rem3A = arith.remsi %add3A_78, %select_n3A : i32
      %ne3A = arith.constant 0 : i32
      %ne3A_81 = arith.cmpi ne, %rem3A, %ne3A : i32
      %lt3A = arith.constant 0 : i32
      %lt3A_82 = arith.cmpi slt, %rem3A, %lt3A : i32
      %lt3A_83 = arith.constant 0 : i32
      %lt3A_84 = arith.cmpi slt, %select_n3A, %lt3A_83 : i32
      %ne3A_85 = arith.xori %lt3A_82, %lt3A_84 : i1
      %and3A = arith.andi %ne3A_85, %ne3A_81 : i1
      %add3A_86 = arith.addi %rem3A, %select_n3A : i32
      %select_n3A_87 = arith.select %and3A, %add3A_86, %rem3A : i32
      %jit3A_88 = arith.constant 2 : i32
      %div3A = arith.divsi %add3A_78, %jit3A_88 : i32
      %sign3A = arith.constant 0 : i32
      %sign3A_89 = arith.cmpi sgt, %add3A_78, %sign3A : i32
      %sign3A_90 = arith.extui %sign3A_89 : i1 to i32
      %sign3A_91 = arith.constant 0 : i32
      %sign3A_92 = arith.cmpi slt, %add3A_78, %sign3A_91 : i32
      %sign3A_93 = arith.extui %sign3A_92 : i1 to i32
      %sign3A_94 = arith.subi %sign3A_90, %sign3A_93 : i32
      %sign3A_95 = arith.constant 0 : i32
      %sign3A_96 = arith.cmpi sgt, %jit3A_88, %sign3A_95 : i32
      %sign3A_97 = arith.extui %sign3A_96 : i1 to i32
      %sign3A_98 = arith.constant 0 : i32
      %sign3A_99 = arith.cmpi slt, %jit3A_88, %sign3A_98 : i32
      %sign3A_100 = arith.extui %sign3A_99 : i1 to i32
      %sign3A_101 = arith.subi %sign3A_97, %sign3A_100 : i32
      %ne3A_102 = arith.cmpi ne, %sign3A_94, %sign3A_101 : i32
      %rem3A_103 = arith.remsi %add3A_78, %jit3A_88 : i32
      %ne3A_104 = arith.constant 0 : i32
      %ne3A_105 = arith.cmpi ne, %rem3A_103, %ne3A_104 : i32
      %and3A_106 = arith.andi %ne3A_102, %ne3A_105 : i1
      %sub3A = arith.constant 1 : i32
      %sub3A_107 = arith.subi %div3A, %sub3A : i32
      %select_n3A_108 = arith.select %and3A_106, %sub3A_107, %div3A : i32
      %add3A_109 = arith.addi %mul3A_2, %select_n3A_87 : i32
      %dma_wait3A_110 = arith.constant 0 : i32
      %dma_wait3A_111 = arith.constant 0 : i32
      %dma_wait3A_112 = tpu.memref_slice %arg2[%select_n3A_108, %add3A_109, %dma_wait3A_110, %dma_wait3A_111] : memref<32x64x64x256xf32, #tpu.memory_space<hbm>> -> memref<1x1x64x256xf32, #tpu.memory_space<hbm>>
      %dma_wait3A_113 = tpu.memref_squeeze %dma_wait3A_112 : memref<1x1x64x256xf32, #tpu.memory_space<hbm>> -> memref<64x256xf32, #tpu.memory_space<hbm>>
      %dma_wait3A_114 = arith.constant 0 : i32
      %dma_wait3A_115 = arith.constant 0 : i32
      %dma_wait3A_116 = tpu.memref_slice %arg2[%select_n3A_108, %add3A_109, %dma_wait3A_114, %dma_wait3A_115] : memref<32x64x64x256xf32, #tpu.memory_space<hbm>> -> memref<1x1x64x256xf32, #tpu.memory_space<hbm>>
      %dma_wait3A_117 = tpu.memref_squeeze %dma_wait3A_116 : memref<1x1x64x256xf32, #tpu.memory_space<hbm>> -> memref<64x256xf32, #tpu.memory_space<hbm>>
      tpu.wait_dma2 semaphore(%arg12 : memref<!tpu.dma_semaphore, #tpu.memory_space<semaphore_mem>>) src(%dma_wait3A_117 : memref<64x256xf32, #tpu.memory_space<hbm>>) dst(%arg6 : memref<64x256xf32, #tpu.memory_space<vmem>>)
      %gt3A = arith.constant 0 : i32
      %gt3A_118 = arith.cmpi sgt, %scan3A_74, %gt3A : i32
      %convert_element_type3A = arith.extui %gt3A_118 : i1 to i32
      %cond3A = arith.constant 0 : i32
      %cond3A_119 = arith.cmpi ne, %convert_element_type3A, %cond3A : i32
      scf.if %cond3A_119 {
        %sub3A_742 = arith.constant 2 : i32
        %sub3A_743 = arith.subi %add3A_78, %sub3A_742 : i32
        %jit3A_744 = arith.constant 2 : i32
        %eq3A_745 = arith.constant 0 : i32
        %eq3A_746 = arith.cmpi eq, %jit3A_744, %eq3A_745 : i32
        %jit3A_747 = arith.constant 1 : i32
        %select_n3A_748 = arith.select %eq3A_746, %jit3A_747, %jit3A_744 : i32
        %rem3A_749 = arith.remsi %sub3A_743, %select_n3A_748 : i32
        %ne3A_750 = arith.constant 0 : i32
        %ne3A_751 = arith.cmpi ne, %rem3A_749, %ne3A_750 : i32
        %lt3A_752 = arith.constant 0 : i32
        %lt3A_753 = arith.cmpi slt, %rem3A_749, %lt3A_752 : i32
        %lt3A_754 = arith.constant 0 : i32
        %lt3A_755 = arith.cmpi slt, %select_n3A_748, %lt3A_754 : i32
        %ne3A_756 = arith.xori %lt3A_753, %lt3A_755 : i1
        %and3A_757 = arith.andi %ne3A_756, %ne3A_751 : i1
        %add3A_758 = arith.addi %rem3A_749, %select_n3A_748 : i32
        %select_n3A_759 = arith.select %and3A_757, %add3A_758, %rem3A_749 : i32
        %jit3A_760 = arith.constant 2 : i32
        %div3A_761 = arith.divsi %sub3A_743, %jit3A_760 : i32
        %sign3A_762 = arith.constant 0 : i32
        %sign3A_763 = arith.cmpi sgt, %sub3A_743, %sign3A_762 : i32
        %sign3A_764 = arith.extui %sign3A_763 : i1 to i32
        %sign3A_765 = arith.constant 0 : i32
        %sign3A_766 = arith.cmpi slt, %sub3A_743, %sign3A_765 : i32
        %sign3A_767 = arith.extui %sign3A_766 : i1 to i32
        %sign3A_768 = arith.subi %sign3A_764, %sign3A_767 : i32
        %sign3A_769 = arith.constant 0 : i32
        %sign3A_770 = arith.cmpi sgt, %jit3A_760, %sign3A_769 : i32
        %sign3A_771 = arith.extui %sign3A_770 : i1 to i32
        %sign3A_772 = arith.constant 0 : i32
        %sign3A_773 = arith.cmpi slt, %jit3A_760, %sign3A_772 : i32
        %sign3A_774 = arith.extui %sign3A_773 : i1 to i32
        %sign3A_775 = arith.subi %sign3A_771, %sign3A_774 : i32
        %ne3A_776 = arith.cmpi ne, %sign3A_768, %sign3A_775 : i32
        %rem3A_777 = arith.remsi %sub3A_743, %jit3A_760 : i32
        %ne3A_778 = arith.constant 0 : i32
        %ne3A_779 = arith.cmpi ne, %rem3A_777, %ne3A_778 : i32
        %and3A_780 = arith.andi %ne3A_776, %ne3A_779 : i1
        %sub3A_781 = arith.constant 1 : i32
        %sub3A_782 = arith.subi %div3A_761, %sub3A_781 : i32
        %select_n3A_783 = arith.select %and3A_780, %sub3A_782, %div3A_761 : i32
        %add3A_784 = arith.addi %mul3A_2, %select_n3A_759 : i32
        %dma_wait3A_785 = arith.constant 0 : i32
        %dma_wait3A_786 = arith.constant 0 : i32
        %dma_wait3A_787 = tpu.memref_slice %arg4[%select_n3A_783, %add3A_784, %dma_wait3A_785, %dma_wait3A_786] : memref<32x64x64x256xf32, #tpu.memory_space<hbm>> -> memref<1x1x64x256xf32, #tpu.memory_space<hbm>>
        %dma_wait3A_788 = tpu.memref_squeeze %dma_wait3A_787 : memref<1x1x64x256xf32, #tpu.memory_space<hbm>> -> memref<64x256xf32, #tpu.memory_space<hbm>>
        %dma_wait3A_789 = arith.constant 0 : i32
        %dma_wait3A_790 = arith.constant 0 : i32
        %dma_wait3A_791 = tpu.memref_slice %arg4[%select_n3A_783, %add3A_784, %dma_wait3A_789, %dma_wait3A_790] : memref<32x64x64x256xf32, #tpu.memory_space<hbm>> -> memref<1x1x64x256xf32, #tpu.memory_space<hbm>>
        %dma_wait3A_792 = tpu.memref_squeeze %dma_wait3A_791 : memref<1x1x64x256xf32, #tpu.memory_space<hbm>> -> memref<64x256xf32, #tpu.memory_space<hbm>>
        tpu.wait_dma2 semaphore(%arg16 : memref<!tpu.dma_semaphore, #tpu.memory_space<semaphore_mem>>) src(%arg10 : memref<64x256xf32, #tpu.memory_space<vmem>>) dst(%dma_wait3A_792 : memref<64x256xf32, #tpu.memory_space<hbm>>)
      } else {
      }
      %get3A = arith.constant 0 : index
      %get3A_120 = tpu.vector_load %arg5[%get3A] {strides = array<i32>} : memref<512xi32, #tpu.memory_space<vmem>>, vector<16xi32>,
      %get3A_121 = arith.constant 16 : index
      %get3A_122 = tpu.vector_load %arg5[%get3A_121] {strides = array<i32>} : memref<512xi32, #tpu.memory_space<vmem>>, vector<16xi32>,
      %get3A_123 = arith.constant 32 : index
      %get3A_124 = tpu.vector_load %arg5[%get3A_123] {strides = array<i32>} : memref<512xi32, #tpu.memory_space<vmem>>, vector<16xi32>,
      %get3A_125 = arith.constant 48 : index
      %get3A_126 = tpu.vector_load %arg5[%get3A_125] {strides = array<i32>} : memref<512xi32, #tpu.memory_space<vmem>>, vector<16xi32>,
      %get3A_127 = arith.constant 64 : index
      %get3A_128 = tpu.vector_load %arg5[%get3A_127] {strides = array<i32>} : memref<512xi32, #tpu.memory_space<vmem>>, vector<16xi32>,
      %get3A_129 = arith.constant 80 : index
      %get3A_130 = tpu.vector_load %arg5[%get3A_129] {strides = array<i32>} : memref<512xi32, #tpu.memory_space<vmem>>, vector<16xi32>,
      %get3A_131 = arith.constant 96 : index
      %get3A_132 = tpu.vector_load %arg5[%get3A_131] {strides = array<i32>} : memref<512xi32, #tpu.memory_space<vmem>>, vector<16xi32>,
      %get3A_133 = arith.constant 112 : index
      %get3A_134 = tpu.vector_load %arg5[%get3A_133] {strides = array<i32>} : memref<512xi32, #tpu.memory_space<vmem>>, vector<16xi32>,
      %get3A_135 = arith.constant 128 : index
      %get3A_136 = tpu.vector_load %arg5[%get3A_135] {strides = array<i32>} : memref<512xi32, #tpu.memory_space<vmem>>, vector<16xi32>,
      %get3A_137 = arith.constant 144 : index
      %get3A_138 = tpu.vector_load %arg5[%get3A_137] {strides = array<i32>} : memref<512xi32, #tpu.memory_space<vmem>>, vector<16xi32>,
      %get3A_139 = arith.constant 160 : index
      %get3A_140 = tpu.vector_load %arg5[%get3A_139] {strides = array<i32>} : memref<512xi32, #tpu.memory_space<vmem>>, vector<16xi32>,
      %get3A_141 = arith.constant 176 : index
      %get3A_142 = tpu.vector_load %arg5[%get3A_141] {strides = array<i32>} : memref<512xi32, #tpu.memory_space<vmem>>, vector<16xi32>,
      %get3A_143 = arith.constant 192 : index
      %get3A_144 = tpu.vector_load %arg5[%get3A_143] {strides = array<i32>} : memref<512xi32, #tpu.memory_space<vmem>>, vector<16xi32>,
      %get3A_145 = arith.constant 208 : index
      %get3A_146 = tpu.vector_load %arg5[%get3A_145] {strides = array<i32>} : memref<512xi32, #tpu.memory_space<vmem>>, vector<16xi32>,
      %get3A_147 = arith.constant 224 : index
      %get3A_148 = tpu.vector_load %arg5[%get3A_147] {strides = array<i32>} : memref<512xi32, #tpu.memory_space<vmem>>, vector<16xi32>,
      %get3A_149 = arith.constant 240 : index
      %get3A_150 = tpu.vector_load %arg5[%get3A_149] {strides = array<i32>} : memref<512xi32, #tpu.memory_space<vmem>>, vector<16xi32>,
      %parallel_loop3A = arith.constant 0 : i32
      %parallel_loop3A_151 = arith.constant 64 : i32
      %parallel_loop3A_152 = arith.constant 1 : i32
      scf.for %parallel_loop3A_742 = %parallel_loop3A to %parallel_loop3A_151 step %parallel_loop3A_152  : i32 {
        %parallel_loop3A_743 = vector.broadcast %parallel_loop3A_742 : i32 to vector<16xi32>
        %parallel_loop3A_744 = tpu.vector_load_idx %arg6[%parallel_loop3A_743, %get3A_120] : memref<64x256xf32, #tpu.memory_space<vmem>>[vector<16xi32>, vector<16xi32>], vector<16xf32>,
        %parallel_loop3A_745 = arith.index_cast %parallel_loop3A_742 : i32 to index
        %parallel_loop3A_746 = arith.constant 0 : index
        %parallel_loop3A_747 = tpu.vector_load %arg10[%parallel_loop3A_745, %parallel_loop3A_746] {strides = array<i32>} : memref<64x256xf32, #tpu.memory_space<vmem>>, vector<16xf32>,
        tpu.vector_store %arg10[%parallel_loop3A_745, %parallel_loop3A_746], %parallel_loop3A_744 {strides = array<i32>} : memref<64x256xf32, #tpu.memory_space<vmem>>, vector<16xf32>,
        %parallel_loop3A_748 = tpu.vector_load_idx %arg6[%parallel_loop3A_743, %get3A_122] : memref<64x256xf32, #tpu.memory_space<vmem>>[vector<16xi32>, vector<16xi32>], vector<16xf32>,
        %parallel_loop3A_749 = arith.index_cast %parallel_loop3A_742 : i32 to index
        %parallel_loop3A_750 = arith.constant 16 : index
        %parallel_loop3A_751 = tpu.vector_load %arg10[%parallel_loop3A_749, %parallel_loop3A_750] {strides = array<i32>} : memref<64x256xf32, #tpu.memory_space<vmem>>, vector<16xf32>,
        tpu.vector_store %arg10[%parallel_loop3A_749, %parallel_loop3A_750], %parallel_loop3A_748 {strides = array<i32>} : memref<64x256xf32, #tpu.memory_space<vmem>>, vector<16xf32>,
        %parallel_loop3A_752 = tpu.vector_load_idx %arg6[%parallel_loop3A_743, %get3A_124] : memref<64x256xf32, #tpu.memory_space<vmem>>[vector<16xi32>, vector<16xi32>], vector<16xf32>,
        %parallel_loop3A_753 = arith.index_cast %parallel_loop3A_742 : i32 to index
        %parallel_loop3A_754 = arith.constant 32 : index
        %parallel_loop3A_755 = tpu.vector_load %arg10[%parallel_loop3A_753, %parallel_loop3A_754] {strides = array<i32>} : memref<64x256xf32, #tpu.memory_space<vmem>>, vector<16xf32>,
        tpu.vector_store %arg10[%parallel_loop3A_753, %parallel_loop3A_754], %parallel_loop3A_752 {strides = array<i32>} : memref<64x256xf32, #tpu.memory_space<vmem>>, vector<16xf32>,
        %parallel_loop3A_756 = tpu.vector_load_idx %arg6[%parallel_loop3A_743, %get3A_126] : memref<64x256xf32, #tpu.memory_space<vmem>>[vector<16xi32>, vector<16xi32>], vector<16xf32>,
        %parallel_loop3A_757 = arith.index_cast %parallel_loop3A_742 : i32 to index
        %parallel_loop3A_758 = arith.constant 48 : index
        %parallel_loop3A_759 = tpu.vector_load %arg10[%parallel_loop3A_757, %parallel_loop3A_758] {strides = array<i32>} : memref<64x256xf32, #tpu.memory_space<vmem>>, vector<16xf32>,
        tpu.vector_store %arg10[%parallel_loop3A_757, %parallel_loop3A_758], %parallel_loop3A_756 {strides = array<i32>} : memref<64x256xf32, #tpu.memory_space<vmem>>, vector<16xf32>,
        %parallel_loop3A_760 = tpu.vector_load_idx %arg6[%parallel_loop3A_743, %get3A_128] : memref<64x256xf32, #tpu.memory_space<vmem>>[vector<16xi32>, vector<16xi32>], vector<16xf32>,
        %parallel_loop3A_761 = arith.index_cast %parallel_loop3A_742 : i32 to index
        %parallel_loop3A_762 = arith.constant 64 : index
        %parallel_loop3A_763 = tpu.vector_load %arg10[%parallel_loop3A_761, %parallel_loop3A_762] {strides = array<i32>} : memref<64x256xf32, #tpu.memory_space<vmem>>, vector<16xf32>,
        tpu.vector_store %arg10[%parallel_loop3A_761, %parallel_loop3A_762], %parallel_loop3A_760 {strides = array<i32>} : memref<64x256xf32, #tpu.memory_space<vmem>>, vector<16xf32>,
        %parallel_loop3A_764 = tpu.vector_load_idx %arg6[%parallel_loop3A_743, %get3A_130] : memref<64x256xf32, #tpu.memory_space<vmem>>[vector<16xi32>, vector<16xi32>], vector<16xf32>,
        %parallel_loop3A_765 = arith.index_cast %parallel_loop3A_742 : i32 to index
        %parallel_loop3A_766 = arith.constant 80 : index
        %parallel_loop3A_767 = tpu.vector_load %arg10[%parallel_loop3A_765, %parallel_loop3A_766] {strides = array<i32>} : memref<64x256xf32, #tpu.memory_space<vmem>>, vector<16xf32>,
        tpu.vector_store %arg10[%parallel_loop3A_765, %parallel_loop3A_766], %parallel_loop3A_764 {strides = array<i32>} : memref<64x256xf32, #tpu.memory_space<vmem>>, vector<16xf32>,
        %parallel_loop3A_768 = tpu.vector_load_idx %arg6[%parallel_loop3A_743, %get3A_132] : memref<64x256xf32, #tpu.memory_space<vmem>>[vector<16xi32>, vector<16xi32>], vector<16xf32>,
        %parallel_loop3A_769 = arith.index_cast %parallel_loop3A_742 : i32 to index
        %parallel_loop3A_770 = arith.constant 96 : index
        %parallel_loop3A_771 = tpu.vector_load %arg10[%parallel_loop3A_769, %parallel_loop3A_770] {strides = array<i32>} : memref<64x256xf32, #tpu.memory_space<vmem>>, vector<16xf32>,
        tpu.vector_store %arg10[%parallel_loop3A_769, %parallel_loop3A_770], %parallel_loop3A_768 {strides = array<i32>} : memref<64x256xf32, #tpu.memory_space<vmem>>, vector<16xf32>,
        %parallel_loop3A_772 = tpu.vector_load_idx %arg6[%parallel_loop3A_743, %get3A_134] : memref<64x256xf32, #tpu.memory_space<vmem>>[vector<16xi32>, vector<16xi32>], vector<16xf32>,
        %parallel_loop3A_773 = arith.index_cast %parallel_loop3A_742 : i32 to index
        %parallel_loop3A_774 = arith.constant 112 : index
        %parallel_loop3A_775 = tpu.vector_load %arg10[%parallel_loop3A_773, %parallel_loop3A_774] {strides = array<i32>} : memref<64x256xf32, #tpu.memory_space<vmem>>, vector<16xf32>,
        tpu.vector_store %arg10[%parallel_loop3A_773, %parallel_loop3A_774], %parallel_loop3A_772 {strides = array<i32>} : memref<64x256xf32, #tpu.memory_space<vmem>>, vector<16xf32>,
        %parallel_loop3A_776 = tpu.vector_load_idx %arg6[%parallel_loop3A_743, %get3A_136] : memref<64x256xf32, #tpu.memory_space<vmem>>[vector<16xi32>, vector<16xi32>], vector<16xf32>,
        %parallel_loop3A_777 = arith.index_cast %parallel_loop3A_742 : i32 to index
        %parallel_loop3A_778 = arith.constant 128 : index
        %parallel_loop3A_779 = tpu.vector_load %arg10[%parallel_loop3A_777, %parallel_loop3A_778] {strides = array<i32>} : memref<64x256xf32, #tpu.memory_space<vmem>>, vector<16xf32>,
        tpu.vector_store %arg10[%parallel_loop3A_777, %parallel_loop3A_778], %parallel_loop3A_776 {strides = array<i32>} : memref<64x256xf32, #tpu.memory_space<vmem>>, vector<16xf32>,
        %parallel_loop3A_780 = tpu.vector_load_idx %arg6[%parallel_loop3A_743, %get3A_138] : memref<64x256xf32, #tpu.memory_space<vmem>>[vector<16xi32>, vector<16xi32>], vector<16xf32>,
        %parallel_loop3A_781 = arith.index_cast %parallel_loop3A_742 : i32 to index
        %parallel_loop3A_782 = arith.constant 144 : index
        %parallel_loop3A_783 = tpu.vector_load %arg10[%parallel_loop3A_781, %parallel_loop3A_782] {strides = array<i32>} : memref<64x256xf32, #tpu.memory_space<vmem>>, vector<16xf32>,
        tpu.vector_store %arg10[%parallel_loop3A_781, %parallel_loop3A_782], %parallel_loop3A_780 {strides = array<i32>} : memref<64x256xf32, #tpu.memory_space<vmem>>, vector<16xf32>,
        %parallel_loop3A_784 = tpu.vector_load_idx %arg6[%parallel_loop3A_743, %get3A_140] : memref<64x256xf32, #tpu.memory_space<vmem>>[vector<16xi32>, vector<16xi32>], vector<16xf32>,
        %parallel_loop3A_785 = arith.index_cast %parallel_loop3A_742 : i32 to index
        %parallel_loop3A_786 = arith.constant 160 : index
        %parallel_loop3A_787 = tpu.vector_load %arg10[%parallel_loop3A_785, %parallel_loop3A_786] {strides = array<i32>} : memref<64x256xf32, #tpu.memory_space<vmem>>, vector<16xf32>,
        tpu.vector_store %arg10[%parallel_loop3A_785, %parallel_loop3A_786], %parallel_loop3A_784 {strides = array<i32>} : memref<64x256xf32, #tpu.memory_space<vmem>>, vector<16xf32>,
        %parallel_loop3A_788 = tpu.vector_load_idx %arg6[%parallel_loop3A_743, %get3A_142] : memref<64x256xf32, #tpu.memory_space<vmem>>[vector<16xi32>, vector<16xi32>], vector<16xf32>,
        %parallel_loop3A_789 = arith.index_cast %parallel_loop3A_742 : i32 to index
        %parallel_loop3A_790 = arith.constant 176 : index
        %parallel_loop3A_791 = tpu.vector_load %arg10[%parallel_loop3A_789, %parallel_loop3A_790] {strides = array<i32>} : memref<64x256xf32, #tpu.memory_space<vmem>>, vector<16xf32>,
        tpu.vector_store %arg10[%parallel_loop3A_789, %parallel_loop3A_790], %parallel_loop3A_788 {strides = array<i32>} : memref<64x256xf32, #tpu.memory_space<vmem>>, vector<16xf32>,
        %parallel_loop3A_792 = tpu.vector_load_idx %arg6[%parallel_loop3A_743, %get3A_144] : memref<64x256xf32, #tpu.memory_space<vmem>>[vector<16xi32>, vector<16xi32>], vector<16xf32>,
        %parallel_loop3A_793 = arith.index_cast %parallel_loop3A_742 : i32 to index
        %parallel_loop3A_794 = arith.constant 192 : index
        %parallel_loop3A_795 = tpu.vector_load %arg10[%parallel_loop3A_793, %parallel_loop3A_794] {strides = array<i32>} : memref<64x256xf32, #tpu.memory_space<vmem>>, vector<16xf32>,
        tpu.vector_store %arg10[%parallel_loop3A_793, %parallel_loop3A_794], %parallel_loop3A_792 {strides = array<i32>} : memref<64x256xf32, #tpu.memory_space<vmem>>, vector<16xf32>,
        %parallel_loop3A_796 = tpu.vector_load_idx %arg6[%parallel_loop3A_743, %get3A_146] : memref<64x256xf32, #tpu.memory_space<vmem>>[vector<16xi32>, vector<16xi32>], vector<16xf32>,
        %parallel_loop3A_797 = arith.index_cast %parallel_loop3A_742 : i32 to index
        %parallel_loop3A_798 = arith.constant 208 : index
        %parallel_loop3A_799 = tpu.vector_load %arg10[%parallel_loop3A_797, %parallel_loop3A_798] {strides = array<i32>} : memref<64x256xf32, #tpu.memory_space<vmem>>, vector<16xf32>,
        tpu.vector_store %arg10[%parallel_loop3A_797, %parallel_loop3A_798], %parallel_loop3A_796 {strides = array<i32>} : memref<64x256xf32, #tpu.memory_space<vmem>>, vector<16xf32>,
        %parallel_loop3A_800 = tpu.vector_load_idx %arg6[%parallel_loop3A_743, %get3A_148] : memref<64x256xf32, #tpu.memory_space<vmem>>[vector<16xi32>, vector<16xi32>], vector<16xf32>,
        %parallel_loop3A_801 = arith.index_cast %parallel_loop3A_742 : i32 to index
        %parallel_loop3A_802 = arith.constant 224 : index
        %parallel_loop3A_803 = tpu.vector_load %arg10[%parallel_loop3A_801, %parallel_loop3A_802] {strides = array<i32>} : memref<64x256xf32, #tpu.memory_space<vmem>>, vector<16xf32>,
        tpu.vector_store %arg10[%parallel_loop3A_801, %parallel_loop3A_802], %parallel_loop3A_800 {strides = array<i32>} : memref<64x256xf32, #tpu.memory_space<vmem>>, vector<16xf32>,
        %parallel_loop3A_804 = tpu.vector_load_idx %arg6[%parallel_loop3A_743, %get3A_150] : memref<64x256xf32, #tpu.memory_space<vmem>>[vector<16xi32>, vector<16xi32>], vector<16xf32>,
        %parallel_loop3A_805 = arith.index_cast %parallel_loop3A_742 : i32 to index
        %parallel_loop3A_806 = arith.constant 240 : index
        %parallel_loop3A_807 = tpu.vector_load %arg10[%parallel_loop3A_805, %parallel_loop3A_806] {strides = array<i32>} : memref<64x256xf32, #tpu.memory_space<vmem>>, vector<16xf32>,
        tpu.vector_store %arg10[%parallel_loop3A_805, %parallel_loop3A_806], %parallel_loop3A_804 {strides = array<i32>} : memref<64x256xf32, #tpu.memory_space<vmem>>, vector<16xf32>,
      } {sc.loop_unroll_factor = 2 : i64, sc.parallel_access}
      %jit3A_153 = arith.constant 2 : i32
      %eq3A_154 = arith.constant 0 : i32
      %eq3A_155 = arith.cmpi eq, %jit3A_153, %eq3A_154 : i32
      %jit3A_156 = arith.constant 1 : i32
      %select_n3A_157 = arith.select %eq3A_155, %jit3A_156, %jit3A_153 : i32
      %rem3A_158 = arith.remsi %add3A_78, %select_n3A_157 : i32
      %ne3A_159 = arith.constant 0 : i32
      %ne3A_160 = arith.cmpi ne, %rem3A_158, %ne3A_159 : i32
      %lt3A_161 = arith.constant 0 : i32
      %lt3A_162 = arith.cmpi slt, %rem3A_158, %lt3A_161 : i32
      %lt3A_163 = arith.constant 0 : i32
      %lt3A_164 = arith.cmpi slt, %select_n3A_157, %lt3A_163 : i32
      %ne3A_165 = arith.xori %lt3A_162, %lt3A_164 : i1
      %and3A_166 = arith.andi %ne3A_165, %ne3A_160 : i1
      %add3A_167 = arith.addi %rem3A_158, %select_n3A_157 : i32
      %select_n3A_168 = arith.select %and3A_166, %add3A_167, %rem3A_158 : i32
      %jit3A_169 = arith.constant 2 : i32
      %div3A_170 = arith.divsi %add3A_78, %jit3A_169 : i32
      %sign3A_171 = arith.constant 0 : i32
      %sign3A_172 = arith.cmpi sgt, %add3A_78, %sign3A_171 : i32
      %sign3A_173 = arith.extui %sign3A_172 : i1 to i32
      %sign3A_174 = arith.constant 0 : i32
      %sign3A_175 = arith.cmpi slt, %add3A_78, %sign3A_174 : i32
      %sign3A_176 = arith.extui %sign3A_175 : i1 to i32
      %sign3A_177 = arith.subi %sign3A_173, %sign3A_176 : i32
      %sign3A_178 = arith.constant 0 : i32
      %sign3A_179 = arith.cmpi sgt, %jit3A_169, %sign3A_178 : i32
      %sign3A_180 = arith.extui %sign3A_179 : i1 to i32
      %sign3A_181 = arith.constant 0 : i32
      %sign3A_182 = arith.cmpi slt, %jit3A_169, %sign3A_181 : i32
      %sign3A_183 = arith.extui %sign3A_182 : i1 to i32
      %sign3A_184 = arith.subi %sign3A_180, %sign3A_183 : i32
      %ne3A_185 = arith.cmpi ne, %sign3A_177, %sign3A_184 : i32
      %rem3A_186 = arith.remsi %add3A_78, %jit3A_169 : i32
      %ne3A_187 = arith.constant 0 : i32
      %ne3A_188 = arith.cmpi ne, %rem3A_186, %ne3A_187 : i32
      %and3A_189 = arith.andi %ne3A_185, %ne3A_188 : i1
      %sub3A_190 = arith.constant 1 : i32
      %sub3A_191 = arith.subi %div3A_170, %sub3A_190 : i32
      %select_n3A_192 = arith.select %and3A_189, %sub3A_191, %div3A_170 : i32
      %add3A_193 = arith.addi %mul3A_2, %select_n3A_168 : i32
      %dma_start3A_194 = arith.constant 0 : i32
      %dma_start3A_195 = arith.constant 0 : i32
      %dma_start3A_196 = tpu.memref_slice %arg4[%select_n3A_192, %add3A_193, %dma_start3A_194, %dma_start3A_195] : memref<32x64x64x256xf32, #tpu.memory_space<hbm>> -> memref<1x1x64x256xf32, #tpu.memory_space<hbm>>
      %dma_start3A_197 = tpu.memref_squeeze %dma_start3A_196 : memref<1x1x64x256xf32, #tpu.memory_space<hbm>> -> memref<64x256xf32, #tpu.memory_space<hbm>>
      %dma_start3A_198 = arith.constant 0 : i32
      %dma_start3A_199 = arith.constant 0 : i32
      %dma_start3A_200 = tpu.memref_slice %arg4[%select_n3A_192, %add3A_193, %dma_start3A_198, %dma_start3A_199] : memref<32x64x64x256xf32, #tpu.memory_space<hbm>> -> memref<1x1x64x256xf32, #tpu.memory_space<hbm>>
      %dma_start3A_201 = tpu.memref_squeeze %dma_start3A_200 : memref<1x1x64x256xf32, #tpu.memory_space<hbm>> -> memref<64x256xf32, #tpu.memory_space<hbm>>
      tpu.enqueue_dma source(%arg10 : memref<64x256xf32, #tpu.memory_space<vmem>>) target(%dma_start3A_201 : memref<64x256xf32, #tpu.memory_space<hbm>>) target_semaphore(%arg16 : memref<!tpu.dma_semaphore, #tpu.memory_space<semaphore_mem>>)
      %add3A_202 = arith.constant 4 : i32
      %add3A_203 = arith.addi %add3A_78, %add3A_202 : i32
      %lt3A_204 = arith.constant 64 : i32
      %lt3A_205 = arith.cmpi slt, %add3A_203, %lt3A_204 : i32
      %convert_element_type3A_206 = arith.extui %lt3A_205 : i1 to i32
      %cond3A_207 = arith.constant 0 : i32
      %cond3A_208 = arith.cmpi ne, %convert_element_type3A_206, %cond3A_207 : i32
      scf.if %cond3A_208 {
        %add3A_742 = arith.constant 4 : i32
        %add3A_743 = arith.addi %add3A_78, %add3A_742 : i32
        %jit3A_744 = arith.constant 2 : i32
        %eq3A_745 = arith.constant 0 : i32
        %eq3A_746 = arith.cmpi eq, %jit3A_744, %eq3A_745 : i32
        %jit3A_747 = arith.constant 1 : i32
        %select_n3A_748 = arith.select %eq3A_746, %jit3A_747, %jit3A_744 : i32
        %rem3A_749 = arith.remsi %add3A_743, %select_n3A_748 : i32
        %ne3A_750 = arith.constant 0 : i32
        %ne3A_751 = arith.cmpi ne, %rem3A_749, %ne3A_750 : i32
        %lt3A_752 = arith.constant 0 : i32
        %lt3A_753 = arith.cmpi slt, %rem3A_749, %lt3A_752 : i32
        %lt3A_754 = arith.constant 0 : i32
        %lt3A_755 = arith.cmpi slt, %select_n3A_748, %lt3A_754 : i32
        %ne3A_756 = arith.xori %lt3A_753, %lt3A_755 : i1
        %and3A_757 = arith.andi %ne3A_756, %ne3A_751 : i1
        %add3A_758 = arith.addi %rem3A_749, %select_n3A_748 : i32
        %select_n3A_759 = arith.select %and3A_757, %add3A_758, %rem3A_749 : i32
        %jit3A_760 = arith.constant 2 : i32
        %div3A_761 = arith.divsi %add3A_743, %jit3A_760 : i32
        %sign3A_762 = arith.constant 0 : i32
        %sign3A_763 = arith.cmpi sgt, %add3A_743, %sign3A_762 : i32
        %sign3A_764 = arith.extui %sign3A_763 : i1 to i32
        %sign3A_765 = arith.constant 0 : i32
        %sign3A_766 = arith.cmpi slt, %add3A_743, %sign3A_765 : i32
        %sign3A_767 = arith.extui %sign3A_766 : i1 to i32
        %sign3A_768 = arith.subi %sign3A_764, %sign3A_767 : i32
        %sign3A_769 = arith.constant 0 : i32
        %sign3A_770 = arith.cmpi sgt, %jit3A_760, %sign3A_769 : i32
        %sign3A_771 = arith.extui %sign3A_770 : i1 to i32
        %sign3A_772 = arith.constant 0 : i32
        %sign3A_773 = arith.cmpi slt, %jit3A_760, %sign3A_772 : i32
        %sign3A_774 = arith.extui %sign3A_773 : i1 to i32
        %sign3A_775 = arith.subi %sign3A_771, %sign3A_774 : i32
        %ne3A_776 = arith.cmpi ne, %sign3A_768, %sign3A_775 : i32
        %rem3A_777 = arith.remsi %add3A_743, %jit3A_760 : i32
        %ne3A_778 = arith.constant 0 : i32
        %ne3A_779 = arith.cmpi ne, %rem3A_777, %ne3A_778 : i32
        %and3A_780 = arith.andi %ne3A_776, %ne3A_779 : i1
        %sub3A_781 = arith.constant 1 : i32
        %sub3A_782 = arith.subi %div3A_761, %sub3A_781 : i32
        %select_n3A_783 = arith.select %and3A_780, %sub3A_782, %div3A_761 : i32
        %add3A_784 = arith.addi %mul3A_2, %select_n3A_759 : i32
        %dma_start3A_785 = arith.constant 0 : i32
        %dma_start3A_786 = arith.constant 0 : i32
        %dma_start3A_787 = tpu.memref_slice %arg2[%select_n3A_783, %add3A_784, %dma_start3A_785, %dma_start3A_786] : memref<32x64x64x256xf32, #tpu.memory_space<hbm>> -> memref<1x1x64x256xf32, #tpu.memory_space<hbm>>
        %dma_start3A_788 = tpu.memref_squeeze %dma_start3A_787 : memref<1x1x64x256xf32, #tpu.memory_space<hbm>> -> memref<64x256xf32, #tpu.memory_space<hbm>>
        %dma_start3A_789 = arith.constant 0 : i32
        %dma_start3A_790 = arith.constant 0 : i32
        %dma_start3A_791 = tpu.memref_slice %arg2[%select_n3A_783, %add3A_784, %dma_start3A_789, %dma_start3A_790] : memref<32x64x64x256xf32, #tpu.memory_space<hbm>> -> memref<1x1x64x256xf32, #tpu.memory_space<hbm>>
        %dma_start3A_792 = tpu.memref_squeeze %dma_start3A_791 : memref<1x1x64x256xf32, #tpu.memory_space<hbm>> -> memref<64x256xf32, #tpu.memory_space<hbm>>
        tpu.enqueue_dma source(%dma_start3A_792 : memref<64x256xf32, #tpu.memory_space<hbm>>) target(%arg6 : memref<64x256xf32, #tpu.memory_space<vmem>>) target_semaphore(%arg12 : memref<!tpu.dma_semaphore, #tpu.memory_space<semaphore_mem>>)
      } else {
      }
      %add3A_209 = arith.constant 1 : i32
      %add3A_210 = arith.addi %mul3A_76, %add3A_209 : i32
      %jit3A_211 = arith.constant 2 : i32
      %eq3A_212 = arith.constant 0 : i32
      %eq3A_213 = arith.cmpi eq, %jit3A_211, %eq3A_212 : i32
      %jit3A_214 = arith.constant 1 : i32
      %select_n3A_215 = arith.select %eq3A_213, %jit3A_214, %jit3A_211 : i32
      %rem3A_216 = arith.remsi %add3A_210, %select_n3A_215 : i32
      %ne3A_217 = arith.constant 0 : i32
      %ne3A_218 = arith.cmpi ne, %rem3A_216, %ne3A_217 : i32
      %lt3A_219 = arith.constant 0 : i32
      %lt3A_220 = arith.cmpi slt, %rem3A_216, %lt3A_219 : i32
      %lt3A_221 = arith.constant 0 : i32
      %lt3A_222 = arith.cmpi slt, %select_n3A_215, %lt3A_221 : i32
      %ne3A_223 = arith.xori %lt3A_220, %lt3A_222 : i1
      %and3A_224 = arith.andi %ne3A_223, %ne3A_218 : i1
      %add3A_225 = arith.addi %rem3A_216, %select_n3A_215 : i32
      %select_n3A_226 = arith.select %and3A_224, %add3A_225, %rem3A_216 : i32
      %jit3A_227 = arith.constant 2 : i32
      %div3A_228 = arith.divsi %add3A_210, %jit3A_227 : i32
      %sign3A_229 = arith.constant 0 : i32
      %sign3A_230 = arith.cmpi sgt, %add3A_210, %sign3A_229 : i32
      %sign3A_231 = arith.extui %sign3A_230 : i1 to i32
      %sign3A_232 = arith.constant 0 : i32
      %sign3A_233 = arith.cmpi slt, %add3A_210, %sign3A_232 : i32
      %sign3A_234 = arith.extui %sign3A_233 : i1 to i32
      %sign3A_235 = arith.subi %sign3A_231, %sign3A_234 : i32
      %sign3A_236 = arith.constant 0 : i32
      %sign3A_237 = arith.cmpi sgt, %jit3A_227, %sign3A_236 : i32
      %sign3A_238 = arith.extui %sign3A_237 : i1 to i32
      %sign3A_239 = arith.constant 0 : i32
      %sign3A_240 = arith.cmpi slt, %jit3A_227, %sign3A_239 : i32
      %sign3A_241 = arith.extui %sign3A_240 : i1 to i32
      %sign3A_242 = arith.subi %sign3A_238, %sign3A_241 : i32
      %ne3A_243 = arith.cmpi ne, %sign3A_235, %sign3A_242 : i32
      %rem3A_244 = arith.remsi %add3A_210, %jit3A_227 : i32
      %ne3A_245 = arith.constant 0 : i32
      %ne3A_246 = arith.cmpi ne, %rem3A_244, %ne3A_245 : i32
      %and3A_247 = arith.andi %ne3A_243, %ne3A_246 : i1
      %sub3A_248 = arith.constant 1 : i32
      %sub3A_249 = arith.subi %div3A_228, %sub3A_248 : i32
      %select_n3A_250 = arith.select %and3A_247, %sub3A_249, %div3A_228 : i32
      %add3A_251 = arith.addi %mul3A_2, %select_n3A_226 : i32
      %dma_wait3A_252 = arith.constant 0 : i32
      %dma_wait3A_253 = arith.constant 0 : i32
      %dma_wait3A_254 = tpu.memref_slice %arg2[%select_n3A_250, %add3A_251, %dma_wait3A_252, %dma_wait3A_253] : memref<32x64x64x256xf32, #tpu.memory_space<hbm>> -> memref<1x1x64x256xf32, #tpu.memory_space<hbm>>
      %dma_wait3A_255 = tpu.memref_squeeze %dma_wait3A_254 : memref<1x1x64x256xf32, #tpu.memory_space<hbm>> -> memref<64x256xf32, #tpu.memory_space<hbm>>
      %dma_wait3A_256 = arith.constant 0 : i32
      %dma_wait3A_257 = arith.constant 0 : i32
      %dma_wait3A_258 = tpu.memref_slice %arg2[%select_n3A_250, %add3A_251, %dma_wait3A_256, %dma_wait3A_257] : memref<32x64x64x256xf32, #tpu.memory_space<hbm>> -> memref<1x1x64x256xf32, #tpu.memory_space<hbm>>
      %dma_wait3A_259 = tpu.memref_squeeze %dma_wait3A_258 : memref<1x1x64x256xf32, #tpu.memory_space<hbm>> -> memref<64x256xf32, #tpu.memory_space<hbm>>
      tpu.wait_dma2 semaphore(%arg13 : memref<!tpu.dma_semaphore, #tpu.memory_space<semaphore_mem>>) src(%dma_wait3A_259 : memref<64x256xf32, #tpu.memory_space<hbm>>) dst(%arg7 : memref<64x256xf32, #tpu.memory_space<vmem>>)
      %gt3A_260 = arith.constant 0 : i32
      %gt3A_261 = arith.cmpi sgt, %scan3A_74, %gt3A_260 : i32
      %convert_element_type3A_262 = arith.extui %gt3A_261 : i1 to i32
      %cond3A_263 = arith.constant 0 : i32
      %cond3A_264 = arith.cmpi ne, %convert_element_type3A_262, %cond3A_263 : i32
      scf.if %cond3A_264 {
        %sub3A_742 = arith.constant 2 : i32
        %sub3A_743 = arith.subi %add3A_210, %sub3A_742 : i32
        %jit3A_744 = arith.constant 2 : i32
        %eq3A_745 = arith.constant 0 : i32
        %eq3A_746 = arith.cmpi eq, %jit3A_744, %eq3A_745 : i32
        %jit3A_747 = arith.constant 1 : i32
        %select_n3A_748 = arith.select %eq3A_746, %jit3A_747, %jit3A_744 : i32
        %rem3A_749 = arith.remsi %sub3A_743, %select_n3A_748 : i32
        %ne3A_750 = arith.constant 0 : i32
        %ne3A_751 = arith.cmpi ne, %rem3A_749, %ne3A_750 : i32
        %lt3A_752 = arith.constant 0 : i32
        %lt3A_753 = arith.cmpi slt, %rem3A_749, %lt3A_752 : i32
        %lt3A_754 = arith.constant 0 : i32
        %lt3A_755 = arith.cmpi slt, %select_n3A_748, %lt3A_754 : i32
        %ne3A_756 = arith.xori %lt3A_753, %lt3A_755 : i1
        %and3A_757 = arith.andi %ne3A_756, %ne3A_751 : i1
        %add3A_758 = arith.addi %rem3A_749, %select_n3A_748 : i32
        %select_n3A_759 = arith.select %and3A_757, %add3A_758, %rem3A_749 : i32
        %jit3A_760 = arith.constant 2 : i32
        %div3A_761 = arith.divsi %sub3A_743, %jit3A_760 : i32
        %sign3A_762 = arith.constant 0 : i32
        %sign3A_763 = arith.cmpi sgt, %sub3A_743, %sign3A_762 : i32
        %sign3A_764 = arith.extui %sign3A_763 : i1 to i32
        %sign3A_765 = arith.constant 0 : i32
        %sign3A_766 = arith.cmpi slt, %sub3A_743, %sign3A_765 : i32
        %sign3A_767 = arith.extui %sign3A_766 : i1 to i32
        %sign3A_768 = arith.subi %sign3A_764, %sign3A_767 : i32
        %sign3A_769 = arith.constant 0 : i32
        %sign3A_770 = arith.cmpi sgt, %jit3A_760, %sign3A_769 : i32
        %sign3A_771 = arith.extui %sign3A_770 : i1 to i32
        %sign3A_772 = arith.constant 0 : i32
        %sign3A_773 = arith.cmpi slt, %jit3A_760, %sign3A_772 : i32
        %sign3A_774 = arith.extui %sign3A_773 : i1 to i32
        %sign3A_775 = arith.subi %sign3A_771, %sign3A_774 : i32
        %ne3A_776 = arith.cmpi ne, %sign3A_768, %sign3A_775 : i32
        %rem3A_777 = arith.remsi %sub3A_743, %jit3A_760 : i32
        %ne3A_778 = arith.constant 0 : i32
        %ne3A_779 = arith.cmpi ne, %rem3A_777, %ne3A_778 : i32
        %and3A_780 = arith.andi %ne3A_776, %ne3A_779 : i1
        %sub3A_781 = arith.constant 1 : i32
        %sub3A_782 = arith.subi %div3A_761, %sub3A_781 : i32
        %select_n3A_783 = arith.select %and3A_780, %sub3A_782, %div3A_761 : i32
        %add3A_784 = arith.addi %mul3A_2, %select_n3A_759 : i32
        %dma_wait3A_785 = arith.constant 0 : i32
        %dma_wait3A_786 = arith.constant 0 : i32
        %dma_wait3A_787 = tpu.memref_slice %arg4[%select_n3A_783, %add3A_784, %dma_wait3A_785, %dma_wait3A_786] : memref<32x64x64x256xf32, #tpu.memory_space<hbm>> -> memref<1x1x64x256xf32, #tpu.memory_space<hbm>>
        %dma_wait3A_788 = tpu.memref_squeeze %dma_wait3A_787 : memref<1x1x64x256xf32, #tpu.memory_space<hbm>> -> memref<64x256xf32, #tpu.memory_space<hbm>>
        %dma_wait3A_789 = arith.constant 0 : i32
        %dma_wait3A_790 = arith.constant 0 : i32
        %dma_wait3A_791 = tpu.memref_slice %arg4[%select_n3A_783, %add3A_784, %dma_wait3A_789, %dma_wait3A_790] : memref<32x64x64x256xf32, #tpu.memory_space<hbm>> -> memref<1x1x64x256xf32, #tpu.memory_space<hbm>>
        %dma_wait3A_792 = tpu.memref_squeeze %dma_wait3A_791 : memref<1x1x64x256xf32, #tpu.memory_space<hbm>> -> memref<64x256xf32, #tpu.memory_space<hbm>>
        tpu.wait_dma2 semaphore(%arg17 : memref<!tpu.dma_semaphore, #tpu.memory_space<semaphore_mem>>) src(%arg11 : memref<64x256xf32, #tpu.memory_space<vmem>>) dst(%dma_wait3A_792 : memref<64x256xf32, #tpu.memory_space<hbm>>)
      } else {
      }
      %get3A_265 = arith.constant 256 : index
      %get3A_266 = tpu.vector_load %arg5[%get3A_265] {strides = array<i32>} : memref<512xi32, #tpu.memory_space<vmem>>, vector<16xi32>,
      %get3A_267 = arith.constant 272 : index
      %get3A_268 = tpu.vector_load %arg5[%get3A_267] {strides = array<i32>} : memref<512xi32, #tpu.memory_space<vmem>>, vector<16xi32>,
      %get3A_269 = arith.constant 288 : index
      %get3A_270 = tpu.vector_load %arg5[%get3A_269] {strides = array<i32>} : memref<512xi32, #tpu.memory_space<vmem>>, vector<16xi32>,
      %get3A_271 = arith.constant 304 : index
      %get3A_272 = tpu.vector_load %arg5[%get3A_271] {strides = array<i32>} : memref<512xi32, #tpu.memory_space<vmem>>, vector<16xi32>,
      %get3A_273 = arith.constant 320 : index
      %get3A_274 = tpu.vector_load %arg5[%get3A_273] {strides = array<i32>} : memref<512xi32, #tpu.memory_space<vmem>>, vector<16xi32>,
      %get3A_275 = arith.constant 336 : index
      %get3A_276 = tpu.vector_load %arg5[%get3A_275] {strides = array<i32>} : memref<512xi32, #tpu.memory_space<vmem>>, vector<16xi32>,
      %get3A_277 = arith.constant 352 : index
      %get3A_278 = tpu.vector_load %arg5[%get3A_277] {strides = array<i32>} : memref<512xi32, #tpu.memory_space<vmem>>, vector<16xi32>,
      %get3A_279 = arith.constant 368 : index
      %get3A_280 = tpu.vector_load %arg5[%get3A_279] {strides = array<i32>} : memref<512xi32, #tpu.memory_space<vmem>>, vector<16xi32>,
      %get3A_281 = arith.constant 384 : index
      %get3A_282 = tpu.vector_load %arg5[%get3A_281] {strides = array<i32>} : memref<512xi32, #tpu.memory_space<vmem>>, vector<16xi32>,
      %get3A_283 = arith.constant 400 : index
      %get3A_284 = tpu.vector_load %arg5[%get3A_283] {strides = array<i32>} : memref<512xi32, #tpu.memory_space<vmem>>, vector<16xi32>,
      %get3A_285 = arith.constant 416 : index
      %get3A_286 = tpu.vector_load %arg5[%get3A_285] {strides = array<i32>} : memref<512xi32, #tpu.memory_space<vmem>>, vector<16xi32>,
      %get3A_287 = arith.constant 432 : index
      %get3A_288 = tpu.vector_load %arg5[%get3A_287] {strides = array<i32>} : memref<512xi32, #tpu.memory_space<vmem>>, vector<16xi32>,
      %get3A_289 = arith.constant 448 : index
      %get3A_290 = tpu.vector_load %arg5[%get3A_289] {strides = array<i32>} : memref<512xi32, #tpu.memory_space<vmem>>, vector<16xi32>,
      %get3A_291 = arith.constant 464 : index
      %get3A_292 = tpu.vector_load %arg5[%get3A_291] {strides = array<i32>} : memref<512xi32, #tpu.memory_space<vmem>>, vector<16xi32>,
      %get3A_293 = arith.constant 480 : index
      %get3A_294 = tpu.vector_load %arg5[%get3A_293] {strides = array<i32>} : memref<512xi32, #tpu.memory_space<vmem>>, vector<16xi32>,
      %get3A_295 = arith.constant 496 : index
      %get3A_296 = tpu.vector_load %arg5[%get3A_295] {strides = array<i32>} : memref<512xi32, #tpu.memory_space<vmem>>, vector<16xi32>,
      %parallel_loop3A_297 = arith.constant 0 : i32
      %parallel_loop3A_298 = arith.constant 64 : i32
      %parallel_loop3A_299 = arith.constant 1 : i32
      scf.for %parallel_loop3A_742 = %parallel_loop3A_297 to %parallel_loop3A_298 step %parallel_loop3A_299  : i32 {
        %parallel_loop3A_743 = vector.broadcast %parallel_loop3A_742 : i32 to vector<16xi32>
        %parallel_loop3A_744 = tpu.vector_load_idx %arg7[%parallel_loop3A_743, %get3A_266] : memref<64x256xf32, #tpu.memory_space<vmem>>[vector<16xi32>, vector<16xi32>], vector<16xf32>,
        %parallel_loop3A_745 = arith.index_cast %parallel_loop3A_742 : i32 to index
        %parallel_loop3A_746 = arith.constant 0 : index
        %parallel_loop3A_747 = tpu.vector_load %arg11[%parallel_loop3A_745, %parallel_loop3A_746] {strides = array<i32>} : memref<64x256xf32, #tpu.memory_space<vmem>>, vector<16xf32>,
        tpu.vector_store %arg11[%parallel_loop3A_745, %parallel_loop3A_746], %parallel_loop3A_744 {strides = array<i32>} : memref<64x256xf32, #tpu.memory_space<vmem>>, vector<16xf32>,
        %parallel_loop3A_748 = tpu.vector_load_idx %arg7[%parallel_loop3A_743, %get3A_268] : memref<64x256xf32, #tpu.memory_space<vmem>>[vector<16xi32>, vector<16xi32>], vector<16xf32>,
        %parallel_loop3A_749 = arith.index_cast %parallel_loop3A_742 : i32 to index
        %parallel_loop3A_750 = arith.constant 16 : index
        %parallel_loop3A_751 = tpu.vector_load %arg11[%parallel_loop3A_749, %parallel_loop3A_750] {strides = array<i32>} : memref<64x256xf32, #tpu.memory_space<vmem>>, vector<16xf32>,
        tpu.vector_store %arg11[%parallel_loop3A_749, %parallel_loop3A_750], %parallel_loop3A_748 {strides = array<i32>} : memref<64x256xf32, #tpu.memory_space<vmem>>, vector<16xf32>,
        %parallel_loop3A_752 = tpu.vector_load_idx %arg7[%parallel_loop3A_743, %get3A_270] : memref<64x256xf32, #tpu.memory_space<vmem>>[vector<16xi32>, vector<16xi32>], vector<16xf32>,
        %parallel_loop3A_753 = arith.index_cast %parallel_loop3A_742 : i32 to index
        %parallel_loop3A_754 = arith.constant 32 : index
        %parallel_loop3A_755 = tpu.vector_load %arg11[%parallel_loop3A_753, %parallel_loop3A_754] {strides = array<i32>} : memref<64x256xf32, #tpu.memory_space<vmem>>, vector<16xf32>,
        tpu.vector_store %arg11[%parallel_loop3A_753, %parallel_loop3A_754], %parallel_loop3A_752 {strides = array<i32>} : memref<64x256xf32, #tpu.memory_space<vmem>>, vector<16xf32>,
        %parallel_loop3A_756 = tpu.vector_load_idx %arg7[%parallel_loop3A_743, %get3A_272] : memref<64x256xf32, #tpu.memory_space<vmem>>[vector<16xi32>, vector<16xi32>], vector<16xf32>,
        %parallel_loop3A_757 = arith.index_cast %parallel_loop3A_742 : i32 to index
        %parallel_loop3A_758 = arith.constant 48 : index
        %parallel_loop3A_759 = tpu.vector_load %arg11[%parallel_loop3A_757, %parallel_loop3A_758] {strides = array<i32>} : memref<64x256xf32, #tpu.memory_space<vmem>>, vector<16xf32>,
        tpu.vector_store %arg11[%parallel_loop3A_757, %parallel_loop3A_758], %parallel_loop3A_756 {strides = array<i32>} : memref<64x256xf32, #tpu.memory_space<vmem>>, vector<16xf32>,
        %parallel_loop3A_760 = tpu.vector_load_idx %arg7[%parallel_loop3A_743, %get3A_274] : memref<64x256xf32, #tpu.memory_space<vmem>>[vector<16xi32>, vector<16xi32>], vector<16xf32>,
        %parallel_loop3A_761 = arith.index_cast %parallel_loop3A_742 : i32 to index
        %parallel_loop3A_762 = arith.constant 64 : index
        %parallel_loop3A_763 = tpu.vector_load %arg11[%parallel_loop3A_761, %parallel_loop3A_762] {strides = array<i32>} : memref<64x256xf32, #tpu.memory_space<vmem>>, vector<16xf32>,
        tpu.vector_store %arg11[%parallel_loop3A_761, %parallel_loop3A_762], %parallel_loop3A_760 {strides = array<i32>} : memref<64x256xf32, #tpu.memory_space<vmem>>, vector<16xf32>,
        %parallel_loop3A_764 = tpu.vector_load_idx %arg7[%parallel_loop3A_743, %get3A_276] : memref<64x256xf32, #tpu.memory_space<vmem>>[vector<16xi32>, vector<16xi32>], vector<16xf32>,
        %parallel_loop3A_765 = arith.index_cast %parallel_loop3A_742 : i32 to index
        %parallel_loop3A_766 = arith.constant 80 : index
        %parallel_loop3A_767 = tpu.vector_load %arg11[%parallel_loop3A_765, %parallel_loop3A_766] {strides = array<i32>} : memref<64x256xf32, #tpu.memory_space<vmem>>, vector<16xf32>,
        tpu.vector_store %arg11[%parallel_loop3A_765, %parallel_loop3A_766], %parallel_loop3A_764 {strides = array<i32>} : memref<64x256xf32, #tpu.memory_space<vmem>>, vector<16xf32>,
        %parallel_loop3A_768 = tpu.vector_load_idx %arg7[%parallel_loop3A_743, %get3A_278] : memref<64x256xf32, #tpu.memory_space<vmem>>[vector<16xi32>, vector<16xi32>], vector<16xf32>,
        %parallel_loop3A_769 = arith.index_cast %parallel_loop3A_742 : i32 to index
        %parallel_loop3A_770 = arith.constant 96 : index
        %parallel_loop3A_771 = tpu.vector_load %arg11[%parallel_loop3A_769, %parallel_loop3A_770] {strides = array<i32>} : memref<64x256xf32, #tpu.memory_space<vmem>>, vector<16xf32>,
        tpu.vector_store %arg11[%parallel_loop3A_769, %parallel_loop3A_770], %parallel_loop3A_768 {strides = array<i32>} : memref<64x256xf32, #tpu.memory_space<vmem>>, vector<16xf32>,
        %parallel_loop3A_772 = tpu.vector_load_idx %arg7[%parallel_loop3A_743, %get3A_280] : memref<64x256xf32, #tpu.memory_space<vmem>>[vector<16xi32>, vector<16xi32>], vector<16xf32>,
        %parallel_loop3A_773 = arith.index_cast %parallel_loop3A_742 : i32 to index
        %parallel_loop3A_774 = arith.constant 112 : index
        %parallel_loop3A_775 = tpu.vector_load %arg11[%parallel_loop3A_773, %parallel_loop3A_774] {strides = array<i32>} : memref<64x256xf32, #tpu.memory_space<vmem>>, vector<16xf32>,
        tpu.vector_store %arg11[%parallel_loop3A_773, %parallel_loop3A_774], %parallel_loop3A_772 {strides = array<i32>} : memref<64x256xf32, #tpu.memory_space<vmem>>, vector<16xf32>,
        %parallel_loop3A_776 = tpu.vector_load_idx %arg7[%parallel_loop3A_743, %get3A_282] : memref<64x256xf32, #tpu.memory_space<vmem>>[vector<16xi32>, vector<16xi32>], vector<16xf32>,
        %parallel_loop3A_777 = arith.index_cast %parallel_loop3A_742 : i32 to index
        %parallel_loop3A_778 = arith.constant 128 : index
        %parallel_loop3A_779 = tpu.vector_load %arg11[%parallel_loop3A_777, %parallel_loop3A_778] {strides = array<i32>} : memref<64x256xf32, #tpu.memory_space<vmem>>, vector<16xf32>,
        tpu.vector_store %arg11[%parallel_loop3A_777, %parallel_loop3A_778], %parallel_loop3A_776 {strides = array<i32>} : memref<64x256xf32, #tpu.memory_space<vmem>>, vector<16xf32>,
        %parallel_loop3A_780 = tpu.vector_load_idx %arg7[%parallel_loop3A_743, %get3A_284] : memref<64x256xf32, #tpu.memory_space<vmem>>[vector<16xi32>, vector<16xi32>], vector<16xf32>,
        %parallel_loop3A_781 = arith.index_cast %parallel_loop3A_742 : i32 to index
        %parallel_loop3A_782 = arith.constant 144 : index
        %parallel_loop3A_783 = tpu.vector_load %arg11[%parallel_loop3A_781, %parallel_loop3A_782] {strides = array<i32>} : memref<64x256xf32, #tpu.memory_space<vmem>>, vector<16xf32>,
        tpu.vector_store %arg11[%parallel_loop3A_781, %parallel_loop3A_782], %parallel_loop3A_780 {strides = array<i32>} : memref<64x256xf32, #tpu.memory_space<vmem>>, vector<16xf32>,
        %parallel_loop3A_784 = tpu.vector_load_idx %arg7[%parallel_loop3A_743, %get3A_286] : memref<64x256xf32, #tpu.memory_space<vmem>>[vector<16xi32>, vector<16xi32>], vector<16xf32>,
        %parallel_loop3A_785 = arith.index_cast %parallel_loop3A_742 : i32 to index
        %parallel_loop3A_786 = arith.constant 160 : index
        %parallel_loop3A_787 = tpu.vector_load %arg11[%parallel_loop3A_785, %parallel_loop3A_786] {strides = array<i32>} : memref<64x256xf32, #tpu.memory_space<vmem>>, vector<16xf32>,
        tpu.vector_store %arg11[%parallel_loop3A_785, %parallel_loop3A_786], %parallel_loop3A_784 {strides = array<i32>} : memref<64x256xf32, #tpu.memory_space<vmem>>, vector<16xf32>,
        %parallel_loop3A_788 = tpu.vector_load_idx %arg7[%parallel_loop3A_743, %get3A_288] : memref<64x256xf32, #tpu.memory_space<vmem>>[vector<16xi32>, vector<16xi32>], vector<16xf32>,
        %parallel_loop3A_789 = arith.index_cast %parallel_loop3A_742 : i32 to index
        %parallel_loop3A_790 = arith.constant 176 : index
        %parallel_loop3A_791 = tpu.vector_load %arg11[%parallel_loop3A_789, %parallel_loop3A_790] {strides = array<i32>} : memref<64x256xf32, #tpu.memory_space<vmem>>, vector<16xf32>,
        tpu.vector_store %arg11[%parallel_loop3A_789, %parallel_loop3A_790], %parallel_loop3A_788 {strides = array<i32>} : memref<64x256xf32, #tpu.memory_space<vmem>>, vector<16xf32>,
        %parallel_loop3A_792 = tpu.vector_load_idx %arg7[%parallel_loop3A_743, %get3A_290] : memref<64x256xf32, #tpu.memory_space<vmem>>[vector<16xi32>, vector<16xi32>], vector<16xf32>,
        %parallel_loop3A_793 = arith.index_cast %parallel_loop3A_742 : i32 to index
        %parallel_loop3A_794 = arith.constant 192 : index
        %parallel_loop3A_795 = tpu.vector_load %arg11[%parallel_loop3A_793, %parallel_loop3A_794] {strides = array<i32>} : memref<64x256xf32, #tpu.memory_space<vmem>>, vector<16xf32>,
        tpu.vector_store %arg11[%parallel_loop3A_793, %parallel_loop3A_794], %parallel_loop3A_792 {strides = array<i32>} : memref<64x256xf32, #tpu.memory_space<vmem>>, vector<16xf32>,
        %parallel_loop3A_796 = tpu.vector_load_idx %arg7[%parallel_loop3A_743, %get3A_292] : memref<64x256xf32, #tpu.memory_space<vmem>>[vector<16xi32>, vector<16xi32>], vector<16xf32>,
        %parallel_loop3A_797 = arith.index_cast %parallel_loop3A_742 : i32 to index
        %parallel_loop3A_798 = arith.constant 208 : index
        %parallel_loop3A_799 = tpu.vector_load %arg11[%parallel_loop3A_797, %parallel_loop3A_798] {strides = array<i32>} : memref<64x256xf32, #tpu.memory_space<vmem>>, vector<16xf32>,
        tpu.vector_store %arg11[%parallel_loop3A_797, %parallel_loop3A_798], %parallel_loop3A_796 {strides = array<i32>} : memref<64x256xf32, #tpu.memory_space<vmem>>, vector<16xf32>,
        %parallel_loop3A_800 = tpu.vector_load_idx %arg7[%parallel_loop3A_743, %get3A_294] : memref<64x256xf32, #tpu.memory_space<vmem>>[vector<16xi32>, vector<16xi32>], vector<16xf32>,
        %parallel_loop3A_801 = arith.index_cast %parallel_loop3A_742 : i32 to index
        %parallel_loop3A_802 = arith.constant 224 : index
        %parallel_loop3A_803 = tpu.vector_load %arg11[%parallel_loop3A_801, %parallel_loop3A_802] {strides = array<i32>} : memref<64x256xf32, #tpu.memory_space<vmem>>, vector<16xf32>,
        tpu.vector_store %arg11[%parallel_loop3A_801, %parallel_loop3A_802], %parallel_loop3A_800 {strides = array<i32>} : memref<64x256xf32, #tpu.memory_space<vmem>>, vector<16xf32>,
        %parallel_loop3A_804 = tpu.vector_load_idx %arg7[%parallel_loop3A_743, %get3A_296] : memref<64x256xf32, #tpu.memory_space<vmem>>[vector<16xi32>, vector<16xi32>], vector<16xf32>,
        %parallel_loop3A_805 = arith.index_cast %parallel_loop3A_742 : i32 to index
        %parallel_loop3A_806 = arith.constant 240 : index
        %parallel_loop3A_807 = tpu.vector_load %arg11[%parallel_loop3A_805, %parallel_loop3A_806] {strides = array<i32>} : memref<64x256xf32, #tpu.memory_space<vmem>>, vector<16xf32>,
        tpu.vector_store %arg11[%parallel_loop3A_805, %parallel_loop3A_806], %parallel_loop3A_804 {strides = array<i32>} : memref<64x256xf32, #tpu.memory_space<vmem>>, vector<16xf32>,
      } {sc.loop_unroll_factor = 2 : i64, sc.parallel_access}
      %jit3A_300 = arith.constant 2 : i32
      %eq3A_301 = arith.constant 0 : i32
      %eq3A_302 = arith.cmpi eq, %jit3A_300, %eq3A_301 : i32
      %jit3A_303 = arith.constant 1 : i32
      %select_n3A_304 = arith.select %eq3A_302, %jit3A_303, %jit3A_300 : i32
      %rem3A_305 = arith.remsi %add3A_210, %select_n3A_304 : i32
      %ne3A_306 = arith.constant 0 : i32
      %ne3A_307 = arith.cmpi ne, %rem3A_305, %ne3A_306 : i32
      %lt3A_308 = arith.constant 0 : i32
      %lt3A_309 = arith.cmpi slt, %rem3A_305, %lt3A_308 : i32
      %lt3A_310 = arith.constant 0 : i32
      %lt3A_311 = arith.cmpi slt, %select_n3A_304, %lt3A_310 : i32
      %ne3A_312 = arith.xori %lt3A_309, %lt3A_311 : i1
      %and3A_313 = arith.andi %ne3A_312, %ne3A_307 : i1
      %add3A_314 = arith.addi %rem3A_305, %select_n3A_304 : i32
      %select_n3A_315 = arith.select %and3A_313, %add3A_314, %rem3A_305 : i32
      %jit3A_316 = arith.constant 2 : i32
      %div3A_317 = arith.divsi %add3A_210, %jit3A_316 : i32
      %sign3A_318 = arith.constant 0 : i32
      %sign3A_319 = arith.cmpi sgt, %add3A_210, %sign3A_318 : i32
      %sign3A_320 = arith.extui %sign3A_319 : i1 to i32
      %sign3A_321 = arith.constant 0 : i32
      %sign3A_322 = arith.cmpi slt, %add3A_210, %sign3A_321 : i32
      %sign3A_323 = arith.extui %sign3A_322 : i1 to i32
      %sign3A_324 = arith.subi %sign3A_320, %sign3A_323 : i32
      %sign3A_325 = arith.constant 0 : i32
      %sign3A_326 = arith.cmpi sgt, %jit3A_316, %sign3A_325 : i32
      %sign3A_327 = arith.extui %sign3A_326 : i1 to i32
      %sign3A_328 = arith.constant 0 : i32
      %sign3A_329 = arith.cmpi slt, %jit3A_316, %sign3A_328 : i32
      %sign3A_330 = arith.extui %sign3A_329 : i1 to i32
      %sign3A_331 = arith.subi %sign3A_327, %sign3A_330 : i32
      %ne3A_332 = arith.cmpi ne, %sign3A_324, %sign3A_331 : i32
      %rem3A_333 = arith.remsi %add3A_210, %jit3A_316 : i32
      %ne3A_334 = arith.constant 0 : i32
      %ne3A_335 = arith.cmpi ne, %rem3A_333, %ne3A_334 : i32
      %and3A_336 = arith.andi %ne3A_332, %ne3A_335 : i1
      %sub3A_337 = arith.constant 1 : i32
      %sub3A_338 = arith.subi %div3A_317, %sub3A_337 : i32
      %select_n3A_339 = arith.select %and3A_336, %sub3A_338, %div3A_317 : i32
      %add3A_340 = arith.addi %mul3A_2, %select_n3A_315 : i32
      %dma_start3A_341 = arith.constant 0 : i32
      %dma_start3A_342 = arith.constant 0 : i32
      %dma_start3A_343 = tpu.memref_slice %arg4[%select_n3A_339, %add3A_340, %dma_start3A_341, %dma_start3A_342] : memref<32x64x64x256xf32, #tpu.memory_space<hbm>> -> memref<1x1x64x256xf32, #tpu.memory_space<hbm>>
      %dma_start3A_344 = tpu.memref_squeeze %dma_start3A_343 : memref<1x1x64x256xf32, #tpu.memory_space<hbm>> -> memref<64x256xf32, #tpu.memory_space<hbm>>
      %dma_start3A_345 = arith.constant 0 : i32
      %dma_start3A_346 = arith.constant 0 : i32
      %dma_start3A_347 = tpu.memref_slice %arg4[%select_n3A_339, %add3A_340, %dma_start3A_345, %dma_start3A_346] : memref<32x64x64x256xf32, #tpu.memory_space<hbm>> -> memref<1x1x64x256xf32, #tpu.memory_space<hbm>>
      %dma_start3A_348 = tpu.memref_squeeze %dma_start3A_347 : memref<1x1x64x256xf32, #tpu.memory_space<hbm>> -> memref<64x256xf32, #tpu.memory_space<hbm>>
      tpu.enqueue_dma source(%arg11 : memref<64x256xf32, #tpu.memory_space<vmem>>) target(%dma_start3A_348 : memref<64x256xf32, #tpu.memory_space<hbm>>) target_semaphore(%arg17 : memref<!tpu.dma_semaphore, #tpu.memory_space<semaphore_mem>>)
      %add3A_349 = arith.constant 4 : i32
      %add3A_350 = arith.addi %add3A_210, %add3A_349 : i32
      %lt3A_351 = arith.constant 64 : i32
      %lt3A_352 = arith.cmpi slt, %add3A_350, %lt3A_351 : i32
      %convert_element_type3A_353 = arith.extui %lt3A_352 : i1 to i32
      %cond3A_354 = arith.constant 0 : i32
      %cond3A_355 = arith.cmpi ne, %convert_element_type3A_353, %cond3A_354 : i32
      scf.if %cond3A_355 {
        %add3A_742 = arith.constant 4 : i32
        %add3A_743 = arith.addi %add3A_210, %add3A_742 : i32
        %jit3A_744 = arith.constant 2 : i32
        %eq3A_745 = arith.constant 0 : i32
        %eq3A_746 = arith.cmpi eq, %jit3A_744, %eq3A_745 : i32
        %jit3A_747 = arith.constant 1 : i32
        %select_n3A_748 = arith.select %eq3A_746, %jit3A_747, %jit3A_744 : i32
        %rem3A_749 = arith.remsi %add3A_743, %select_n3A_748 : i32
        %ne3A_750 = arith.constant 0 : i32
        %ne3A_751 = arith.cmpi ne, %rem3A_749, %ne3A_750 : i32
        %lt3A_752 = arith.constant 0 : i32
        %lt3A_753 = arith.cmpi slt, %rem3A_749, %lt3A_752 : i32
        %lt3A_754 = arith.constant 0 : i32
        %lt3A_755 = arith.cmpi slt, %select_n3A_748, %lt3A_754 : i32
        %ne3A_756 = arith.xori %lt3A_753, %lt3A_755 : i1
        %and3A_757 = arith.andi %ne3A_756, %ne3A_751 : i1
        %add3A_758 = arith.addi %rem3A_749, %select_n3A_748 : i32
        %select_n3A_759 = arith.select %and3A_757, %add3A_758, %rem3A_749 : i32
        %jit3A_760 = arith.constant 2 : i32
        %div3A_761 = arith.divsi %add3A_743, %jit3A_760 : i32
        %sign3A_762 = arith.constant 0 : i32
        %sign3A_763 = arith.cmpi sgt, %add3A_743, %sign3A_762 : i32
        %sign3A_764 = arith.extui %sign3A_763 : i1 to i32
        %sign3A_765 = arith.constant 0 : i32
        %sign3A_766 = arith.cmpi slt, %add3A_743, %sign3A_765 : i32
        %sign3A_767 = arith.extui %sign3A_766 : i1 to i32
        %sign3A_768 = arith.subi %sign3A_764, %sign3A_767 : i32
        %sign3A_769 = arith.constant 0 : i32
        %sign3A_770 = arith.cmpi sgt, %jit3A_760, %sign3A_769 : i32
        %sign3A_771 = arith.extui %sign3A_770 : i1 to i32
        %sign3A_772 = arith.constant 0 : i32
        %sign3A_773 = arith.cmpi slt, %jit3A_760, %sign3A_772 : i32
        %sign3A_774 = arith.extui %sign3A_773 : i1 to i32
        %sign3A_775 = arith.subi %sign3A_771, %sign3A_774 : i32
        %ne3A_776 = arith.cmpi ne, %sign3A_768, %sign3A_775 : i32
        %rem3A_777 = arith.remsi %add3A_743, %jit3A_760 : i32
        %ne3A_778 = arith.constant 0 : i32
        %ne3A_779 = arith.cmpi ne, %rem3A_777, %ne3A_778 : i32
        %and3A_780 = arith.andi %ne3A_776, %ne3A_779 : i1
        %sub3A_781 = arith.constant 1 : i32
        %sub3A_782 = arith.subi %div3A_761, %sub3A_781 : i32
        %select_n3A_783 = arith.select %and3A_780, %sub3A_782, %div3A_761 : i32
        %add3A_784 = arith.addi %mul3A_2, %select_n3A_759 : i32
        %dma_start3A_785 = arith.constant 0 : i32
        %dma_start3A_786 = arith.constant 0 : i32
        %dma_start3A_787 = tpu.memref_slice %arg2[%select_n3A_783, %add3A_784, %dma_start3A_785, %dma_start3A_786] : memref<32x64x64x256xf32, #tpu.memory_space<hbm>> -> memref<1x1x64x256xf32, #tpu.memory_space<hbm>>
        %dma_start3A_788 = tpu.memref_squeeze %dma_start3A_787 : memref<1x1x64x256xf32, #tpu.memory_space<hbm>> -> memref<64x256xf32, #tpu.memory_space<hbm>>
        %dma_start3A_789 = arith.constant 0 : i32
        %dma_start3A_790 = arith.constant 0 : i32
        %dma_start3A_791 = tpu.memref_slice %arg2[%select_n3A_783, %add3A_784, %dma_start3A_789, %dma_start3A_790] : memref<32x64x64x256xf32, #tpu.memory_space<hbm>> -> memref<1x1x64x256xf32, #tpu.memory_space<hbm>>
        %dma_start3A_792 = tpu.memref_squeeze %dma_start3A_791 : memref<1x1x64x256xf32, #tpu.memory_space<hbm>> -> memref<64x256xf32, #tpu.memory_space<hbm>>
        tpu.enqueue_dma source(%dma_start3A_792 : memref<64x256xf32, #tpu.memory_space<hbm>>) target(%arg7 : memref<64x256xf32, #tpu.memory_space<vmem>>) target_semaphore(%arg13 : memref<!tpu.dma_semaphore, #tpu.memory_space<semaphore_mem>>)
      } else {
      }
      %add3A_356 = arith.constant 2 : i32
      %add3A_357 = arith.addi %mul3A_76, %add3A_356 : i32
      %jit3A_358 = arith.constant 2 : i32
      %eq3A_359 = arith.constant 0 : i32
      %eq3A_360 = arith.cmpi eq, %jit3A_358, %eq3A_359 : i32
      %jit3A_361 = arith.constant 1 : i32
      %select_n3A_362 = arith.select %eq3A_360, %jit3A_361, %jit3A_358 : i32
      %rem3A_363 = arith.remsi %add3A_357, %select_n3A_362 : i32
      %ne3A_364 = arith.constant 0 : i32
      %ne3A_365 = arith.cmpi ne, %rem3A_363, %ne3A_364 : i32
      %lt3A_366 = arith.constant 0 : i32
      %lt3A_367 = arith.cmpi slt, %rem3A_363, %lt3A_366 : i32
      %lt3A_368 = arith.constant 0 : i32
      %lt3A_369 = arith.cmpi slt, %select_n3A_362, %lt3A_368 : i32
      %ne3A_370 = arith.xori %lt3A_367, %lt3A_369 : i1
      %and3A_371 = arith.andi %ne3A_370, %ne3A_365 : i1
      %add3A_372 = arith.addi %rem3A_363, %select_n3A_362 : i32
      %select_n3A_373 = arith.select %and3A_371, %add3A_372, %rem3A_363 : i32
      %jit3A_374 = arith.constant 2 : i32
      %div3A_375 = arith.divsi %add3A_357, %jit3A_374 : i32
      %sign3A_376 = arith.constant 0 : i32
      %sign3A_377 = arith.cmpi sgt, %add3A_357, %sign3A_376 : i32
      %sign3A_378 = arith.extui %sign3A_377 : i1 to i32
      %sign3A_379 = arith.constant 0 : i32
      %sign3A_380 = arith.cmpi slt, %add3A_357, %sign3A_379 : i32
      %sign3A_381 = arith.extui %sign3A_380 : i1 to i32
      %sign3A_382 = arith.subi %sign3A_378, %sign3A_381 : i32
      %sign3A_383 = arith.constant 0 : i32
      %sign3A_384 = arith.cmpi sgt, %jit3A_374, %sign3A_383 : i32
      %sign3A_385 = arith.extui %sign3A_384 : i1 to i32
      %sign3A_386 = arith.constant 0 : i32
      %sign3A_387 = arith.cmpi slt, %jit3A_374, %sign3A_386 : i32
      %sign3A_388 = arith.extui %sign3A_387 : i1 to i32
      %sign3A_389 = arith.subi %sign3A_385, %sign3A_388 : i32
      %ne3A_390 = arith.cmpi ne, %sign3A_382, %sign3A_389 : i32
      %rem3A_391 = arith.remsi %add3A_357, %jit3A_374 : i32
      %ne3A_392 = arith.constant 0 : i32
      %ne3A_393 = arith.cmpi ne, %rem3A_391, %ne3A_392 : i32
      %and3A_394 = arith.andi %ne3A_390, %ne3A_393 : i1
      %sub3A_395 = arith.constant 1 : i32
      %sub3A_396 = arith.subi %div3A_375, %sub3A_395 : i32
      %select_n3A_397 = arith.select %and3A_394, %sub3A_396, %div3A_375 : i32
      %add3A_398 = arith.addi %mul3A_2, %select_n3A_373 : i32
      %dma_wait3A_399 = arith.constant 0 : i32
      %dma_wait3A_400 = arith.constant 0 : i32
      %dma_wait3A_401 = tpu.memref_slice %arg2[%select_n3A_397, %add3A_398, %dma_wait3A_399, %dma_wait3A_400] : memref<32x64x64x256xf32, #tpu.memory_space<hbm>> -> memref<1x1x64x256xf32, #tpu.memory_space<hbm>>
      %dma_wait3A_402 = tpu.memref_squeeze %dma_wait3A_401 : memref<1x1x64x256xf32, #tpu.memory_space<hbm>> -> memref<64x256xf32, #tpu.memory_space<hbm>>
      %dma_wait3A_403 = arith.constant 0 : i32
      %dma_wait3A_404 = arith.constant 0 : i32
      %dma_wait3A_405 = tpu.memref_slice %arg2[%select_n3A_397, %add3A_398, %dma_wait3A_403, %dma_wait3A_404] : memref<32x64x64x256xf32, #tpu.memory_space<hbm>> -> memref<1x1x64x256xf32, #tpu.memory_space<hbm>>
      %dma_wait3A_406 = tpu.memref_squeeze %dma_wait3A_405 : memref<1x1x64x256xf32, #tpu.memory_space<hbm>> -> memref<64x256xf32, #tpu.memory_space<hbm>>
      tpu.wait_dma2 semaphore(%arg14 : memref<!tpu.dma_semaphore, #tpu.memory_space<semaphore_mem>>) src(%dma_wait3A_406 : memref<64x256xf32, #tpu.memory_space<hbm>>) dst(%arg8 : memref<64x256xf32, #tpu.memory_space<vmem>>)
      %sub3A_407 = arith.constant 2 : i32
      %sub3A_408 = arith.subi %add3A_357, %sub3A_407 : i32
      %jit3A_409 = arith.constant 2 : i32
      %eq3A_410 = arith.constant 0 : i32
      %eq3A_411 = arith.cmpi eq, %jit3A_409, %eq3A_410 : i32
      %jit3A_412 = arith.constant 1 : i32
      %select_n3A_413 = arith.select %eq3A_411, %jit3A_412, %jit3A_409 : i32
      %rem3A_414 = arith.remsi %sub3A_408, %select_n3A_413 : i32
      %ne3A_415 = arith.constant 0 : i32
      %ne3A_416 = arith.cmpi ne, %rem3A_414, %ne3A_415 : i32
      %lt3A_417 = arith.constant 0 : i32
      %lt3A_418 = arith.cmpi slt, %rem3A_414, %lt3A_417 : i32
      %lt3A_419 = arith.constant 0 : i32
      %lt3A_420 = arith.cmpi slt, %select_n3A_413, %lt3A_419 : i32
      %ne3A_421 = arith.xori %lt3A_418, %lt3A_420 : i1
      %and3A_422 = arith.andi %ne3A_421, %ne3A_416 : i1
      %add3A_423 = arith.addi %rem3A_414, %select_n3A_413 : i32
      %select_n3A_424 = arith.select %and3A_422, %add3A_423, %rem3A_414 : i32
      %jit3A_425 = arith.constant 2 : i32
      %div3A_426 = arith.divsi %sub3A_408, %jit3A_425 : i32
      %sign3A_427 = arith.constant 0 : i32
      %sign3A_428 = arith.cmpi sgt, %sub3A_408, %sign3A_427 : i32
      %sign3A_429 = arith.extui %sign3A_428 : i1 to i32
      %sign3A_430 = arith.constant 0 : i32
      %sign3A_431 = arith.cmpi slt, %sub3A_408, %sign3A_430 : i32
      %sign3A_432 = arith.extui %sign3A_431 : i1 to i32
      %sign3A_433 = arith.subi %sign3A_429, %sign3A_432 : i32
      %sign3A_434 = arith.constant 0 : i32
      %sign3A_435 = arith.cmpi sgt, %jit3A_425, %sign3A_434 : i32
      %sign3A_436 = arith.extui %sign3A_435 : i1 to i32
      %sign3A_437 = arith.constant 0 : i32
      %sign3A_438 = arith.cmpi slt, %jit3A_425, %sign3A_437 : i32
      %sign3A_439 = arith.extui %sign3A_438 : i1 to i32
      %sign3A_440 = arith.subi %sign3A_436, %sign3A_439 : i32
      %ne3A_441 = arith.cmpi ne, %sign3A_433, %sign3A_440 : i32
      %rem3A_442 = arith.remsi %sub3A_408, %jit3A_425 : i32
      %ne3A_443 = arith.constant 0 : i32
      %ne3A_444 = arith.cmpi ne, %rem3A_442, %ne3A_443 : i32
      %and3A_445 = arith.andi %ne3A_441, %ne3A_444 : i1
      %sub3A_446 = arith.constant 1 : i32
      %sub3A_447 = arith.subi %div3A_426, %sub3A_446 : i32
      %select_n3A_448 = arith.select %and3A_445, %sub3A_447, %div3A_426 : i32
      %add3A_449 = arith.addi %mul3A_2, %select_n3A_424 : i32
      %dma_wait3A_450 = arith.constant 0 : i32
      %dma_wait3A_451 = arith.constant 0 : i32
      %dma_wait3A_452 = tpu.memref_slice %arg4[%select_n3A_448, %add3A_449, %dma_wait3A_450, %dma_wait3A_451] : memref<32x64x64x256xf32, #tpu.memory_space<hbm>> -> memref<1x1x64x256xf32, #tpu.memory_space<hbm>>
      %dma_wait3A_453 = tpu.memref_squeeze %dma_wait3A_452 : memref<1x1x64x256xf32, #tpu.memory_space<hbm>> -> memref<64x256xf32, #tpu.memory_space<hbm>>
      %dma_wait3A_454 = arith.constant 0 : i32
      %dma_wait3A_455 = arith.constant 0 : i32
      %dma_wait3A_456 = tpu.memref_slice %arg4[%select_n3A_448, %add3A_449, %dma_wait3A_454, %dma_wait3A_455] : memref<32x64x64x256xf32, #tpu.memory_space<hbm>> -> memref<1x1x64x256xf32, #tpu.memory_space<hbm>>
      %dma_wait3A_457 = tpu.memref_squeeze %dma_wait3A_456 : memref<1x1x64x256xf32, #tpu.memory_space<hbm>> -> memref<64x256xf32, #tpu.memory_space<hbm>>
      tpu.wait_dma2 semaphore(%arg16 : memref<!tpu.dma_semaphore, #tpu.memory_space<semaphore_mem>>) src(%arg10 : memref<64x256xf32, #tpu.memory_space<vmem>>) dst(%dma_wait3A_457 : memref<64x256xf32, #tpu.memory_space<hbm>>)
      %get3A_458 = arith.constant 0 : index
      %get3A_459 = tpu.vector_load %arg5[%get3A_458] {strides = array<i32>} : memref<512xi32, #tpu.memory_space<vmem>>, vector<16xi32>,
      %get3A_460 = arith.constant 16 : index
      %get3A_461 = tpu.vector_load %arg5[%get3A_460] {strides = array<i32>} : memref<512xi32, #tpu.memory_space<vmem>>, vector<16xi32>,
      %get3A_462 = arith.constant 32 : index
      %get3A_463 = tpu.vector_load %arg5[%get3A_462] {strides = array<i32>} : memref<512xi32, #tpu.memory_space<vmem>>, vector<16xi32>,
      %get3A_464 = arith.constant 48 : index
      %get3A_465 = tpu.vector_load %arg5[%get3A_464] {strides = array<i32>} : memref<512xi32, #tpu.memory_space<vmem>>, vector<16xi32>,
      %get3A_466 = arith.constant 64 : index
      %get3A_467 = tpu.vector_load %arg5[%get3A_466] {strides = array<i32>} : memref<512xi32, #tpu.memory_space<vmem>>, vector<16xi32>,
      %get3A_468 = arith.constant 80 : index
      %get3A_469 = tpu.vector_load %arg5[%get3A_468] {strides = array<i32>} : memref<512xi32, #tpu.memory_space<vmem>>, vector<16xi32>,
      %get3A_470 = arith.constant 96 : index
      %get3A_471 = tpu.vector_load %arg5[%get3A_470] {strides = array<i32>} : memref<512xi32, #tpu.memory_space<vmem>>, vector<16xi32>,
      %get3A_472 = arith.constant 112 : index
      %get3A_473 = tpu.vector_load %arg5[%get3A_472] {strides = array<i32>} : memref<512xi32, #tpu.memory_space<vmem>>, vector<16xi32>,
      %get3A_474 = arith.constant 128 : index
      %get3A_475 = tpu.vector_load %arg5[%get3A_474] {strides = array<i32>} : memref<512xi32, #tpu.memory_space<vmem>>, vector<16xi32>,
      %get3A_476 = arith.constant 144 : index
      %get3A_477 = tpu.vector_load %arg5[%get3A_476] {strides = array<i32>} : memref<512xi32, #tpu.memory_space<vmem>>, vector<16xi32>,
      %get3A_478 = arith.constant 160 : index
      %get3A_479 = tpu.vector_load %arg5[%get3A_478] {strides = array<i32>} : memref<512xi32, #tpu.memory_space<vmem>>, vector<16xi32>,
      %get3A_480 = arith.constant 176 : index
      %get3A_481 = tpu.vector_load %arg5[%get3A_480] {strides = array<i32>} : memref<512xi32, #tpu.memory_space<vmem>>, vector<16xi32>,
      %get3A_482 = arith.constant 192 : index
      %get3A_483 = tpu.vector_load %arg5[%get3A_482] {strides = array<i32>} : memref<512xi32, #tpu.memory_space<vmem>>, vector<16xi32>,
      %get3A_484 = arith.constant 208 : index
      %get3A_485 = tpu.vector_load %arg5[%get3A_484] {strides = array<i32>} : memref<512xi32, #tpu.memory_space<vmem>>, vector<16xi32>,
      %get3A_486 = arith.constant 224 : index
      %get3A_487 = tpu.vector_load %arg5[%get3A_486] {strides = array<i32>} : memref<512xi32, #tpu.memory_space<vmem>>, vector<16xi32>,
      %get3A_488 = arith.constant 240 : index
      %get3A_489 = tpu.vector_load %arg5[%get3A_488] {strides = array<i32>} : memref<512xi32, #tpu.memory_space<vmem>>, vector<16xi32>,
      %parallel_loop3A_490 = arith.constant 0 : i32
      %parallel_loop3A_491 = arith.constant 64 : i32
      %parallel_loop3A_492 = arith.constant 1 : i32
      scf.for %parallel_loop3A_742 = %parallel_loop3A_490 to %parallel_loop3A_491 step %parallel_loop3A_492  : i32 {
        %parallel_loop3A_743 = vector.broadcast %parallel_loop3A_742 : i32 to vector<16xi32>
        %parallel_loop3A_744 = tpu.vector_load_idx %arg8[%parallel_loop3A_743, %get3A_459] : memref<64x256xf32, #tpu.memory_space<vmem>>[vector<16xi32>, vector<16xi32>], vector<16xf32>,
        %parallel_loop3A_745 = arith.index_cast %parallel_loop3A_742 : i32 to index
        %parallel_loop3A_746 = arith.constant 0 : index
        %parallel_loop3A_747 = tpu.vector_load %arg10[%parallel_loop3A_745, %parallel_loop3A_746] {strides = array<i32>} : memref<64x256xf32, #tpu.memory_space<vmem>>, vector<16xf32>,
        tpu.vector_store %arg10[%parallel_loop3A_745, %parallel_loop3A_746], %parallel_loop3A_744 {strides = array<i32>} : memref<64x256xf32, #tpu.memory_space<vmem>>, vector<16xf32>,
        %parallel_loop3A_748 = tpu.vector_load_idx %arg8[%parallel_loop3A_743, %get3A_461] : memref<64x256xf32, #tpu.memory_space<vmem>>[vector<16xi32>, vector<16xi32>], vector<16xf32>,
        %parallel_loop3A_749 = arith.index_cast %parallel_loop3A_742 : i32 to index
        %parallel_loop3A_750 = arith.constant 16 : index
        %parallel_loop3A_751 = tpu.vector_load %arg10[%parallel_loop3A_749, %parallel_loop3A_750] {strides = array<i32>} : memref<64x256xf32, #tpu.memory_space<vmem>>, vector<16xf32>,
        tpu.vector_store %arg10[%parallel_loop3A_749, %parallel_loop3A_750], %parallel_loop3A_748 {strides = array<i32>} : memref<64x256xf32, #tpu.memory_space<vmem>>, vector<16xf32>,
        %parallel_loop3A_752 = tpu.vector_load_idx %arg8[%parallel_loop3A_743, %get3A_463] : memref<64x256xf32, #tpu.memory_space<vmem>>[vector<16xi32>, vector<16xi32>], vector<16xf32>,
        %parallel_loop3A_753 = arith.index_cast %parallel_loop3A_742 : i32 to index
        %parallel_loop3A_754 = arith.constant 32 : index
        %parallel_loop3A_755 = tpu.vector_load %arg10[%parallel_loop3A_753, %parallel_loop3A_754] {strides = array<i32>} : memref<64x256xf32, #tpu.memory_space<vmem>>, vector<16xf32>,
        tpu.vector_store %arg10[%parallel_loop3A_753, %parallel_loop3A_754], %parallel_loop3A_752 {strides = array<i32>} : memref<64x256xf32, #tpu.memory_space<vmem>>, vector<16xf32>,
        %parallel_loop3A_756 = tpu.vector_load_idx %arg8[%parallel_loop3A_743, %get3A_465] : memref<64x256xf32, #tpu.memory_space<vmem>>[vector<16xi32>, vector<16xi32>], vector<16xf32>,
        %parallel_loop3A_757 = arith.index_cast %parallel_loop3A_742 : i32 to index
        %parallel_loop3A_758 = arith.constant 48 : index
        %parallel_loop3A_759 = tpu.vector_load %arg10[%parallel_loop3A_757, %parallel_loop3A_758] {strides = array<i32>} : memref<64x256xf32, #tpu.memory_space<vmem>>, vector<16xf32>,
        tpu.vector_store %arg10[%parallel_loop3A_757, %parallel_loop3A_758], %parallel_loop3A_756 {strides = array<i32>} : memref<64x256xf32, #tpu.memory_space<vmem>>, vector<16xf32>,
        %parallel_loop3A_760 = tpu.vector_load_idx %arg8[%parallel_loop3A_743, %get3A_467] : memref<64x256xf32, #tpu.memory_space<vmem>>[vector<16xi32>, vector<16xi32>], vector<16xf32>,
        %parallel_loop3A_761 = arith.index_cast %parallel_loop3A_742 : i32 to index
        %parallel_loop3A_762 = arith.constant 64 : index
        %parallel_loop3A_763 = tpu.vector_load %arg10[%parallel_loop3A_761, %parallel_loop3A_762] {strides = array<i32>} : memref<64x256xf32, #tpu.memory_space<vmem>>, vector<16xf32>,
        tpu.vector_store %arg10[%parallel_loop3A_761, %parallel_loop3A_762], %parallel_loop3A_760 {strides = array<i32>} : memref<64x256xf32, #tpu.memory_space<vmem>>, vector<16xf32>,
        %parallel_loop3A_764 = tpu.vector_load_idx %arg8[%parallel_loop3A_743, %get3A_469] : memref<64x256xf32, #tpu.memory_space<vmem>>[vector<16xi32>, vector<16xi32>], vector<16xf32>,
        %parallel_loop3A_765 = arith.index_cast %parallel_loop3A_742 : i32 to index
        %parallel_loop3A_766 = arith.constant 80 : index
        %parallel_loop3A_767 = tpu.vector_load %arg10[%parallel_loop3A_765, %parallel_loop3A_766] {strides = array<i32>} : memref<64x256xf32, #tpu.memory_space<vmem>>, vector<16xf32>,
        tpu.vector_store %arg10[%parallel_loop3A_765, %parallel_loop3A_766], %parallel_loop3A_764 {strides = array<i32>} : memref<64x256xf32, #tpu.memory_space<vmem>>, vector<16xf32>,
        %parallel_loop3A_768 = tpu.vector_load_idx %arg8[%parallel_loop3A_743, %get3A_471] : memref<64x256xf32, #tpu.memory_space<vmem>>[vector<16xi32>, vector<16xi32>], vector<16xf32>,
        %parallel_loop3A_769 = arith.index_cast %parallel_loop3A_742 : i32 to index
        %parallel_loop3A_770 = arith.constant 96 : index
        %parallel_loop3A_771 = tpu.vector_load %arg10[%parallel_loop3A_769, %parallel_loop3A_770] {strides = array<i32>} : memref<64x256xf32, #tpu.memory_space<vmem>>, vector<16xf32>,
        tpu.vector_store %arg10[%parallel_loop3A_769, %parallel_loop3A_770], %parallel_loop3A_768 {strides = array<i32>} : memref<64x256xf32, #tpu.memory_space<vmem>>, vector<16xf32>,
        %parallel_loop3A_772 = tpu.vector_load_idx %arg8[%parallel_loop3A_743, %get3A_473] : memref<64x256xf32, #tpu.memory_space<vmem>>[vector<16xi32>, vector<16xi32>], vector<16xf32>,
        %parallel_loop3A_773 = arith.index_cast %parallel_loop3A_742 : i32 to index
        %parallel_loop3A_774 = arith.constant 112 : index
        %parallel_loop3A_775 = tpu.vector_load %arg10[%parallel_loop3A_773, %parallel_loop3A_774] {strides = array<i32>} : memref<64x256xf32, #tpu.memory_space<vmem>>, vector<16xf32>,
        tpu.vector_store %arg10[%parallel_loop3A_773, %parallel_loop3A_774], %parallel_loop3A_772 {strides = array<i32>} : memref<64x256xf32, #tpu.memory_space<vmem>>, vector<16xf32>,
        %parallel_loop3A_776 = tpu.vector_load_idx %arg8[%parallel_loop3A_743, %get3A_475] : memref<64x256xf32, #tpu.memory_space<vmem>>[vector<16xi32>, vector<16xi32>], vector<16xf32>,
        %parallel_loop3A_777 = arith.index_cast %parallel_loop3A_742 : i32 to index
        %parallel_loop3A_778 = arith.constant 128 : index
        %parallel_loop3A_779 = tpu.vector_load %arg10[%parallel_loop3A_777, %parallel_loop3A_778] {strides = array<i32>} : memref<64x256xf32, #tpu.memory_space<vmem>>, vector<16xf32>,
        tpu.vector_store %arg10[%parallel_loop3A_777, %parallel_loop3A_778], %parallel_loop3A_776 {strides = array<i32>} : memref<64x256xf32, #tpu.memory_space<vmem>>, vector<16xf32>,
        %parallel_loop3A_780 = tpu.vector_load_idx %arg8[%parallel_loop3A_743, %get3A_477] : memref<64x256xf32, #tpu.memory_space<vmem>>[vector<16xi32>, vector<16xi32>], vector<16xf32>,
        %parallel_loop3A_781 = arith.index_cast %parallel_loop3A_742 : i32 to index
        %parallel_loop3A_782 = arith.constant 144 : index
        %parallel_loop3A_783 = tpu.vector_load %arg10[%parallel_loop3A_781, %parallel_loop3A_782] {strides = array<i32>} : memref<64x256xf32, #tpu.memory_space<vmem>>, vector<16xf32>,
        tpu.vector_store %arg10[%parallel_loop3A_781, %parallel_loop3A_782], %parallel_loop3A_780 {strides = array<i32>} : memref<64x256xf32, #tpu.memory_space<vmem>>, vector<16xf32>,
        %parallel_loop3A_784 = tpu.vector_load_idx %arg8[%parallel_loop3A_743, %get3A_479] : memref<64x256xf32, #tpu.memory_space<vmem>>[vector<16xi32>, vector<16xi32>], vector<16xf32>,
        %parallel_loop3A_785 = arith.index_cast %parallel_loop3A_742 : i32 to index
        %parallel_loop3A_786 = arith.constant 160 : index
        %parallel_loop3A_787 = tpu.vector_load %arg10[%parallel_loop3A_785, %parallel_loop3A_786] {strides = array<i32>} : memref<64x256xf32, #tpu.memory_space<vmem>>, vector<16xf32>,
        tpu.vector_store %arg10[%parallel_loop3A_785, %parallel_loop3A_786], %parallel_loop3A_784 {strides = array<i32>} : memref<64x256xf32, #tpu.memory_space<vmem>>, vector<16xf32>,
        %parallel_loop3A_788 = tpu.vector_load_idx %arg8[%parallel_loop3A_743, %get3A_481] : memref<64x256xf32, #tpu.memory_space<vmem>>[vector<16xi32>, vector<16xi32>], vector<16xf32>,
        %parallel_loop3A_789 = arith.index_cast %parallel_loop3A_742 : i32 to index
        %parallel_loop3A_790 = arith.constant 176 : index
        %parallel_loop3A_791 = tpu.vector_load %arg10[%parallel_loop3A_789, %parallel_loop3A_790] {strides = array<i32>} : memref<64x256xf32, #tpu.memory_space<vmem>>, vector<16xf32>,
        tpu.vector_store %arg10[%parallel_loop3A_789, %parallel_loop3A_790], %parallel_loop3A_788 {strides = array<i32>} : memref<64x256xf32, #tpu.memory_space<vmem>>, vector<16xf32>,
        %parallel_loop3A_792 = tpu.vector_load_idx %arg8[%parallel_loop3A_743, %get3A_483] : memref<64x256xf32, #tpu.memory_space<vmem>>[vector<16xi32>, vector<16xi32>], vector<16xf32>,
        %parallel_loop3A_793 = arith.index_cast %parallel_loop3A_742 : i32 to index
        %parallel_loop3A_794 = arith.constant 192 : index
        %parallel_loop3A_795 = tpu.vector_load %arg10[%parallel_loop3A_793, %parallel_loop3A_794] {strides = array<i32>} : memref<64x256xf32, #tpu.memory_space<vmem>>, vector<16xf32>,
        tpu.vector_store %arg10[%parallel_loop3A_793, %parallel_loop3A_794], %parallel_loop3A_792 {strides = array<i32>} : memref<64x256xf32, #tpu.memory_space<vmem>>, vector<16xf32>,
        %parallel_loop3A_796 = tpu.vector_load_idx %arg8[%parallel_loop3A_743, %get3A_485] : memref<64x256xf32, #tpu.memory_space<vmem>>[vector<16xi32>, vector<16xi32>], vector<16xf32>,
        %parallel_loop3A_797 = arith.index_cast %parallel_loop3A_742 : i32 to index
        %parallel_loop3A_798 = arith.constant 208 : index
        %parallel_loop3A_799 = tpu.vector_load %arg10[%parallel_loop3A_797, %parallel_loop3A_798] {strides = array<i32>} : memref<64x256xf32, #tpu.memory_space<vmem>>, vector<16xf32>,
        tpu.vector_store %arg10[%parallel_loop3A_797, %parallel_loop3A_798], %parallel_loop3A_796 {strides = array<i32>} : memref<64x256xf32, #tpu.memory_space<vmem>>, vector<16xf32>,
        %parallel_loop3A_800 = tpu.vector_load_idx %arg8[%parallel_loop3A_743, %get3A_487] : memref<64x256xf32, #tpu.memory_space<vmem>>[vector<16xi32>, vector<16xi32>], vector<16xf32>,
        %parallel_loop3A_801 = arith.index_cast %parallel_loop3A_742 : i32 to index
        %parallel_loop3A_802 = arith.constant 224 : index
        %parallel_loop3A_803 = tpu.vector_load %arg10[%parallel_loop3A_801, %parallel_loop3A_802] {strides = array<i32>} : memref<64x256xf32, #tpu.memory_space<vmem>>, vector<16xf32>,
        tpu.vector_store %arg10[%parallel_loop3A_801, %parallel_loop3A_802], %parallel_loop3A_800 {strides = array<i32>} : memref<64x256xf32, #tpu.memory_space<vmem>>, vector<16xf32>,
        %parallel_loop3A_804 = tpu.vector_load_idx %arg8[%parallel_loop3A_743, %get3A_489] : memref<64x256xf32, #tpu.memory_space<vmem>>[vector<16xi32>, vector<16xi32>], vector<16xf32>,
        %parallel_loop3A_805 = arith.index_cast %parallel_loop3A_742 : i32 to index
        %parallel_loop3A_806 = arith.constant 240 : index
        %parallel_loop3A_807 = tpu.vector_load %arg10[%parallel_loop3A_805, %parallel_loop3A_806] {strides = array<i32>} : memref<64x256xf32, #tpu.memory_space<vmem>>, vector<16xf32>,
        tpu.vector_store %arg10[%parallel_loop3A_805, %parallel_loop3A_806], %parallel_loop3A_804 {strides = array<i32>} : memref<64x256xf32, #tpu.memory_space<vmem>>, vector<16xf32>,
      } {sc.loop_unroll_factor = 2 : i64, sc.parallel_access}
      %jit3A_493 = arith.constant 2 : i32
      %eq3A_494 = arith.constant 0 : i32
      %eq3A_495 = arith.cmpi eq, %jit3A_493, %eq3A_494 : i32
      %jit3A_496 = arith.constant 1 : i32
      %select_n3A_497 = arith.select %eq3A_495, %jit3A_496, %jit3A_493 : i32
      %rem3A_498 = arith.remsi %add3A_357, %select_n3A_497 : i32
      %ne3A_499 = arith.constant 0 : i32
      %ne3A_500 = arith.cmpi ne, %rem3A_498, %ne3A_499 : i32
      %lt3A_501 = arith.constant 0 : i32
      %lt3A_502 = arith.cmpi slt, %rem3A_498, %lt3A_501 : i32
      %lt3A_503 = arith.constant 0 : i32
      %lt3A_504 = arith.cmpi slt, %select_n3A_497, %lt3A_503 : i32
      %ne3A_505 = arith.xori %lt3A_502, %lt3A_504 : i1
      %and3A_506 = arith.andi %ne3A_505, %ne3A_500 : i1
      %add3A_507 = arith.addi %rem3A_498, %select_n3A_497 : i32
      %select_n3A_508 = arith.select %and3A_506, %add3A_507, %rem3A_498 : i32
      %jit3A_509 = arith.constant 2 : i32
      %div3A_510 = arith.divsi %add3A_357, %jit3A_509 : i32
      %sign3A_511 = arith.constant 0 : i32
      %sign3A_512 = arith.cmpi sgt, %add3A_357, %sign3A_511 : i32
      %sign3A_513 = arith.extui %sign3A_512 : i1 to i32
      %sign3A_514 = arith.constant 0 : i32
      %sign3A_515 = arith.cmpi slt, %add3A_357, %sign3A_514 : i32
      %sign3A_516 = arith.extui %sign3A_515 : i1 to i32
      %sign3A_517 = arith.subi %sign3A_513, %sign3A_516 : i32
      %sign3A_518 = arith.constant 0 : i32
      %sign3A_519 = arith.cmpi sgt, %jit3A_509, %sign3A_518 : i32
      %sign3A_520 = arith.extui %sign3A_519 : i1 to i32
      %sign3A_521 = arith.constant 0 : i32
      %sign3A_522 = arith.cmpi slt, %jit3A_509, %sign3A_521 : i32
      %sign3A_523 = arith.extui %sign3A_522 : i1 to i32
      %sign3A_524 = arith.subi %sign3A_520, %sign3A_523 : i32
      %ne3A_525 = arith.cmpi ne, %sign3A_517, %sign3A_524 : i32
      %rem3A_526 = arith.remsi %add3A_357, %jit3A_509 : i32
      %ne3A_527 = arith.constant 0 : i32
      %ne3A_528 = arith.cmpi ne, %rem3A_526, %ne3A_527 : i32
      %and3A_529 = arith.andi %ne3A_525, %ne3A_528 : i1
      %sub3A_530 = arith.constant 1 : i32
      %sub3A_531 = arith.subi %div3A_510, %sub3A_530 : i32
      %select_n3A_532 = arith.select %and3A_529, %sub3A_531, %div3A_510 : i32
      %add3A_533 = arith.addi %mul3A_2, %select_n3A_508 : i32
      %dma_start3A_534 = arith.constant 0 : i32
      %dma_start3A_535 = arith.constant 0 : i32
      %dma_start3A_536 = tpu.memref_slice %arg4[%select_n3A_532, %add3A_533, %dma_start3A_534, %dma_start3A_535] : memref<32x64x64x256xf32, #tpu.memory_space<hbm>> -> memref<1x1x64x256xf32, #tpu.memory_space<hbm>>
      %dma_start3A_537 = tpu.memref_squeeze %dma_start3A_536 : memref<1x1x64x256xf32, #tpu.memory_space<hbm>> -> memref<64x256xf32, #tpu.memory_space<hbm>>
      %dma_start3A_538 = arith.constant 0 : i32
      %dma_start3A_539 = arith.constant 0 : i32
      %dma_start3A_540 = tpu.memref_slice %arg4[%select_n3A_532, %add3A_533, %dma_start3A_538, %dma_start3A_539] : memref<32x64x64x256xf32, #tpu.memory_space<hbm>> -> memref<1x1x64x256xf32, #tpu.memory_space<hbm>>
      %dma_start3A_541 = tpu.memref_squeeze %dma_start3A_540 : memref<1x1x64x256xf32, #tpu.memory_space<hbm>> -> memref<64x256xf32, #tpu.memory_space<hbm>>
      tpu.enqueue_dma source(%arg10 : memref<64x256xf32, #tpu.memory_space<vmem>>) target(%dma_start3A_541 : memref<64x256xf32, #tpu.memory_space<hbm>>) target_semaphore(%arg16 : memref<!tpu.dma_semaphore, #tpu.memory_space<semaphore_mem>>)
      %add3A_542 = arith.constant 4 : i32
      %add3A_543 = arith.addi %add3A_357, %add3A_542 : i32
      %lt3A_544 = arith.constant 64 : i32
      %lt3A_545 = arith.cmpi slt, %add3A_543, %lt3A_544 : i32
      %convert_element_type3A_546 = arith.extui %lt3A_545 : i1 to i32
      %cond3A_547 = arith.constant 0 : i32
      %cond3A_548 = arith.cmpi ne, %convert_element_type3A_546, %cond3A_547 : i32
      scf.if %cond3A_548 {
        %add3A_742 = arith.constant 4 : i32
        %add3A_743 = arith.addi %add3A_357, %add3A_742 : i32
        %jit3A_744 = arith.constant 2 : i32
        %eq3A_745 = arith.constant 0 : i32
        %eq3A_746 = arith.cmpi eq, %jit3A_744, %eq3A_745 : i32
        %jit3A_747 = arith.constant 1 : i32
        %select_n3A_748 = arith.select %eq3A_746, %jit3A_747, %jit3A_744 : i32
        %rem3A_749 = arith.remsi %add3A_743, %select_n3A_748 : i32
        %ne3A_750 = arith.constant 0 : i32
        %ne3A_751 = arith.cmpi ne, %rem3A_749, %ne3A_750 : i32
        %lt3A_752 = arith.constant 0 : i32
        %lt3A_753 = arith.cmpi slt, %rem3A_749, %lt3A_752 : i32
        %lt3A_754 = arith.constant 0 : i32
        %lt3A_755 = arith.cmpi slt, %select_n3A_748, %lt3A_754 : i32
        %ne3A_756 = arith.xori %lt3A_753, %lt3A_755 : i1
        %and3A_757 = arith.andi %ne3A_756, %ne3A_751 : i1
        %add3A_758 = arith.addi %rem3A_749, %select_n3A_748 : i32
        %select_n3A_759 = arith.select %and3A_757, %add3A_758, %rem3A_749 : i32
        %jit3A_760 = arith.constant 2 : i32
        %div3A_761 = arith.divsi %add3A_743, %jit3A_760 : i32
        %sign3A_762 = arith.constant 0 : i32
        %sign3A_763 = arith.cmpi sgt, %add3A_743, %sign3A_762 : i32
        %sign3A_764 = arith.extui %sign3A_763 : i1 to i32
        %sign3A_765 = arith.constant 0 : i32
        %sign3A_766 = arith.cmpi slt, %add3A_743, %sign3A_765 : i32
        %sign3A_767 = arith.extui %sign3A_766 : i1 to i32
        %sign3A_768 = arith.subi %sign3A_764, %sign3A_767 : i32
        %sign3A_769 = arith.constant 0 : i32
        %sign3A_770 = arith.cmpi sgt, %jit3A_760, %sign3A_769 : i32
        %sign3A_771 = arith.extui %sign3A_770 : i1 to i32
        %sign3A_772 = arith.constant 0 : i32
        %sign3A_773 = arith.cmpi slt, %jit3A_760, %sign3A_772 : i32
        %sign3A_774 = arith.extui %sign3A_773 : i1 to i32
        %sign3A_775 = arith.subi %sign3A_771, %sign3A_774 : i32
        %ne3A_776 = arith.cmpi ne, %sign3A_768, %sign3A_775 : i32
        %rem3A_777 = arith.remsi %add3A_743, %jit3A_760 : i32
        %ne3A_778 = arith.constant 0 : i32
        %ne3A_779 = arith.cmpi ne, %rem3A_777, %ne3A_778 : i32
        %and3A_780 = arith.andi %ne3A_776, %ne3A_779 : i1
        %sub3A_781 = arith.constant 1 : i32
        %sub3A_782 = arith.subi %div3A_761, %sub3A_781 : i32
        %select_n3A_783 = arith.select %and3A_780, %sub3A_782, %div3A_761 : i32
        %add3A_784 = arith.addi %mul3A_2, %select_n3A_759 : i32
        %dma_start3A_785 = arith.constant 0 : i32
        %dma_start3A_786 = arith.constant 0 : i32
        %dma_start3A_787 = tpu.memref_slice %arg2[%select_n3A_783, %add3A_784, %dma_start3A_785, %dma_start3A_786] : memref<32x64x64x256xf32, #tpu.memory_space<hbm>> -> memref<1x1x64x256xf32, #tpu.memory_space<hbm>>
        %dma_start3A_788 = tpu.memref_squeeze %dma_start3A_787 : memref<1x1x64x256xf32, #tpu.memory_space<hbm>> -> memref<64x256xf32, #tpu.memory_space<hbm>>
        %dma_start3A_789 = arith.constant 0 : i32
        %dma_start3A_790 = arith.constant 0 : i32
        %dma_start3A_791 = tpu.memref_slice %arg2[%select_n3A_783, %add3A_784, %dma_start3A_789, %dma_start3A_790] : memref<32x64x64x256xf32, #tpu.memory_space<hbm>> -> memref<1x1x64x256xf32, #tpu.memory_space<hbm>>
        %dma_start3A_792 = tpu.memref_squeeze %dma_start3A_791 : memref<1x1x64x256xf32, #tpu.memory_space<hbm>> -> memref<64x256xf32, #tpu.memory_space<hbm>>
        tpu.enqueue_dma source(%dma_start3A_792 : memref<64x256xf32, #tpu.memory_space<hbm>>) target(%arg8 : memref<64x256xf32, #tpu.memory_space<vmem>>) target_semaphore(%arg14 : memref<!tpu.dma_semaphore, #tpu.memory_space<semaphore_mem>>)
      } else {
      }
      %add3A_549 = arith.constant 3 : i32
      %add3A_550 = arith.addi %mul3A_76, %add3A_549 : i32
      %jit3A_551 = arith.constant 2 : i32
      %eq3A_552 = arith.constant 0 : i32
      %eq3A_553 = arith.cmpi eq, %jit3A_551, %eq3A_552 : i32
      %jit3A_554 = arith.constant 1 : i32
      %select_n3A_555 = arith.select %eq3A_553, %jit3A_554, %jit3A_551 : i32
      %rem3A_556 = arith.remsi %add3A_550, %select_n3A_555 : i32
      %ne3A_557 = arith.constant 0 : i32
      %ne3A_558 = arith.cmpi ne, %rem3A_556, %ne3A_557 : i32
      %lt3A_559 = arith.constant 0 : i32
      %lt3A_560 = arith.cmpi slt, %rem3A_556, %lt3A_559 : i32
      %lt3A_561 = arith.constant 0 : i32
      %lt3A_562 = arith.cmpi slt, %select_n3A_555, %lt3A_561 : i32
      %ne3A_563 = arith.xori %lt3A_560, %lt3A_562 : i1
      %and3A_564 = arith.andi %ne3A_563, %ne3A_558 : i1
      %add3A_565 = arith.addi %rem3A_556, %select_n3A_555 : i32
      %select_n3A_566 = arith.select %and3A_564, %add3A_565, %rem3A_556 : i32
      %jit3A_567 = arith.constant 2 : i32
      %div3A_568 = arith.divsi %add3A_550, %jit3A_567 : i32
      %sign3A_569 = arith.constant 0 : i32
      %sign3A_570 = arith.cmpi sgt, %add3A_550, %sign3A_569 : i32
      %sign3A_571 = arith.extui %sign3A_570 : i1 to i32
      %sign3A_572 = arith.constant 0 : i32
      %sign3A_573 = arith.cmpi slt, %add3A_550, %sign3A_572 : i32
      %sign3A_574 = arith.extui %sign3A_573 : i1 to i32
      %sign3A_575 = arith.subi %sign3A_571, %sign3A_574 : i32
      %sign3A_576 = arith.constant 0 : i32
      %sign3A_577 = arith.cmpi sgt, %jit3A_567, %sign3A_576 : i32
      %sign3A_578 = arith.extui %sign3A_577 : i1 to i32
      %sign3A_579 = arith.constant 0 : i32
      %sign3A_580 = arith.cmpi slt, %jit3A_567, %sign3A_579 : i32
      %sign3A_581 = arith.extui %sign3A_580 : i1 to i32
      %sign3A_582 = arith.subi %sign3A_578, %sign3A_581 : i32
      %ne3A_583 = arith.cmpi ne, %sign3A_575, %sign3A_582 : i32
      %rem3A_584 = arith.remsi %add3A_550, %jit3A_567 : i32
      %ne3A_585 = arith.constant 0 : i32
      %ne3A_586 = arith.cmpi ne, %rem3A_584, %ne3A_585 : i32
      %and3A_587 = arith.andi %ne3A_583, %ne3A_586 : i1
      %sub3A_588 = arith.constant 1 : i32
      %sub3A_589 = arith.subi %div3A_568, %sub3A_588 : i32
      %select_n3A_590 = arith.select %and3A_587, %sub3A_589, %div3A_568 : i32
      %add3A_591 = arith.addi %mul3A_2, %select_n3A_566 : i32
      %dma_wait3A_592 = arith.constant 0 : i32
      %dma_wait3A_593 = arith.constant 0 : i32
      %dma_wait3A_594 = tpu.memref_slice %arg2[%select_n3A_590, %add3A_591, %dma_wait3A_592, %dma_wait3A_593] : memref<32x64x64x256xf32, #tpu.memory_space<hbm>> -> memref<1x1x64x256xf32, #tpu.memory_space<hbm>>
      %dma_wait3A_595 = tpu.memref_squeeze %dma_wait3A_594 : memref<1x1x64x256xf32, #tpu.memory_space<hbm>> -> memref<64x256xf32, #tpu.memory_space<hbm>>
      %dma_wait3A_596 = arith.constant 0 : i32
      %dma_wait3A_597 = arith.constant 0 : i32
      %dma_wait3A_598 = tpu.memref_slice %arg2[%select_n3A_590, %add3A_591, %dma_wait3A_596, %dma_wait3A_597] : memref<32x64x64x256xf32, #tpu.memory_space<hbm>> -> memref<1x1x64x256xf32, #tpu.memory_space<hbm>>
      %dma_wait3A_599 = tpu.memref_squeeze %dma_wait3A_598 : memref<1x1x64x256xf32, #tpu.memory_space<hbm>> -> memref<64x256xf32, #tpu.memory_space<hbm>>
      tpu.wait_dma2 semaphore(%arg15 : memref<!tpu.dma_semaphore, #tpu.memory_space<semaphore_mem>>) src(%dma_wait3A_599 : memref<64x256xf32, #tpu.memory_space<hbm>>) dst(%arg9 : memref<64x256xf32, #tpu.memory_space<vmem>>)
      %sub3A_600 = arith.constant 2 : i32
      %sub3A_601 = arith.subi %add3A_550, %sub3A_600 : i32
      %jit3A_602 = arith.constant 2 : i32
      %eq3A_603 = arith.constant 0 : i32
      %eq3A_604 = arith.cmpi eq, %jit3A_602, %eq3A_603 : i32
      %jit3A_605 = arith.constant 1 : i32
      %select_n3A_606 = arith.select %eq3A_604, %jit3A_605, %jit3A_602 : i32
      %rem3A_607 = arith.remsi %sub3A_601, %select_n3A_606 : i32
      %ne3A_608 = arith.constant 0 : i32
      %ne3A_609 = arith.cmpi ne, %rem3A_607, %ne3A_608 : i32
      %lt3A_610 = arith.constant 0 : i32
      %lt3A_611 = arith.cmpi slt, %rem3A_607, %lt3A_610 : i32
      %lt3A_612 = arith.constant 0 : i32
      %lt3A_613 = arith.cmpi slt, %select_n3A_606, %lt3A_612 : i32
      %ne3A_614 = arith.xori %lt3A_611, %lt3A_613 : i1
      %and3A_615 = arith.andi %ne3A_614, %ne3A_609 : i1
      %add3A_616 = arith.addi %rem3A_607, %select_n3A_606 : i32
      %select_n3A_617 = arith.select %and3A_615, %add3A_616, %rem3A_607 : i32
      %jit3A_618 = arith.constant 2 : i32
      %div3A_619 = arith.divsi %sub3A_601, %jit3A_618 : i32
      %sign3A_620 = arith.constant 0 : i32
      %sign3A_621 = arith.cmpi sgt, %sub3A_601, %sign3A_620 : i32
      %sign3A_622 = arith.extui %sign3A_621 : i1 to i32
      %sign3A_623 = arith.constant 0 : i32
      %sign3A_624 = arith.cmpi slt, %sub3A_601, %sign3A_623 : i32
      %sign3A_625 = arith.extui %sign3A_624 : i1 to i32
      %sign3A_626 = arith.subi %sign3A_622, %sign3A_625 : i32
      %sign3A_627 = arith.constant 0 : i32
      %sign3A_628 = arith.cmpi sgt, %jit3A_618, %sign3A_627 : i32
      %sign3A_629 = arith.extui %sign3A_628 : i1 to i32
      %sign3A_630 = arith.constant 0 : i32
      %sign3A_631 = arith.cmpi slt, %jit3A_618, %sign3A_630 : i32
      %sign3A_632 = arith.extui %sign3A_631 : i1 to i32
      %sign3A_633 = arith.subi %sign3A_629, %sign3A_632 : i32
      %ne3A_634 = arith.cmpi ne, %sign3A_626, %sign3A_633 : i32
      %rem3A_635 = arith.remsi %sub3A_601, %jit3A_618 : i32
      %ne3A_636 = arith.constant 0 : i32
      %ne3A_637 = arith.cmpi ne, %rem3A_635, %ne3A_636 : i32
      %and3A_638 = arith.andi %ne3A_634, %ne3A_637 : i1
      %sub3A_639 = arith.constant 1 : i32
      %sub3A_640 = arith.subi %div3A_619, %sub3A_639 : i32
      %select_n3A_641 = arith.select %and3A_638, %sub3A_640, %div3A_619 : i32
      %add3A_642 = arith.addi %mul3A_2, %select_n3A_617 : i32
      %dma_wait3A_643 = arith.constant 0 : i32
      %dma_wait3A_644 = arith.constant 0 : i32
      %dma_wait3A_645 = tpu.memref_slice %arg4[%select_n3A_641, %add3A_642, %dma_wait3A_643, %dma_wait3A_644] : memref<32x64x64x256xf32, #tpu.memory_space<hbm>> -> memref<1x1x64x256xf32, #tpu.memory_space<hbm>>
      %dma_wait3A_646 = tpu.memref_squeeze %dma_wait3A_645 : memref<1x1x64x256xf32, #tpu.memory_space<hbm>> -> memref<64x256xf32, #tpu.memory_space<hbm>>
      %dma_wait3A_647 = arith.constant 0 : i32
      %dma_wait3A_648 = arith.constant 0 : i32
      %dma_wait3A_649 = tpu.memref_slice %arg4[%select_n3A_641, %add3A_642, %dma_wait3A_647, %dma_wait3A_648] : memref<32x64x64x256xf32, #tpu.memory_space<hbm>> -> memref<1x1x64x256xf32, #tpu.memory_space<hbm>>
      %dma_wait3A_650 = tpu.memref_squeeze %dma_wait3A_649 : memref<1x1x64x256xf32, #tpu.memory_space<hbm>> -> memref<64x256xf32, #tpu.memory_space<hbm>>
      tpu.wait_dma2 semaphore(%arg17 : memref<!tpu.dma_semaphore, #tpu.memory_space<semaphore_mem>>) src(%arg11 : memref<64x256xf32, #tpu.memory_space<vmem>>) dst(%dma_wait3A_650 : memref<64x256xf32, #tpu.memory_space<hbm>>)
      %get3A_651 = arith.constant 256 : index
      %get3A_652 = tpu.vector_load %arg5[%get3A_651] {strides = array<i32>} : memref<512xi32, #tpu.memory_space<vmem>>, vector<16xi32>,
      %get3A_653 = arith.constant 272 : index
      %get3A_654 = tpu.vector_load %arg5[%get3A_653] {strides = array<i32>} : memref<512xi32, #tpu.memory_space<vmem>>, vector<16xi32>,
      %get3A_655 = arith.constant 288 : index
      %get3A_656 = tpu.vector_load %arg5[%get3A_655] {strides = array<i32>} : memref<512xi32, #tpu.memory_space<vmem>>, vector<16xi32>,
      %get3A_657 = arith.constant 304 : index
      %get3A_658 = tpu.vector_load %arg5[%get3A_657] {strides = array<i32>} : memref<512xi32, #tpu.memory_space<vmem>>, vector<16xi32>,
      %get3A_659 = arith.constant 320 : index
      %get3A_660 = tpu.vector_load %arg5[%get3A_659] {strides = array<i32>} : memref<512xi32, #tpu.memory_space<vmem>>, vector<16xi32>,
      %get3A_661 = arith.constant 336 : index
      %get3A_662 = tpu.vector_load %arg5[%get3A_661] {strides = array<i32>} : memref<512xi32, #tpu.memory_space<vmem>>, vector<16xi32>,
      %get3A_663 = arith.constant 352 : index
      %get3A_664 = tpu.vector_load %arg5[%get3A_663] {strides = array<i32>} : memref<512xi32, #tpu.memory_space<vmem>>, vector<16xi32>,
      %get3A_665 = arith.constant 368 : index
      %get3A_666 = tpu.vector_load %arg5[%get3A_665] {strides = array<i32>} : memref<512xi32, #tpu.memory_space<vmem>>, vector<16xi32>,
      %get3A_667 = arith.constant 384 : index
      %get3A_668 = tpu.vector_load %arg5[%get3A_667] {strides = array<i32>} : memref<512xi32, #tpu.memory_space<vmem>>, vector<16xi32>,
      %get3A_669 = arith.constant 400 : index
      %get3A_670 = tpu.vector_load %arg5[%get3A_669] {strides = array<i32>} : memref<512xi32, #tpu.memory_space<vmem>>, vector<16xi32>,
      %get3A_671 = arith.constant 416 : index
      %get3A_672 = tpu.vector_load %arg5[%get3A_671] {strides = array<i32>} : memref<512xi32, #tpu.memory_space<vmem>>, vector<16xi32>,
      %get3A_673 = arith.constant 432 : index
      %get3A_674 = tpu.vector_load %arg5[%get3A_673] {strides = array<i32>} : memref<512xi32, #tpu.memory_space<vmem>>, vector<16xi32>,
      %get3A_675 = arith.constant 448 : index
      %get3A_676 = tpu.vector_load %arg5[%get3A_675] {strides = array<i32>} : memref<512xi32, #tpu.memory_space<vmem>>, vector<16xi32>,
      %get3A_677 = arith.constant 464 : index
      %get3A_678 = tpu.vector_load %arg5[%get3A_677] {strides = array<i32>} : memref<512xi32, #tpu.memory_space<vmem>>, vector<16xi32>,
      %get3A_679 = arith.constant 480 : index
      %get3A_680 = tpu.vector_load %arg5[%get3A_679] {strides = array<i32>} : memref<512xi32, #tpu.memory_space<vmem>>, vector<16xi32>,
      %get3A_681 = arith.constant 496 : index
      %get3A_682 = tpu.vector_load %arg5[%get3A_681] {strides = array<i32>} : memref<512xi32, #tpu.memory_space<vmem>>, vector<16xi32>,
      %parallel_loop3A_683 = arith.constant 0 : i32
      %parallel_loop3A_684 = arith.constant 64 : i32
      %parallel_loop3A_685 = arith.constant 1 : i32
      scf.for %parallel_loop3A_742 = %parallel_loop3A_683 to %parallel_loop3A_684 step %parallel_loop3A_685  : i32 {
        %parallel_loop3A_743 = vector.broadcast %parallel_loop3A_742 : i32 to vector<16xi32>
        %parallel_loop3A_744 = tpu.vector_load_idx %arg9[%parallel_loop3A_743, %get3A_652] : memref<64x256xf32, #tpu.memory_space<vmem>>[vector<16xi32>, vector<16xi32>], vector<16xf32>,
        %parallel_loop3A_745 = arith.index_cast %parallel_loop3A_742 : i32 to index
        %parallel_loop3A_746 = arith.constant 0 : index
        %parallel_loop3A_747 = tpu.vector_load %arg11[%parallel_loop3A_745, %parallel_loop3A_746] {strides = array<i32>} : memref<64x256xf32, #tpu.memory_space<vmem>>, vector<16xf32>,
        tpu.vector_store %arg11[%parallel_loop3A_745, %parallel_loop3A_746], %parallel_loop3A_744 {strides = array<i32>} : memref<64x256xf32, #tpu.memory_space<vmem>>, vector<16xf32>,
        %parallel_loop3A_748 = tpu.vector_load_idx %arg9[%parallel_loop3A_743, %get3A_654] : memref<64x256xf32, #tpu.memory_space<vmem>>[vector<16xi32>, vector<16xi32>], vector<16xf32>,
        %parallel_loop3A_749 = arith.index_cast %parallel_loop3A_742 : i32 to index
        %parallel_loop3A_750 = arith.constant 16 : index
        %parallel_loop3A_751 = tpu.vector_load %arg11[%parallel_loop3A_749, %parallel_loop3A_750] {strides = array<i32>} : memref<64x256xf32, #tpu.memory_space<vmem>>, vector<16xf32>,
        tpu.vector_store %arg11[%parallel_loop3A_749, %parallel_loop3A_750], %parallel_loop3A_748 {strides = array<i32>} : memref<64x256xf32, #tpu.memory_space<vmem>>, vector<16xf32>,
        %parallel_loop3A_752 = tpu.vector_load_idx %arg9[%parallel_loop3A_743, %get3A_656] : memref<64x256xf32, #tpu.memory_space<vmem>>[vector<16xi32>, vector<16xi32>], vector<16xf32>,
        %parallel_loop3A_753 = arith.index_cast %parallel_loop3A_742 : i32 to index
        %parallel_loop3A_754 = arith.constant 32 : index
        %parallel_loop3A_755 = tpu.vector_load %arg11[%parallel_loop3A_753, %parallel_loop3A_754] {strides = array<i32>} : memref<64x256xf32, #tpu.memory_space<vmem>>, vector<16xf32>,
        tpu.vector_store %arg11[%parallel_loop3A_753, %parallel_loop3A_754], %parallel_loop3A_752 {strides = array<i32>} : memref<64x256xf32, #tpu.memory_space<vmem>>, vector<16xf32>,
        %parallel_loop3A_756 = tpu.vector_load_idx %arg9[%parallel_loop3A_743, %get3A_658] : memref<64x256xf32, #tpu.memory_space<vmem>>[vector<16xi32>, vector<16xi32>], vector<16xf32>,
        %parallel_loop3A_757 = arith.index_cast %parallel_loop3A_742 : i32 to index
        %parallel_loop3A_758 = arith.constant 48 : index
        %parallel_loop3A_759 = tpu.vector_load %arg11[%parallel_loop3A_757, %parallel_loop3A_758] {strides = array<i32>} : memref<64x256xf32, #tpu.memory_space<vmem>>, vector<16xf32>,
        tpu.vector_store %arg11[%parallel_loop3A_757, %parallel_loop3A_758], %parallel_loop3A_756 {strides = array<i32>} : memref<64x256xf32, #tpu.memory_space<vmem>>, vector<16xf32>,
        %parallel_loop3A_760 = tpu.vector_load_idx %arg9[%parallel_loop3A_743, %get3A_660] : memref<64x256xf32, #tpu.memory_space<vmem>>[vector<16xi32>, vector<16xi32>], vector<16xf32>,
        %parallel_loop3A_761 = arith.index_cast %parallel_loop3A_742 : i32 to index
        %parallel_loop3A_762 = arith.constant 64 : index
        %parallel_loop3A_763 = tpu.vector_load %arg11[%parallel_loop3A_761, %parallel_loop3A_762] {strides = array<i32>} : memref<64x256xf32, #tpu.memory_space<vmem>>, vector<16xf32>,
        tpu.vector_store %arg11[%parallel_loop3A_761, %parallel_loop3A_762], %parallel_loop3A_760 {strides = array<i32>} : memref<64x256xf32, #tpu.memory_space<vmem>>, vector<16xf32>,
        %parallel_loop3A_764 = tpu.vector_load_idx %arg9[%parallel_loop3A_743, %get3A_662] : memref<64x256xf32, #tpu.memory_space<vmem>>[vector<16xi32>, vector<16xi32>], vector<16xf32>,
        %parallel_loop3A_765 = arith.index_cast %parallel_loop3A_742 : i32 to index
        %parallel_loop3A_766 = arith.constant 80 : index
        %parallel_loop3A_767 = tpu.vector_load %arg11[%parallel_loop3A_765, %parallel_loop3A_766] {strides = array<i32>} : memref<64x256xf32, #tpu.memory_space<vmem>>, vector<16xf32>,
        tpu.vector_store %arg11[%parallel_loop3A_765, %parallel_loop3A_766], %parallel_loop3A_764 {strides = array<i32>} : memref<64x256xf32, #tpu.memory_space<vmem>>, vector<16xf32>,
        %parallel_loop3A_768 = tpu.vector_load_idx %arg9[%parallel_loop3A_743, %get3A_664] : memref<64x256xf32, #tpu.memory_space<vmem>>[vector<16xi32>, vector<16xi32>], vector<16xf32>,
        %parallel_loop3A_769 = arith.index_cast %parallel_loop3A_742 : i32 to index
        %parallel_loop3A_770 = arith.constant 96 : index
        %parallel_loop3A_771 = tpu.vector_load %arg11[%parallel_loop3A_769, %parallel_loop3A_770] {strides = array<i32>} : memref<64x256xf32, #tpu.memory_space<vmem>>, vector<16xf32>,
        tpu.vector_store %arg11[%parallel_loop3A_769, %parallel_loop3A_770], %parallel_loop3A_768 {strides = array<i32>} : memref<64x256xf32, #tpu.memory_space<vmem>>, vector<16xf32>,
        %parallel_loop3A_772 = tpu.vector_load_idx %arg9[%parallel_loop3A_743, %get3A_666] : memref<64x256xf32, #tpu.memory_space<vmem>>[vector<16xi32>, vector<16xi32>], vector<16xf32>,
        %parallel_loop3A_773 = arith.index_cast %parallel_loop3A_742 : i32 to index
        %parallel_loop3A_774 = arith.constant 112 : index
        %parallel_loop3A_775 = tpu.vector_load %arg11[%parallel_loop3A_773, %parallel_loop3A_774] {strides = array<i32>} : memref<64x256xf32, #tpu.memory_space<vmem>>, vector<16xf32>,
        tpu.vector_store %arg11[%parallel_loop3A_773, %parallel_loop3A_774], %parallel_loop3A_772 {strides = array<i32>} : memref<64x256xf32, #tpu.memory_space<vmem>>, vector<16xf32>,
        %parallel_loop3A_776 = tpu.vector_load_idx %arg9[%parallel_loop3A_743, %get3A_668] : memref<64x256xf32, #tpu.memory_space<vmem>>[vector<16xi32>, vector<16xi32>], vector<16xf32>,
        %parallel_loop3A_777 = arith.index_cast %parallel_loop3A_742 : i32 to index
        %parallel_loop3A_778 = arith.constant 128 : index
        %parallel_loop3A_779 = tpu.vector_load %arg11[%parallel_loop3A_777, %parallel_loop3A_778] {strides = array<i32>} : memref<64x256xf32, #tpu.memory_space<vmem>>, vector<16xf32>,
        tpu.vector_store %arg11[%parallel_loop3A_777, %parallel_loop3A_778], %parallel_loop3A_776 {strides = array<i32>} : memref<64x256xf32, #tpu.memory_space<vmem>>, vector<16xf32>,
        %parallel_loop3A_780 = tpu.vector_load_idx %arg9[%parallel_loop3A_743, %get3A_670] : memref<64x256xf32, #tpu.memory_space<vmem>>[vector<16xi32>, vector<16xi32>], vector<16xf32>,
        %parallel_loop3A_781 = arith.index_cast %parallel_loop3A_742 : i32 to index
        %parallel_loop3A_782 = arith.constant 144 : index
        %parallel_loop3A_783 = tpu.vector_load %arg11[%parallel_loop3A_781, %parallel_loop3A_782] {strides = array<i32>} : memref<64x256xf32, #tpu.memory_space<vmem>>, vector<16xf32>,
        tpu.vector_store %arg11[%parallel_loop3A_781, %parallel_loop3A_782], %parallel_loop3A_780 {strides = array<i32>} : memref<64x256xf32, #tpu.memory_space<vmem>>, vector<16xf32>,
        %parallel_loop3A_784 = tpu.vector_load_idx %arg9[%parallel_loop3A_743, %get3A_672] : memref<64x256xf32, #tpu.memory_space<vmem>>[vector<16xi32>, vector<16xi32>], vector<16xf32>,
        %parallel_loop3A_785 = arith.index_cast %parallel_loop3A_742 : i32 to index
        %parallel_loop3A_786 = arith.constant 160 : index
        %parallel_loop3A_787 = tpu.vector_load %arg11[%parallel_loop3A_785, %parallel_loop3A_786] {strides = array<i32>} : memref<64x256xf32, #tpu.memory_space<vmem>>, vector<16xf32>,
        tpu.vector_store %arg11[%parallel_loop3A_785, %parallel_loop3A_786], %parallel_loop3A_784 {strides = array<i32>} : memref<64x256xf32, #tpu.memory_space<vmem>>, vector<16xf32>,
        %parallel_loop3A_788 = tpu.vector_load_idx %arg9[%parallel_loop3A_743, %get3A_674] : memref<64x256xf32, #tpu.memory_space<vmem>>[vector<16xi32>, vector<16xi32>], vector<16xf32>,
        %parallel_loop3A_789 = arith.index_cast %parallel_loop3A_742 : i32 to index
        %parallel_loop3A_790 = arith.constant 176 : index
        %parallel_loop3A_791 = tpu.vector_load %arg11[%parallel_loop3A_789, %parallel_loop3A_790] {strides = array<i32>} : memref<64x256xf32, #tpu.memory_space<vmem>>, vector<16xf32>,
        tpu.vector_store %arg11[%parallel_loop3A_789, %parallel_loop3A_790], %parallel_loop3A_788 {strides = array<i32>} : memref<64x256xf32, #tpu.memory_space<vmem>>, vector<16xf32>,
        %parallel_loop3A_792 = tpu.vector_load_idx %arg9[%parallel_loop3A_743, %get3A_676] : memref<64x256xf32, #tpu.memory_space<vmem>>[vector<16xi32>, vector<16xi32>], vector<16xf32>,
        %parallel_loop3A_793 = arith.index_cast %parallel_loop3A_742 : i32 to index
        %parallel_loop3A_794 = arith.constant 192 : index
        %parallel_loop3A_795 = tpu.vector_load %arg11[%parallel_loop3A_793, %parallel_loop3A_794] {strides = array<i32>} : memref<64x256xf32, #tpu.memory_space<vmem>>, vector<16xf32>,
        tpu.vector_store %arg11[%parallel_loop3A_793, %parallel_loop3A_794], %parallel_loop3A_792 {strides = array<i32>} : memref<64x256xf32, #tpu.memory_space<vmem>>, vector<16xf32>,
        %parallel_loop3A_796 = tpu.vector_load_idx %arg9[%parallel_loop3A_743, %get3A_678] : memref<64x256xf32, #tpu.memory_space<vmem>>[vector<16xi32>, vector<16xi32>], vector<16xf32>,
        %parallel_loop3A_797 = arith.index_cast %parallel_loop3A_742 : i32 to index
        %parallel_loop3A_798 = arith.constant 208 : index
        %parallel_loop3A_799 = tpu.vector_load %arg11[%parallel_loop3A_797, %parallel_loop3A_798] {strides = array<i32>} : memref<64x256xf32, #tpu.memory_space<vmem>>, vector<16xf32>,
        tpu.vector_store %arg11[%parallel_loop3A_797, %parallel_loop3A_798], %parallel_loop3A_796 {strides = array<i32>} : memref<64x256xf32, #tpu.memory_space<vmem>>, vector<16xf32>,
        %parallel_loop3A_800 = tpu.vector_load_idx %arg9[%parallel_loop3A_743, %get3A_680] : memref<64x256xf32, #tpu.memory_space<vmem>>[vector<16xi32>, vector<16xi32>], vector<16xf32>,
        %parallel_loop3A_801 = arith.index_cast %parallel_loop3A_742 : i32 to index
        %parallel_loop3A_802 = arith.constant 224 : index
        %parallel_loop3A_803 = tpu.vector_load %arg11[%parallel_loop3A_801, %parallel_loop3A_802] {strides = array<i32>} : memref<64x256xf32, #tpu.memory_space<vmem>>, vector<16xf32>,
        tpu.vector_store %arg11[%parallel_loop3A_801, %parallel_loop3A_802], %parallel_loop3A_800 {strides = array<i32>} : memref<64x256xf32, #tpu.memory_space<vmem>>, vector<16xf32>,
        %parallel_loop3A_804 = tpu.vector_load_idx %arg9[%parallel_loop3A_743, %get3A_682] : memref<64x256xf32, #tpu.memory_space<vmem>>[vector<16xi32>, vector<16xi32>], vector<16xf32>,
        %parallel_loop3A_805 = arith.index_cast %parallel_loop3A_742 : i32 to index
        %parallel_loop3A_806 = arith.constant 240 : index
        %parallel_loop3A_807 = tpu.vector_load %arg11[%parallel_loop3A_805, %parallel_loop3A_806] {strides = array<i32>} : memref<64x256xf32, #tpu.memory_space<vmem>>, vector<16xf32>,
        tpu.vector_store %arg11[%parallel_loop3A_805, %parallel_loop3A_806], %parallel_loop3A_804 {strides = array<i32>} : memref<64x256xf32, #tpu.memory_space<vmem>>, vector<16xf32>,
      } {sc.loop_unroll_factor = 2 : i64, sc.parallel_access}
      %jit3A_686 = arith.constant 2 : i32
      %eq3A_687 = arith.constant 0 : i32
      %eq3A_688 = arith.cmpi eq, %jit3A_686, %eq3A_687 : i32
      %jit3A_689 = arith.constant 1 : i32
      %select_n3A_690 = arith.select %eq3A_688, %jit3A_689, %jit3A_686 : i32
      %rem3A_691 = arith.remsi %add3A_550, %select_n3A_690 : i32
      %ne3A_692 = arith.constant 0 : i32
      %ne3A_693 = arith.cmpi ne, %rem3A_691, %ne3A_692 : i32
      %lt3A_694 = arith.constant 0 : i32
      %lt3A_695 = arith.cmpi slt, %rem3A_691, %lt3A_694 : i32
      %lt3A_696 = arith.constant 0 : i32
      %lt3A_697 = arith.cmpi slt, %select_n3A_690, %lt3A_696 : i32
      %ne3A_698 = arith.xori %lt3A_695, %lt3A_697 : i1
      %and3A_699 = arith.andi %ne3A_698, %ne3A_693 : i1
      %add3A_700 = arith.addi %rem3A_691, %select_n3A_690 : i32
      %select_n3A_701 = arith.select %and3A_699, %add3A_700, %rem3A_691 : i32
      %jit3A_702 = arith.constant 2 : i32
      %div3A_703 = arith.divsi %add3A_550, %jit3A_702 : i32
      %sign3A_704 = arith.constant 0 : i32
      %sign3A_705 = arith.cmpi sgt, %add3A_550, %sign3A_704 : i32
      %sign3A_706 = arith.extui %sign3A_705 : i1 to i32
      %sign3A_707 = arith.constant 0 : i32
      %sign3A_708 = arith.cmpi slt, %add3A_550, %sign3A_707 : i32
      %sign3A_709 = arith.extui %sign3A_708 : i1 to i32
      %sign3A_710 = arith.subi %sign3A_706, %sign3A_709 : i32
      %sign3A_711 = arith.constant 0 : i32
      %sign3A_712 = arith.cmpi sgt, %jit3A_702, %sign3A_711 : i32
      %sign3A_713 = arith.extui %sign3A_712 : i1 to i32
      %sign3A_714 = arith.constant 0 : i32
      %sign3A_715 = arith.cmpi slt, %jit3A_702, %sign3A_714 : i32
      %sign3A_716 = arith.extui %sign3A_715 : i1 to i32
      %sign3A_717 = arith.subi %sign3A_713, %sign3A_716 : i32
      %ne3A_718 = arith.cmpi ne, %sign3A_710, %sign3A_717 : i32
      %rem3A_719 = arith.remsi %add3A_550, %jit3A_702 : i32
      %ne3A_720 = arith.constant 0 : i32
      %ne3A_721 = arith.cmpi ne, %rem3A_719, %ne3A_720 : i32
      %and3A_722 = arith.andi %ne3A_718, %ne3A_721 : i1
      %sub3A_723 = arith.constant 1 : i32
      %sub3A_724 = arith.subi %div3A_703, %sub3A_723 : i32
      %select_n3A_725 = arith.select %and3A_722, %sub3A_724, %div3A_703 : i32
      %add3A_726 = arith.addi %mul3A_2, %select_n3A_701 : i32
      %dma_start3A_727 = arith.constant 0 : i32
      %dma_start3A_728 = arith.constant 0 : i32
      %dma_start3A_729 = tpu.memref_slice %arg4[%select_n3A_725, %add3A_726, %dma_start3A_727, %dma_start3A_728] : memref<32x64x64x256xf32, #tpu.memory_space<hbm>> -> memref<1x1x64x256xf32, #tpu.memory_space<hbm>>
      %dma_start3A_730 = tpu.memref_squeeze %dma_start3A_729 : memref<1x1x64x256xf32, #tpu.memory_space<hbm>> -> memref<64x256xf32, #tpu.memory_space<hbm>>
      %dma_start3A_731 = arith.constant 0 : i32
      %dma_start3A_732 = arith.constant 0 : i32
      %dma_start3A_733 = tpu.memref_slice %arg4[%select_n3A_725, %add3A_726, %dma_start3A_731, %dma_start3A_732] : memref<32x64x64x256xf32, #tpu.memory_space<hbm>> -> memref<1x1x64x256xf32, #tpu.memory_space<hbm>>
      %dma_start3A_734 = tpu.memref_squeeze %dma_start3A_733 : memref<1x1x64x256xf32, #tpu.memory_space<hbm>> -> memref<64x256xf32, #tpu.memory_space<hbm>>
      tpu.enqueue_dma source(%arg11 : memref<64x256xf32, #tpu.memory_space<vmem>>) target(%dma_start3A_734 : memref<64x256xf32, #tpu.memory_space<hbm>>) target_semaphore(%arg17 : memref<!tpu.dma_semaphore, #tpu.memory_space<semaphore_mem>>)
      %add3A_735 = arith.constant 4 : i32
      %add3A_736 = arith.addi %add3A_550, %add3A_735 : i32
      %lt3A_737 = arith.constant 64 : i32
      %lt3A_738 = arith.cmpi slt, %add3A_736, %lt3A_737 : i32
      %convert_element_type3A_739 = arith.extui %lt3A_738 : i1 to i32
      %cond3A_740 = arith.constant 0 : i32
      %cond3A_741 = arith.cmpi ne, %convert_element_type3A_739, %cond3A_740 : i32
      scf.if %cond3A_741 {
        %add3A_742 = arith.constant 4 : i32
        %add3A_743 = arith.addi %add3A_550, %add3A_742 : i32
        %jit3A_744 = arith.constant 2 : i32
        %eq3A_745 = arith.constant 0 : i32
        %eq3A_746 = arith.cmpi eq, %jit3A_744, %eq3A_745 : i32
        %jit3A_747 = arith.constant 1 : i32
        %select_n3A_748 = arith.select %eq3A_746, %jit3A_747, %jit3A_744 : i32
        %rem3A_749 = arith.remsi %add3A_743, %select_n3A_748 : i32
        %ne3A_750 = arith.constant 0 : i32
        %ne3A_751 = arith.cmpi ne, %rem3A_749, %ne3A_750 : i32
        %lt3A_752 = arith.constant 0 : i32
        %lt3A_753 = arith.cmpi slt, %rem3A_749, %lt3A_752 : i32
        %lt3A_754 = arith.constant 0 : i32
        %lt3A_755 = arith.cmpi slt, %select_n3A_748, %lt3A_754 : i32
        %ne3A_756 = arith.xori %lt3A_753, %lt3A_755 : i1
        %and3A_757 = arith.andi %ne3A_756, %ne3A_751 : i1
        %add3A_758 = arith.addi %rem3A_749, %select_n3A_748 : i32
        %select_n3A_759 = arith.select %and3A_757, %add3A_758, %rem3A_749 : i32
        %jit3A_760 = arith.constant 2 : i32
        %div3A_761 = arith.divsi %add3A_743, %jit3A_760 : i32
        %sign3A_762 = arith.constant 0 : i32
        %sign3A_763 = arith.cmpi sgt, %add3A_743, %sign3A_762 : i32
        %sign3A_764 = arith.extui %sign3A_763 : i1 to i32
        %sign3A_765 = arith.constant 0 : i32
        %sign3A_766 = arith.cmpi slt, %add3A_743, %sign3A_765 : i32
        %sign3A_767 = arith.extui %sign3A_766 : i1 to i32
        %sign3A_768 = arith.subi %sign3A_764, %sign3A_767 : i32
        %sign3A_769 = arith.constant 0 : i32
        %sign3A_770 = arith.cmpi sgt, %jit3A_760, %sign3A_769 : i32
        %sign3A_771 = arith.extui %sign3A_770 : i1 to i32
        %sign3A_772 = arith.constant 0 : i32
        %sign3A_773 = arith.cmpi slt, %jit3A_760, %sign3A_772 : i32
        %sign3A_774 = arith.extui %sign3A_773 : i1 to i32
        %sign3A_775 = arith.subi %sign3A_771, %sign3A_774 : i32
        %ne3A_776 = arith.cmpi ne, %sign3A_768, %sign3A_775 : i32
        %rem3A_777 = arith.remsi %add3A_743, %jit3A_760 : i32
        %ne3A_778 = arith.constant 0 : i32
        %ne3A_779 = arith.cmpi ne, %rem3A_777, %ne3A_778 : i32
        %and3A_780 = arith.andi %ne3A_776, %ne3A_779 : i1
        %sub3A_781 = arith.constant 1 : i32
        %sub3A_782 = arith.subi %div3A_761, %sub3A_781 : i32
        %select_n3A_783 = arith.select %and3A_780, %sub3A_782, %div3A_761 : i32
        %add3A_784 = arith.addi %mul3A_2, %select_n3A_759 : i32
        %dma_start3A_785 = arith.constant 0 : i32
        %dma_start3A_786 = arith.constant 0 : i32
        %dma_start3A_787 = tpu.memref_slice %arg2[%select_n3A_783, %add3A_784, %dma_start3A_785, %dma_start3A_786] : memref<32x64x64x256xf32, #tpu.memory_space<hbm>> -> memref<1x1x64x256xf32, #tpu.memory_space<hbm>>
        %dma_start3A_788 = tpu.memref_squeeze %dma_start3A_787 : memref<1x1x64x256xf32, #tpu.memory_space<hbm>> -> memref<64x256xf32, #tpu.memory_space<hbm>>
        %dma_start3A_789 = arith.constant 0 : i32
        %dma_start3A_790 = arith.constant 0 : i32
        %dma_start3A_791 = tpu.memref_slice %arg2[%select_n3A_783, %add3A_784, %dma_start3A_789, %dma_start3A_790] : memref<32x64x64x256xf32, #tpu.memory_space<hbm>> -> memref<1x1x64x256xf32, #tpu.memory_space<hbm>>
        %dma_start3A_792 = tpu.memref_squeeze %dma_start3A_791 : memref<1x1x64x256xf32, #tpu.memory_space<hbm>> -> memref<64x256xf32, #tpu.memory_space<hbm>>
        tpu.enqueue_dma source(%dma_start3A_792 : memref<64x256xf32, #tpu.memory_space<hbm>>) target(%arg9 : memref<64x256xf32, #tpu.memory_space<vmem>>) target_semaphore(%arg15 : memref<!tpu.dma_semaphore, #tpu.memory_space<semaphore_mem>>)
      } else {
      }
    }
    %scan3A_52 = arith.constant 16 : i32
    %add3A_53 = arith.constant 0 : i32
    %add3A_54 = arith.addi %mul3A_2, %add3A_53 : i32
    %dma_wait3A = arith.constant 31 : i32
    %dma_wait3A_55 = arith.constant 0 : i32
    %dma_wait3A_56 = arith.constant 0 : i32
    %dma_wait3A_57 = tpu.memref_slice %arg4[%dma_wait3A, %add3A_54, %dma_wait3A_55, %dma_wait3A_56] : memref<32x64x64x256xf32, #tpu.memory_space<hbm>> -> memref<1x1x64x256xf32, #tpu.memory_space<hbm>>
    %dma_wait3A_58 = tpu.memref_squeeze %dma_wait3A_57 : memref<1x1x64x256xf32, #tpu.memory_space<hbm>> -> memref<64x256xf32, #tpu.memory_space<hbm>>
    %dma_wait3A_59 = arith.constant 0 : i32
    %dma_wait3A_60 = arith.constant 0 : i32
    %dma_wait3A_61 = tpu.memref_slice %arg4[%dma_wait3A, %add3A_54, %dma_wait3A_59, %dma_wait3A_60] : memref<32x64x64x256xf32, #tpu.memory_space<hbm>> -> memref<1x1x64x256xf32, #tpu.memory_space<hbm>>
    %dma_wait3A_62 = tpu.memref_squeeze %dma_wait3A_61 : memref<1x1x64x256xf32, #tpu.memory_space<hbm>> -> memref<64x256xf32, #tpu.memory_space<hbm>>
    tpu.wait_dma2 semaphore(%arg16 : memref<!tpu.dma_semaphore, #tpu.memory_space<semaphore_mem>>) src(%arg10 : memref<64x256xf32, #tpu.memory_space<vmem>>) dst(%dma_wait3A_62 : memref<64x256xf32, #tpu.memory_space<hbm>>)
    %add3A_63 = arith.constant 1 : i32
    %add3A_64 = arith.addi %mul3A_2, %add3A_63 : i32
    %dma_wait3A_65 = arith.constant 31 : i32
    %dma_wait3A_66 = arith.constant 0 : i32
    %dma_wait3A_67 = arith.constant 0 : i32
    %dma_wait3A_68 = tpu.memref_slice %arg4[%dma_wait3A_65, %add3A_64, %dma_wait3A_66, %dma_wait3A_67] : memref<32x64x64x256xf32, #tpu.memory_space<hbm>> -> memref<1x1x64x256xf32, #tpu.memory_space<hbm>>
    %dma_wait3A_69 = tpu.memref_squeeze %dma_wait3A_68 : memref<1x1x64x256xf32, #tpu.memory_space<hbm>> -> memref<64x256xf32, #tpu.memory_space<hbm>>
    %dma_wait3A_70 = arith.constant 0 : i32
    %dma_wait3A_71 = arith.constant 0 : i32
    %dma_wait3A_72 = tpu.memref_slice %arg4[%dma_wait3A_65, %add3A_64, %dma_wait3A_70, %dma_wait3A_71] : memref<32x64x64x256xf32, #tpu.memory_space<hbm>> -> memref<1x1x64x256xf32, #tpu.memory_space<hbm>>
    %dma_wait3A_73 = tpu.memref_squeeze %dma_wait3A_72 : memref<1x1x64x256xf32, #tpu.memory_space<hbm>> -> memref<64x256xf32, #tpu.memory_space<hbm>>
    tpu.wait_dma2 semaphore(%arg17 : memref<!tpu.dma_semaphore, #tpu.memory_space<semaphore_mem>>) src(%arg11 : memref<64x256xf32, #tpu.memory_space<vmem>>) dst(%dma_wait3A_73 : memref<64x256xf32, #tpu.memory_space<hbm>>)
    return
  }
}

</mosaic_0001>

<sc_bundles>
// kernel: _shuffle.3.cloned.1.call-start
scs
__scs_entry_jumppad:
0x0: {  	(pc) =	sbr.rel $0x88, $3  }
0x1: {  	(tag) =	ssettag $0x0;
	lr =	simm.s32 $0x1  }
0x2: {  	[smem:$0x3F9F] =	sst lr;
	_ =	strace $0xD0000000  }
0x3: {  	_ = 	snop  }
0x4: {  	_ = 	snop  }
0x5: {  	_ = 	snop  }
0x6: {  	_ = 	snop  }
0x7: {  	_ = 	snop  }
__scs_overlays_trampoline_lowered:
0x8: {  	[smem:$0x3FAE] =	sst s0  }
0x9: {  	[smem:$0x3FAF] =	sst s1  }
0xa: {  	[smem:$0x3FB0] =	sst s2  }
0xb: {  	[smem:$0x3FB1] =	sst s3  }
0xc: {  	[smem:$0x3FB2] =	sst s4  }
0xd: {  	[smem:$0x3FB3] =	sst s5  }
0xe: {  	[smem:$0x3FB4] =	sst s6  }
0xf: {  	[smem:$0x3FB5] =	sst s7  }
0x10: {  	[smem:$0x3FB6] =	sst s8  }
0x11: {  	[smem:$0x3FB7] =	sst s9;
	s0 =	simm.s32 @!p0 $0x0  }
0x12: {  	s1 =	sld [smem:$0x3F9D];
	s0 =	simm.s32 @p0 $0x1  }
0x13: {  	[smem:$0x3FB8] =	sst s0;
	s0 =	simm.s32 @!p1 $0x0  }
0x14: {  	s2 =	sld [smem:$0x3F9C];
	s0 =	simm.s32 @p1 $0x1  }
0x15: {  	[smem:$0x3FB9] =	sst s0;
	s0 =	simm.s32 @!p2 $0x0  }
0x16: {  	s3 =	sld [smem:$0x3FDB];
	s0 =	simm.s32 @p2 $0x1  }
0x17: {  	s4 =	simm.s32 $0x1BF5;
	[smem:$0x3FBB] =	sst s0  }
0x18: {  	s0 =	sld [smem:$0x3F9E];
	_ =	swait.ge [sflag:s4], $0x0  }
0x19: {  	s7 =	sld [smem:$0x3F9F]  }
0x1a: {  	s8 =	sadd.s32 $0xFFFFE003, lr  }
0x1b: {  	s9 =	sadd.s32 $0xFFFFFEF7, lr;
	s5 =	simm.s32 $0xFFFFFFFF;
	p2 =	slt.u32 s8, $0xFFFFF086  }
0x1c: {  	p1 =	slt.u32 s9, $0xF7A;
	s5 =	simm.s32 @!p2 $0x0  }
0x1d: {  	s5 =	simm.s32 @p1 $0x1;
	p0 =	seq.s32 s7, s2  }
0x1e: {  	s7 =	smul.u32 @!p0 $0xF7A, s2;
	p2 =	seq.s32 @!p0 s5, $0x0  }
0x1f: {  	s9 =	smul.u32 $0xF7A, s1;
	s8 =	simm.s32 @!p0 $0x1BF5;
	p2 =	por !p2, p0  }
0x20: {  	[sflag:s8] =	ssyncset.s32 @!p0 $0xFFFFF086;
	s6 =	sadd.s32 @!p0 s3, s7;
	s7 =	simm.s32 @!p0 $0x108  }
0x21: {  	s3 =	sadd.s32 s3, s9;
	s6 =	sadd.s32 @!p0 $0x88, s6;
	s7 =	simm.s32 @p2 $0x1082  }
0x22: {  	[simem:s7], [sflag:s8] =	dma.local @!p0 [hbm:s6], $0xF7A  }
0x23: {  	s9 =	sor.u32 $0xD0000000, s2;
	s6 =	simm.s32 $0x108;
	_ =	swait.ge @!p0 [sflag:s8], $0x0  }
0x24: {  	s3 =	sadd.s32 $0x88, s3;
	s6 =	simm.s32 @!p1 $0x1082;
	[sflag:s4] =	ssyncset.s32 $0xFFFFF086  }
0x25: {  	[simem:s6], [sflag:s4] =	dma.local [hbm:s3], $0xF7A  }
0x26: {  	[smem:$0x3F9F] =	sst s1;
	(tag) =	ssettag s2;
	_ =	strace s9  }
0x27: {  	s1 =	sld [smem:$0x3FAF]  }
0x28: {  	s2 =	sld [smem:$0x3FB0]  }
0x29: {  	s4 =	sld [smem:$0x3FB2]  }
0x2a: {  	p0 =	seq.s32 s5, $0x0;
	s5 =	sld [smem:$0x3FB3]  }
0x2b: {  	s6 =	sld [smem:$0x3FB4]  }
0x2c: {  	s7 =	sld [smem:$0x3FB5]  }
0x2d: {  	s3 =	simm.s32 $0x108;
	s8 =	sld [smem:$0x3FB6]  }
0x2e: {  	s3 =	simm.s32 @!p0 $0x1082;
	s9 =	sld [smem:$0x3FB7]  }
0x2f: {  	lr =	sadd.s32 s0, s3;
	s0 =	sld [smem:$0x3FAE]  }
0x30: {  	s3 =	sld [smem:$0x3FB1]  }
0x31: {  	[smem:$0x3FBA] =	sst s10  }
0x32: {  	s10 =	sld [smem:$0x3FB8];
	_ =	sdelay $0x3  }
0x33: {  	p0 =	seq.s32 s10, $0x1;
	s10 =	sld [smem:$0x3FBA];
	_ =	sdelay $0x3  }
0x34: {  	[smem:$0x3FBA] =	sst s10  }
0x35: {  	s10 =	sld [smem:$0x3FB9];
	_ =	sdelay $0x3  }
0x36: {  	p1 =	seq.s32 s10, $0x1;
	s10 =	sld [smem:$0x3FBA];
	_ =	sdelay $0x3  }
0x37: {  	[smem:$0x3FBA] =	sst s10  }
0x38: {  	s10 =	sld [smem:$0x3FBB]  }
0x39: {  	_ = 	snop;
	(pc) =	sbr.ind lr, $3  }
0x3a: {  	_ = 	snop  }
0x3b: {  	_ = 	snop  }
0x3c: {  	p2 =	seq.s32 s10, $0x1;
	s10 =	sld [smem:$0x3FBA]  }
0x3d: {  	_ =	shalt  }
0x3e: {  	_ =	shalt  }
0x3f: {  	_ =	shalt  }
0x40: {  	_ =	shalt  }
0x41: {  	_ =	shalt  }
0x42: {  	_ =	shalt  }
0x43: {  	_ =	shalt  }
0x44: {  	_ =	shalt  }
0x45: {  	_ =	shalt  }
0x46: {  	_ =	shalt  }
0x47: {  	_ =	shalt  }
0x48: {  	_ =	shalt  }
0x49: {  	_ =	shalt  }
0x4a: {  	_ =	shalt  }
0x4b: {  	_ =	shalt  }
0x4c: {  	_ =	shalt  }
0x4d: {  	_ =	shalt  }
0x4e: {  	_ =	shalt  }
0x4f: {  	_ =	shalt  }
0x50: {  	_ =	shalt  }
0x51: {  	_ =	shalt  }
0x52: {  	_ =	shalt  }
0x53: {  	_ =	shalt  }
0x54: {  	_ =	shalt  }
0x55: {  	_ =	shalt  }
0x56: {  	_ =	shalt  }
0x57: {  	_ =	shalt  }
0x58: {  	_ =	shalt  }
0x59: {  	_ =	shalt  }
0x5a: {  	_ =	shalt  }
0x5b: {  	_ =	shalt  }
0x5c: {  	_ =	shalt  }
0x5d: {  	_ =	shalt  }
0x5e: {  	_ =	shalt  }
0x5f: {  	_ =	shalt  }
0x60: {  	_ =	shalt  }
0x61: {  	_ =	shalt  }
0x62: {  	_ =	shalt  }
0x63: {  	_ =	shalt  }
0x64: {  	_ =	shalt  }
0x65: {  	_ =	shalt  }
0x66: {  	_ =	shalt  }
0x67: {  	_ =	shalt  }
0x68: {  	_ =	shalt  }
0x69: {  	_ =	shalt  }
0x6a: {  	_ =	shalt  }
0x6b: {  	_ =	shalt  }
0x6c: {  	_ =	shalt  }
0x6d: {  	_ =	shalt  }
0x6e: {  	_ =	shalt  }
0x6f: {  	_ =	shalt  }
0x70: {  	_ =	shalt  }
0x71: {  	_ =	shalt  }
0x72: {  	_ =	shalt  }
0x73: {  	_ =	shalt  }
0x74: {  	_ =	shalt  }
0x75: {  	_ =	shalt  }
0x76: {  	_ =	shalt  }
0x77: {  	_ =	shalt  }
0x78: {  	_ =	shalt  }
0x79: {  	_ =	shalt  }
0x7a: {  	_ =	shalt  }
0x7b: {  	_ =	shalt  }
0x7c: {  	_ =	shalt  }
0x7d: {  	_ =	shalt  }
0x7e: {  	_ =	shalt  }
0x7f: {  	_ =	shalt  }
0x80: {  	_ =	shalt  }
0x81: {  	_ =	shalt  }
0x82: {  	_ =	shalt  }
0x83: {  	_ =	shalt  }
0x84: {  	_ =	shalt  }
0x85: {  	_ =	shalt  }
0x86: {  	_ =	shalt  }
0x87: {  	_ =	shalt  }
.Lfunc_end0:
.L_simem_size_0:
called_computation_lowered:
.L_overlay_start_0:
0x88: {  	s2 =	sld [smem:$0x3FD9]  }
0x89: {  	s3 =	sld [smem:$0x3FFE];
	_ =	sdelay $0x1  }
0x8a: {  	s1 =	srdreg.scid  }
0x8b: {  	s0 =	sand.u32 $0x1, s1  }
0x8c: {  	s17 =	sshll.u32 s0, $0xA;
	s2 =	sadd.s32 s3, s2  }
0x8d: {  	s2 =	sadd.s32 s2, s17  }
0x8e: {  	[smem:$0x3FC6] =	sst s2  }
0x8f: {  	_ = 	snop  }
0x90: {  	s2 =	sld [smem:$0x3FC9]  }
0x91: {  	s18 =	sld [smem:$0x3FD0];
	(tm) =	ssettm $0x1  }
0x92: {  	s4 =	sld [smem:$0x3FFB];
	_ =	sdelay $0x3  }
0x93: {  	_ =	strace s4  }
0x94: {  	s4 =	sld [smem:$0x3FFC];
	_ =	sdelay $0x3  }
0x95: {  	_ =	strace s4  }
0x96: {  	s4 =	sld [smem:$0x3FFD];
	_ =	sdelay $0x3  }
0x97: {  	_ =	strace s4  }
0x98: {  	_ =	strace $0x8FFFFFFF  }
0x99: {  	s19 =	sld [smem:$0x3FDB];
	_ =	sdelay $0x1  }
0x9a: {  	s5 =	simm.s32 $_scs_section_size  }
0x9b: {  	s6 =	simm.s32 $_size__tile_overlayer_lowered;
	s7 =	simm.s32 $_tile_overlayer_lowered  }
0x9c: {  	s22 =	simm.s32 $0x1BFF;
	s21 =	sshll.u32 s7, $0x1;
	s4 =	sadd.s32 s5, s19  }
0x9d: {  	s8 =	simm.s32 $0x0;
	s20 =	sshll.u32 s6, $0x1;
	s6 =	sadd.s32 s21, s4  }
0x9e: {  	[timem:s8], [sflag:s22] =	dma.local [hbm:s6], s20  }
0x9f: {  	_ =	swait.ge [sflag:s22], s20  }
0xa0: {  	s5 =	ssub.s32 $0x0, s20;
	[sflag:s22] =	ssyncset.done $0x0  }
0xa1: {  	[sflag:s22] =	ssyncadd.s32 s5;
	_ =	sdelay $0x1  }
0xa2: {  	s23 =	simm.s32 $0x1B8B  }
0xa3: {  	_ =	swait.ge [sflag:s23], $0x1  }
0xa4: {  	[sflag:s23] =	ssyncset.done $0x0  }
0xa5: {  	s25 =	simm.s32 $0x1B8E;
	s24 =	sld [smem:$0x3FFE];
	[sflag:s23] =	ssyncadd.s32 $0xFFFFFFFF  }
0xa6: {  	s26 =	simm.s32 $execute0_lowered;
	[smem:$0x3FD2] =	sst s25  }
0xa7: {  	s6 =	sshll.u32 s26, $0x1;
	_ =	strace $0x80000046;
	[dreg:$0x1] =	wrdreg $0xFFFFFFFF  }
0xa8: {  	s28 =	simm.s32 $_size_execute0_lowered;
	s4 =	sadd.s32 s4, s6;
	[dreg:$0x0] =	wrdreg $0x0  }
0xa9: {  	s6 =	sshll.u32 s28, $0x1;
	[dreg:$0x2] =	wrdreg s4  }
0xaa: {  	[dreg:$0x3] =	wrdreg s6  }
0xab: {  	[dreg:$0x4] =	wrdreg $0xC0  }
0xac: {  	_ =	task [dreg:s8], $0x5FFFF  }
0xad: {  	[dreg:$0x1] =	wrdreg $0xFFFFFFFF  }
0xae: {  	[dreg:$0x0] =	wrdreg $0x60  }
0xaf: {  	[dreg:$0x2] =	wrdreg s2  }
0xb0: {  	[dreg:$0x3] =	wrdreg s24  }
0xb1: {  	[dreg:$0x4] =	wrdreg s18  }
0xb2: {  	[dreg:$0x5] =	wrdreg $0x9  }
0xb3: {  	_ =	task.clear_ibuf [dreg:s8], $0x6FFFF;
	_ =	strace $0x90000046  }
0xb4: {  	s29 =	simm.s32 $0x9;
	_ =	strace $0x80000048  }
0xb5: {  	_ =	swait.ge [sflag:s29], $0x1  }
0xb6: {  	[sflag:s29] =	ssyncadd.s32 $0xFFFFFFFF  }
0xb7: {  	_ =	strace $0x90000048  }
0xb8: {  	_ =	sfence  }
0xb9: {  	s30 =	sld [smem:$0x0];
	_ =	sdelay $0x2  }
0xba: {  	s31 =	sshll.u32 s1, $0xD;
	s1 =	sshrl.u32 s1, $0x2  }
0xbb: {  	s3 =	sand.u32 $0x4000, s31;
	s1 =	sadd.s32 s1, s30  }
0xbc: {  	s0 =	sor.u32 s3, s0;
	s1 =	sshll.u32 s1, $0x11  }
0xbd: {  	s0 =	sor.u32 s1, s0  }
0xbe: {  	s0 =	sadd.s32 $0x8F2B, s0  }
0xbf: {  	[sflag:s0] =	ssyncadd.remote.s32 $0x1  }
0xc0: {  	_ =	sfence.sel $0xFFFF  }
0xc1: {  	[dreg:$0x0] =	wrdreg $0xFFFFFFFF;
	(pc) =	sbr.abs _section_cstart, $3  }
0xc2: {  	[dreg:$0x1] =	wrdreg $0xFFFFFFFF  }
0xc3: {  	_ =	task.clear_ibuf [dreg:s8], $0x2FFFF;
	_ =	strace $0x9FFFFFFF  }
0xc4: {  	(tm) =	ssettm $0x7FFFFFFF  }
0xc5: {  	_ =	shalt  }
tec
execute0_lowered:
.L_overlay_start_1:
0x0: {  	(tag) =	ssettag $0x1  }
0x1: {  	s0 =	rddreg [dreg:$0x0]  }
0x2: {  	s1 =	rddreg [dreg:$0x1]  }
0x3: {  	s7 =	rddreg [dreg:$0x2];
	s3 =	simm.s32 $0x0;
	s2 =	srdreg.scid  }
0x4: {  	s4 =	stileid.u32;
	s18 =	simm.s32 $0x200;
	s19 =	simm.s32 $0x4200  }
0x5: {  	s28 =	simm.s32 $0x14200;
	s29 =	simm.s32 $0x3;
	s30 =	simm.s32 $0x5  }
0x6: {  	s31 =	simm.s32 $0x4;
	[smem:$0x7FF] =	sst s3;
	s2 =	sand.u32 $0x1, s2  }
0x7: {  	s4 =	sshll.u32 s4, $0x1;
	s23 =	sadd.s32 $0x40000, s0;
	s13 =	sadd.s32 $0x20000, s7  }
0x8: {  	s15 =	sadd.s32 $0x20800, s7;
	_ =	strace $0x80000047;
	s4 =	sor.u32 s2, s4  }
0x9: {  	s2 =	ssub.s32 $0x2, s2;
	s5 =	sshll.u32 s4, $0x6;
	s4 =	sshll.u32 s4, $0xC  }
0xa: {  	s20 =	sshrl.u32 s2, $0x1;
	s1 =	sadd.s32 s5, s1;
	s6 =	sor.u32 $0x800, s4  }
0xb: {  	s2 =	ssub.s32 s2, s20;
	s21 =	sadd.s32 s0, s4;
	s24 =	sadd.s32 s4, s23  }
0xc: {  	s20 =	simm.s32 $0x8200;
	s8 =	sadd.s32 s0, s6;
	[dreg:$0x4] =	wrdreg s21  }
0xd: {  	s22 =	sadd.s32 $0x20000, s21;
	s5 =	sadd.s32 $0x20800, s21;
	[dreg:$0x9] =	wrdreg s24  }
0xe: {  	s1 =	sadd.s32 $0x400, s1;
	s25 =	sadd.s32 s7, s6;
	[dreg:$0x5] =	wrdreg s8  }
0xf: {  	s12 =	sadd.s32 s6, s23;
	s0 =	sadd.s32 $0x60000, s0;
	[dreg:$0x6] =	wrdreg s22  }
.Ltmp0:
0x10: {  	s26 =	smax.u32 s2, $0x1;
	[dreg:$0x7] =	wrdreg s5;
	(pc) =	sbr.rel .LBB2_1-.Ltmp0, $4  }
0x11: {  	s21 =	simm.s32 $0xC200;
	s23 =	simm.s32 $0x1;
	[dreg:$0x8] =	wrdreg s1  }
0x12: {  	s24 =	simm.s32 $0x10200;
	[dreg:$0xa] =	wrdreg s25;
	s14 =	sadd.s32 s4, s0  }
0x13: {  	s0 =	sadd.s32 s6, s0;
	[dreg:$0xc] =	wrdreg s26;
	s25 =	simm.s32 $0x2  }
0x14: {  	s26 =	simm.s32 $0x6;
	s1 =	simm.s32 $0x0;
	[dreg:$0xb] =	wrdreg s0  }
.LBB2_16:
0x15: {  	_ =	swait.ge [sflag:s30], $0x4000  }
0x16: {  	[sflag:s30] =	ssyncset.done $0x0  }
0x17: {  	[sflag:s30] =	ssyncadd.s32 $0xFFFFC000  }
0x18: {  	_ =	swait.ge [sflag:s26], $0x4000  }
0x19: {  	s1 =	rddreg [dreg:$0xd]  }
0x1a: {  	s0 =	rddreg [dreg:$0xc];
	s1 =	sadd.s32 $0x1, s1  }
0x1b: {  	p0 =	sne.s32 s1, s0  }
.Ltmp1:
0x1c: {  	_ = 	snop;
	(pc) =	sbr.rel @!p0 .LBB2_17-.Ltmp1, $3  }
0x1d: {  	_ =	sdelay $0x1  }
0x1e: {  	[sflag:s26] =	ssyncset.done $0x0  }
0x1f: {  	[sflag:s26] =	ssyncadd.s32 $0xFFFFC000  }
.LBB2_1:
0x20: {  	[dreg:$0xd] =	wrdreg s1  }
0x21: {  	s0 =	rddreg [dreg:$0x4]  }
0x22: {  	[tilespmem:s18], [sflag:$0x1] =	stream.linear.gather [hbm4b:s0+s3], $0x4000, $0x38;
	[tilespmem:$0x18200] =	vst v63  }
0x23: {  	s10 =	rddreg [dreg:$0x5]  }
0x24: {  	[tilespmem:s19], [sflag:$0x2] =	stream.linear.gather [hbm4b:s10+s3], $0x4000, $0x38;
	[tilespmem:$0x18200] =	vst v63  }
0x25: {  	s11 =	rddreg [dreg:$0x6]  }
0x26: {  	[tilespmem:s20], [sflag:$0x3] =	stream.linear.gather [hbm4b:s11+s3], $0x4000, $0x38;
	[tilespmem:$0x18200] =	vst v63  }
0x27: {  	s16 =	rddreg [dreg:$0x7]  }
0x28: {  	[tilespmem:s21], [sflag:$0x4] =	stream.linear.gather [hbm4b:s16+s3], $0x4000, $0x38;
	[tilespmem:$0x18200] =	vst v63  }
0x29: {  	s17 =	rddreg [dreg:$0x8];
	s22 =	simm.s32 $0x7  }
0x2a: {  	[tilespmem:s3], [sflag:$0x7] =	stream.linear.gather [hbm4b:s17+s3], $0x200, $0x38;
	[tilespmem:$0x18200] =	vst v63  }
0x2b: {  	_ =	swait.ge [sflag:s22], $0x200  }
0x2c: {  	[sflag:s22] =	ssyncset.done $0x0  }
0x2d: {  	s1 =	simm.s32 $0x0;
	[sflag:s22] =	ssyncadd.s32 $0xFFFFFE00  }
.LBB2_2:
0x2e: {  	_ =	swait.ge [sflag:s23], $0x4000  }
0x2f: {  	p0 =	seq.s32 s1, $0x0;
	[sflag:s23] =	ssyncset.done $0x0  }
0x30: {  	s0 =	simm.s32 @!p0 $0x5;
	[sflag:s23] =	ssyncadd.s32 $0xFFFFC000  }
0x31: {  	_ =	swait.ge @!p0 [sflag:s0], $0x4000  }
0x32: {  	[sflag:s0] =	ssyncset.done @!p0 $0x0  }
0x33: {  	[sflag:s0] =	ssyncadd.s32 @!p0 $0xFFFFC000  }
0x34: {  	v0 =	vld [tilespmem:$0x0];
	_ =	sdelay $0x2  }
0x35: {  	s16 =	simm.s32 $0x1;
	v4 =	vld [tilespmem:$0x10]  }
0x36: {  	v1 =	vmov s16;
	v5 =	vld [tilespmem:$0x20]  }
0x37: {  	v3 =	vshll.u32 v1, $0x8;
	v6 =	vld [tilespmem:$0x30];
	v2 =	vshll.u32 v0, $0x3  }
0x38: {  	s17 =	simm.s32 $0x0;
	v1 =	vshll.u32 v1, $0x7;
	v7 =	vld [tilespmem:$0x40];
	v26 =	vand.u32 $0xFFFFFC00, v2;
	v2 =	vand.u32 $0x3800, v3  }
0x39: {  	v1 =	vand.u32 $0x380, v1;
	v14 =	vld [tilespmem:$0x50];
	v3 =	vmov s17;
	v8 =	vadd.s32 v26, v2  }
0x3a: {  	v15 =	vld [tilespmem:$0x60];
	v28 =	vand.u32 $0x7F, v0;
	v0 =	vshll.u32 v3, $0x8;
	v8 =	vor.u32 v1, v8  }
0x3b: {  	v16 =	vld [tilespmem:$0x70];
	v9 =	vshll.u32 v3, $0x7;
	v3 =	vand.u32 $0x3800, v0;
	v8 =	vor.u32 v28, v8  }
0x3c: {  	v17 =	vld [tilespmem:$0x80];
	v0 =	vand.u32 $0x300, v9;
	v9 =	vadd.s32 v26, v3  }
0x3d: {  	v18 =	vld [tilespmem:$0x90];
	v10 =	vshll.u32 v4, $0x3;
	v9 =	vor.u32 v0, v9  }
0x3e: {  	v13 =	vld [tilespmem:$0xA0];
	v32 =	vand.u32 $0xFFFFFC00, v10;
	v10 =	vor.u32 v28, v9  }
0x3f: {  	v12 =	vld [tilespmem:$0xB0];
	v9 =	vadd.s32 v32, v2  }
0x40: {  	v30 =	vand.u32 $0x7F, v4;
	v4 =	vld.idx.msk [tilespmem:v8+s18+$0x0], $0xffff;
	v8 =	vor.u32 v1, v9  }
0x41: {  	v11 =	vld [tilespmem:$0xC0];
	v19 =	vor.u32 v30, v8  }
0x42: {  	s2 =	simm.s32 $0x80;
	s0 =	sand.u32 $0x3800, s17;
	v20 =	vadd.s32 v32, v3;
	v9 =	vld [tilespmem:$0xD0]  }
0x43: {  	s2 =	sand.u32 $0x380, s2;
	s0 =	sor.u32 $0x10200, s0;
	v21 =	vshll.u32 v5, $0x3;
	v20 =	vor.u32 v0, v20;
	v22 =	vld.idx.msk [tilespmem:v10+s18+$0x0], $0xffff  }
0x44: {  	s7 =	sadd.s32 s2, s0;
	v33 =	vand.u32 $0xFFFFFC00, v21;
	v20 =	vor.u32 v30, v20;
	v8 =	vld [tilespmem:$0xE0]  }
0x45: {  	s22 =	simm.s32 $0x0;
	v10 =	vld [tilespmem:$0xF0];
	[tilespmem:s7+$0x0] =	vst v4;
	v4 =	vadd.s32 v33, v2  }
0x46: {  	s2 =	sand.u32 $0x300, s22;
	v34 =	vand.u32 $0x7F, v5;
	v5 =	vld.idx.msk [tilespmem:v19+s18+$0x0], $0xffff;
	v4 =	vor.u32 v1, v4  }
0x47: {  	s8 =	sadd.s32 s2, s0;
	v4 =	vor.u32 v34, v4  }
0x48: {  	v19 =	vadd.s32 v33, v3;
	[tilespmem:s8+$0x0] =	vst v22  }
0x49: {  	v21 =	vshll.u32 v6, $0x3;
	v19 =	vor.u32 v0, v19;
	v20 =	vld.idx.msk [tilespmem:v20+s18+$0x0], $0xffff  }
0x4a: {  	v37 =	vand.u32 $0xFFFFFC00, v21;
	v19 =	vor.u32 v34, v19  }
0x4b: {  	[tilespmem:s7+$0x10] =	vst v5;
	v5 =	vadd.s32 v37, v2  }
0x4c: {  	v36 =	vand.u32 $0x7F, v6;
	v4 =	vld.idx.msk [tilespmem:v4+s18+$0x0], $0xffff;
	v5 =	vor.u32 v1, v5  }
0x4d: {  	v5 =	vor.u32 v36, v5  }
0x4e: {  	v6 =	vadd.s32 v37, v3;
	[tilespmem:s8+$0x10] =	vst v20  }
0x4f: {  	v6 =	vor.u32 v0, v6;
	v20 =	vshll.u32 v7, $0x3;
	v19 =	vld.idx.msk [tilespmem:v19+s18+$0x0], $0xffff  }
0x50: {  	v6 =	vor.u32 v36, v6;
	v39 =	vand.u32 $0xFFFFFC00, v20  }
0x51: {  	[tilespmem:s7+$0x20] =	vst v4;
	v4 =	vadd.s32 v39, v2  }
0x52: {  	v38 =	vand.u32 $0x7F, v7;
	v5 =	vld.idx.msk [tilespmem:v5+s18+$0x0], $0xffff;
	v4 =	vor.u32 v1, v4  }
0x53: {  	v35 =	vand.u32 $0x7F, v14;
	v27 =	vand.u32 $0x7F, v15;
	v4 =	vor.u32 v38, v4  }
0x54: {  	v23 =	vand.u32 $0x7F, v17;
	v7 =	vshll.u32 v14, $0x3;
	[tilespmem:s8+$0x20] =	vst v19;
	v19 =	vadd.s32 v39, v3  }
0x55: {  	v17 =	vshll.u32 v17, $0x3;
	v40 =	vand.u32 $0xFFFFFC00, v7;
	v6 =	vld.idx.msk [tilespmem:v6+s18+$0x0], $0xffff;
	v7 =	vor.u32 v0, v19  }
0x56: {  	v29 =	vand.u32 $0xFFFFFC00, v17;
	v14 =	vshll.u32 v15, $0x3;
	v7 =	vor.u32 v38, v7  }
0x57: {  	s2 =	simm.s32 $0x2;
	v31 =	vand.u32 $0xFFFFFC00, v14;
	v14 =	vshll.u32 v16, $0x3;
	[tilespmem:s7+$0x30] =	vst v5;
	v5 =	vadd.s32 v40, v2  }
0x58: {  	s5 =	simm.s32 $0x3;
	v15 =	vmov s2;
	v24 =	vand.u32 $0xFFFFFC00, v14;
	v14 =	vld.idx.msk [tilespmem:v4+s18+$0x0], $0xffff;
	v4 =	vor.u32 v1, v5  }
0x59: {  	v20 =	vand.u32 $0x7F, v16;
	v16 =	vor.u32 v35, v4;
	v4 =	vmov s5  }
0x5a: {  	v19 =	vshll.u32 v15, $0x7;
	v5 =	vadd.s32 v40, v3;
	[tilespmem:s8+$0x30] =	vst v6;
	v6 =	vshll.u32 v4, $0x8  }
0x5b: {  	v21 =	vld.idx.msk [tilespmem:v7+s18+$0x0], $0xffff;
	v7 =	vor.u32 v0, v5;
	v4 =	vshll.u32 v4, $0x7;
	v5 =	vand.u32 $0x3800, v6  }
0x5c: {  	v22 =	vor.u32 v35, v7;
	v4 =	vand.u32 $0x380, v4;
	v6 =	vadd.s32 v26, v5  }
0x5d: {  	v7 =	vshll.u32 v15, $0x8;
	[tilespmem:s7+$0x40] =	vst v14;
	v6 =	vor.u32 v4, v6;
	v14 =	vadd.s32 v31, v2  }
0x5e: {  	v7 =	vand.u32 $0x3800, v7;
	v15 =	vld.idx.msk [tilespmem:v16+s18+$0x0], $0xffff;
	v16 =	vor.u32 v28, v6;
	v14 =	vor.u32 v1, v14  }
0x5f: {  	v6 =	vand.u32 $0x300, v19;
	v19 =	vadd.s32 v26, v7;
	v14 =	vor.u32 v27, v14  }
0x60: {  	v45 =	vadd.s32 v29, v3;
	v25 =	vadd.s32 v31, v3;
	[tilespmem:s8+$0x40] =	vst v21;
	v19 =	vor.u32 v6, v19  }
0x61: {  	v45 =	vor.u32 v0, v45;
	v21 =	vld.idx.msk [tilespmem:v22+s18+$0x0], $0xffff;
	v22 =	vor.u32 v28, v19;
	v19 =	vor.u32 v0, v25  }
0x62: {  	v45 =	vor.u32 v23, v45;
	v25 =	vadd.s32 v32, v5;
	v17 =	vor.u32 v27, v19  }
0x63: {  	v19 =	vand.u32 $0x7F, v18;
	v18 =	vshll.u32 v18, $0x3;
	v41 =	vld.idx.msk [tilespmem:v16+s18+$0x0], $0xffff;
	[tilespmem:s7+$0x50] =	vst v15;
	v16 =	vadd.s32 v24, v2  }
0x64: {  	v15 =	vor.u32 v4, v25;
	v25 =	vand.u32 $0xFFFFFC00, v18;
	v42 =	vld.idx.msk [tilespmem:v14+s18+$0x0], $0xffff;
	v14 =	vor.u32 v1, v16  }
0x65: {  	s5 =	simm.s32 $0x200;
	v15 =	vor.u32 v30, v15;
	v18 =	vor.u32 v20, v14;
	v14 =	vadd.s32 v32, v7  }
0x66: {  	s22 =	simm.s32 $0x180;
	s6 =	sand.u32 $0x3800, s5;
	v16 =	vand.u32 $0x7F, v13;
	v43 =	vld.idx.msk [tilespmem:v22+s18+$0x0], $0xffff;
	[tilespmem:s8+$0x50] =	vst v21;
	v21 =	vadd.s32 v24, v3;
	v14 =	vor.u32 v6, v14  }
0x67: {  	s9 =	sand.u32 $0x380, s22;
	s0 =	sor.u32 $0x10200, s6;
	v13 =	vshll.u32 v13, $0x3;
	v17 =	vld.idx.msk [tilespmem:v17+s18+$0x0], $0xffff;
	v44 =	vor.u32 v30, v14;
	v14 =	vor.u32 v0, v21  }
0x68: {  	s10 =	simm.s32 $0x100;
	s9 =	sadd.s32 s9, s0;
	v22 =	vand.u32 $0xFFFFFC00, v13;
	v13 =	vadd.s32 v33, v5;
	v49 =	vor.u32 v20, v14  }
0x69: {  	s2 =	sand.u32 $0x300, s10;
	v56 =	vadd.s32 v39, v5;
	v13 =	vor.u32 v4, v13;
	v21 =	vadd.s32 v29, v2;
	[tilespmem:s9+$0x0] =	vst v41  }
0x6a: {  	s17 =	sadd.s32 s2, s0;
	v50 =	vor.u32 v34, v13;
	v14 =	vand.u32 $0x7F, v12;
	v12 =	vshll.u32 v12, $0x3;
	v15 =	vld.idx.msk [tilespmem:v15+s18+$0x0], $0xffff;
	[tilespmem:s7+$0x60] =	vst v42  }
0x6b: {  	v13 =	vor.u32 v1, v21;
	v21 =	vand.u32 $0xFFFFFC00, v12;
	v12 =	vadd.s32 v33, v7;
	v18 =	vld.idx.msk [tilespmem:v18+s18+$0x0], $0xffff;
	[tilespmem:s17+$0x0] =	vst v43  }
0x6c: {  	v51 =	vor.u32 v23, v13;
	v12 =	vor.u32 v6, v12;
	[tilespmem:s8+$0x60] =	vst v17;
	v44 =	vld.idx.msk [tilespmem:v44+s18+$0x0], $0xffff  }
0x6d: {  	v61 =	vadd.s32 v40, v5;
	v52 =	vadd.s32 v37, v7;
	v12 =	vor.u32 v34, v12;
	v41 =	vld.idx.msk [tilespmem:v49+s18+$0x0], $0xffff  }
0x6e: {  	v58 =	vadd.s32 v39, v7;
	v63 =	vadd.s32 v40, v7;
	v53 =	vadd.s32 v25, v3  }
0x6f: {  	v57 =	vadd.s32 v22, v2;
	v48 =	vadd.s32 v22, v3;
	[tilespmem:s9+$0x10] =	vst v15;
	v15 =	vadd.s32 v37, v5  }
0x70: {  	v42 =	vld.idx.msk [tilespmem:v50+s18+$0x0], $0xffff;
	[tilespmem:s7+$0x70] =	vst v18;
	v15 =	vor.u32 v4, v15;
	v18 =	vadd.s32 v25, v2  }
0x71: {  	s11 =	simm.s32 $0x4;
	v43 =	vld.idx.msk [tilespmem:v51+s18+$0x0], $0xffff;
	v46 =	vor.u32 v36, v15;
	v18 =	vor.u32 v1, v18;
	[tilespmem:s17+$0x10] =	vst v44  }
0x72: {  	v59 =	vmov s11;
	v18 =	vor.u32 v19, v18;
	v47 =	vld.idx.msk [tilespmem:v12+s18+$0x0], $0xffff;
	[tilespmem:s8+$0x70] =	vst v41;
	v12 =	vor.u32 v6, v52  }
0x73: {  	v60 =	vor.u32 v0, v48;
	v41 =	vor.u32 v0, v53;
	v54 =	vld.idx.msk [tilespmem:v45+s18+$0x0], $0xffff;
	v55 =	vor.u32 v36, v12  }
0x74: {  	v13 =	vand.u32 $0x7F, v11;
	v11 =	vshll.u32 v11, $0x3;
	v41 =	vor.u32 v19, v41  }
0x75: {  	v62 =	vadd.s32 v21, v2;
	v17 =	vand.u32 $0xFFFFFC00, v11;
	v11 =	vand.u32 $0x7F, v9;
	[tilespmem:s9+$0x20] =	vst v42  }
0x76: {  	v9 =	vshll.u32 v9, $0x3;
	v50 =	vshll.u32 v59, $0x7;
	v42 =	vor.u32 v4, v56;
	v46 =	vld.idx.msk [tilespmem:v46+s18+$0x0], $0xffff;
	[tilespmem:s7+$0x400] =	vst v43  }
0x77: {  	v15 =	vand.u32 $0xFFFFFC00, v9;
	v42 =	vor.u32 v38, v42;
	v43 =	vor.u32 v1, v57;
	v18 =	vld.idx.msk [tilespmem:v18+s18+$0x0], $0xffff;
	[tilespmem:s17+$0x20] =	vst v47  }
0x78: {  	v9 =	vand.u32 $0x7F, v8;
	v43 =	vor.u32 v16, v43;
	v47 =	vor.u32 v6, v58;
	v45 =	vld.idx.msk [tilespmem:v55+s18+$0x0], $0xffff;
	[tilespmem:s8+$0x400] =	vst v54  }
0x79: {  	s16 =	simm.s32 $0x5;
	v8 =	vshll.u32 v8, $0x3;
	v44 =	vor.u32 v4, v61;
	v52 =	vor.u32 v38, v47;
	v49 =	vld.idx.msk [tilespmem:v41+s18+$0x0], $0xffff  }
0x7a: {  	v53 =	vor.u32 v16, v60;
	v51 =	vor.u32 v35, v44;
	v44 =	vmov s16  }
0x7b: {  	v12 =	vand.u32 $0xFFFFFC00, v8;
	v8 =	vand.u32 $0x7F, v10;
	v10 =	vshll.u32 v10, $0x3;
	[tilespmem:s9+$0x30] =	vst v46  }
0x7c: {  	v10 =	vand.u32 $0xFFFFFC00, v10;
	v56 =	vadd.s32 v21, v3;
	v55 =	vor.u32 v6, v63;
	[tilespmem:s7+$0x410] =	vst v18;
	v47 =	vld.idx.msk [tilespmem:v42+s18+$0x0], $0xffff  }
0x7d: {  	v54 =	vshll.u32 v59, $0x8;
	v41 =	vadd.s32 v12, v3;
	v48 =	vld.idx.msk [tilespmem:v43+s18+$0x0], $0xffff;
	v43 =	vor.u32 v1, v62;
	[tilespmem:s17+$0x30] =	vst v45  }
0x7e: {  	v46 =	vadd.s32 v31, v7;
	v18 =	vand.u32 $0x300, v50;
	v50 =	vld.idx.msk [tilespmem:v52+s18+$0x0], $0xffff;
	[tilespmem:s8+$0x410] =	vst v49;
	v52 =	vor.u32 v14, v43  }
0x7f: {  	s6 =	sshll.u32 s1, $0x12;
	s0 =	simm.s32 $0x6;
	v42 =	vadd.s32 v15, v3;
	v43 =	vshll.u32 v44, $0x8;
	v49 =	vld.idx.msk [tilespmem:v53+s18+$0x0], $0xffff;
	v53 =	vor.u32 v0, v56  }
.LBB2_3:
0x80: {  	p1 =	slt.u32 s0, $0x3E;
	v45 =	vand.u32 $0x3800, v43;
	v43 =	vshll.u32 v44, $0x7;
	v55 =	vor.u32 v35, v55  }
0x81: {  	v56 =	vadd.s32 v26, v45;
	v44 =	vand.u32 $0x380, v43;
	[tilespmem:s9+$0x40] =	vst v47;
	v47 =	vor.u32 v14, v53  }
0x82: {  	v43 =	vand.u32 $0x3800, v54;
	v54 =	vadd.s32 v31, v5;
	v53 =	vor.u32 v44, v56;
	v51 =	vld.idx.msk [tilespmem:v51+s18+$0x0], $0xffff;
	[tilespmem:s7+$0x420] =	vst v48  }
0x83: {  	v48 =	vor.u32 v28, v53;
	v53 =	vor.u32 v4, v54;
	v52 =	vld.idx.msk [tilespmem:v52+s18+$0x0], $0xffff;
	v54 =	vadd.s32 v17, v2  }
0x84: {  	v56 =	vadd.s32 v26, v43;
	[tilespmem:s17+$0x40] =	vst v50;
	v50 =	vor.u32 v27, v53;
	v53 =	vor.u32 v1, v54  }
0x85: {  	v54 =	vor.u32 v18, v56;
	v55 =	vld.idx.msk [tilespmem:v55+s18+$0x0], $0xffff;
	[tilespmem:s8+$0x420] =	vst v49;
	v49 =	vor.u32 v13, v53  }
0x86: {  	v46 =	vor.u32 v6, v46;
	v53 =	vor.u32 v28, v54;
	v54 =	vadd.s32 v17, v3;
	v47 =	vld.idx.msk [tilespmem:v47+s18+$0x0], $0xffff  }
0x87: {  	v46 =	vor.u32 v27, v46;
	v56 =	vadd.s32 v29, v7;
	v54 =	vor.u32 v0, v54  }
0x88: {  	v57 =	vadd.s32 v32, v45;
	v48 =	vld.idx.msk [tilespmem:v48+s18+$0x0], $0xffff;
	[tilespmem:s9+$0x50] =	vst v51;
	v51 =	vor.u32 v13, v54  }
0x89: {  	v54 =	vor.u32 v44, v57;
	v57 =	vadd.s32 v24, v5;
	v50 =	vld.idx.msk [tilespmem:v50+s18+$0x0], $0xffff;
	[tilespmem:s7+$0x430] =	vst v52  }
0x8a: {  	s5 =	sadd.s32 $0x200, s5;
	v52 =	vor.u32 v30, v54;
	v54 =	vor.u32 v4, v57;
	v57 =	vadd.s32 v15, v2;
	v49 =	vld.idx.msk [tilespmem:v49+s18+$0x0], $0xffff  }
0x8b: {  	s22 =	sadd.s32 $0x100, s22;
	s2 =	sand.u32 $0x3800, s5;
	v54 =	vor.u32 v20, v54;
	v53 =	vld.idx.msk [tilespmem:v53+s18+$0x0], $0xffff;
	[tilespmem:s17+$0x50] =	vst v55;
	v55 =	vor.u32 v1, v57  }
0x8c: {  	s10 =	sadd.s32 $0xFFFFFF80, s22;
	s16 =	sand.u32 $0x380, s22;
	s2 =	sor.u32 $0x10200, s2;
	v57 =	vadd.s32 v32, v43;
	v46 =	vld.idx.msk [tilespmem:v46+s18+$0x0], $0xffff;
	[tilespmem:s8+$0x430] =	vst v47;
	v47 =	vor.u32 v11, v55  }
0x8d: {  	v42 =	vor.u32 v0, v42;
	s11 =	sand.u32 $0x300, s10;
	s10 =	sadd.s32 s16, s2;
	v55 =	vor.u32 v18, v57;
	v57 =	vadd.s32 v24, v7;
	v51 =	vld.idx.msk [tilespmem:v51+s18+$0x0], $0xffff  }
0x8e: {  	v42 =	vor.u32 v11, v42;
	s2 =	sadd.s32 s11, s2;
	v55 =	vor.u32 v30, v55;
	[tilespmem:s10+$0x0] =	vst v48;
	v48 =	vor.u32 v6, v57  }
0x8f: {  	v57 =	vadd.s32 v33, v45;
	v52 =	vld.idx.msk [tilespmem:v52+s18+$0x0], $0xffff;
	v48 =	vor.u32 v20, v48;
	[tilespmem:s9+$0x60] =	vst v50  }
0x90: {  	v50 =	vor.u32 v44, v57;
	v57 =	vadd.s32 v29, v5;
	v54 =	vld.idx.msk [tilespmem:v54+s18+$0x0], $0xffff;
	[tilespmem:s7+$0x440] =	vst v49  }
0x91: {  	v49 =	vor.u32 v34, v50;
	v50 =	vor.u32 v4, v57;
	v57 =	vadd.s32 v12, v2;
	v47 =	vld.idx.msk [tilespmem:v47+s18+$0x0], $0xffff  }
0x92: {  	v50 =	vor.u32 v23, v50;
	v57 =	vor.u32 v1, v57;
	[tilespmem:s2+$0x0] =	vst v53;
	v53 =	vadd.s32 v33, v43  }
0x93: {  	v41 =	vor.u32 v0, v41;
	v55 =	vld.idx.msk [tilespmem:v55+s18+$0x0], $0xffff;
	[tilespmem:s17+$0x60] =	vst v46;
	v46 =	vor.u32 v9, v57  }
0x94: {  	v56 =	vor.u32 v6, v56;
	v53 =	vor.u32 v18, v53;
	v48 =	vld.idx.msk [tilespmem:v48+s18+$0x0], $0xffff;
	[tilespmem:s8+$0x440] =	vst v51  }
0x95: {  	v41 =	vor.u32 v9, v41;
	v51 =	vor.u32 v34, v53;
	[tilespmem:s10+$0x10] =	vst v52;
	v42 =	vld.idx.msk [tilespmem:v42+s18+$0x0], $0xffff  }
0x96: {  	v53 =	vor.u32 v23, v56;
	v52 =	vadd.s32 v37, v45;
	v49 =	vld.idx.msk [tilespmem:v49+s18+$0x0], $0xffff;
	[tilespmem:s9+$0x70] =	vst v54  }
0x97: {  	v52 =	vor.u32 v44, v52;
	v54 =	vadd.s32 v25, v5;
	v50 =	vld.idx.msk [tilespmem:v50+s18+$0x0], $0xffff;
	[tilespmem:s7+$0x450] =	vst v47  }
0x98: {  	v56 =	vadd.s32 v10, v2;
	v47 =	vor.u32 v36, v52;
	v52 =	vor.u32 v4, v54;
	v46 =	vld.idx.msk [tilespmem:v46+s18+$0x0], $0xffff  }
0x99: {  	v3 =	vadd.s32 v10, v3;
	v1 =	vor.u32 v1, v56;
	v52 =	vor.u32 v19, v52;
	[tilespmem:s2+$0x10] =	vst v55  }
0x9a: {  	v2 =	vmov v5;
	v54 =	vadd.s32 v37, v43;
	v51 =	vld.idx.msk [tilespmem:v51+s18+$0x0], $0xffff;
	[tilespmem:s17+$0x70] =	vst v48;
	v48 =	vor.u32 v8, v1  }
0x9b: {  	v5 =	vmov v45;
	v55 =	vor.u32 v18, v54;
	v54 =	vadd.s32 v25, v7;
	v53 =	vld.idx.msk [tilespmem:v53+s18+$0x0], $0xffff;
	[tilespmem:s8+$0x450] =	vst v42  }
0x9c: {  	v45 =	vor.u32 v6, v54;
	v1 =	vmov v4;
	v42 =	vor.u32 v36, v55;
	[tilespmem:s10+$0x20] =	vst v49;
	v41 =	vld.idx.msk [tilespmem:v41+s18+$0x0], $0xffff  }
0x9d: {  	v54 =	vor.u32 v0, v3;
	v4 =	vmov v44;
	v45 =	vor.u32 v19, v45;
	v47 =	vld.idx.msk [tilespmem:v47+s18+$0x0], $0xffff;
	[tilespmem:s9+$0x400] =	vst v50  }
0x9e: {  	v44 =	vadd.s32 v39, v5;
	v3 =	vmov v7;
	v50 =	vor.u32 v8, v54;
	v49 =	vld.idx.msk [tilespmem:v52+s18+$0x0], $0xffff;
	[tilespmem:s7+$0x460] =	vst v46  }
0x9f: {  	v7 =	vmovc v43;
	v0 =	vmov v6;
	v44 =	vor.u32 v4, v44;
	v46 =	vadd.s32 v22, v2;
	v48 =	vld.idx.msk [tilespmem:v48+s18+$0x0], $0xffff  }
0xa0: {  	v6 =	vmov v18;
	v43 =	vor.u32 v38, v44;
	v44 =	vor.u32 v1, v46;
	[tilespmem:s2+$0x20] =	vst v51  }
0xa1: {  	v18 =	vadd.s32 v39, v7;
	v44 =	vor.u32 v16, v44;
	v46 =	vld.idx.msk [tilespmem:v42+s18+$0x0], $0xffff;
	[tilespmem:s17+$0x400] =	vst v53  }
0xa2: {  	v18 =	vor.u32 v6, v18;
	v51 =	vadd.s32 v22, v3;
	v42 =	vmov s0;
	v45 =	vld.idx.msk [tilespmem:v45+s18+$0x0], $0xffff;
	[tilespmem:s8+$0x460] =	vst v41  }
0xa3: {  	v53 =	vor.u32 v38, v18;
	v18 =	vor.u32 v0, v51;
	v52 =	vshll.u32 v42, $0x7;
	[tilespmem:s10+$0x30] =	vst v47;
	v56 =	vld.idx.msk [tilespmem:v50+s18+$0x0], $0xffff  }
0xa4: {  	v54 =	vshll.u32 v42, $0x8;
	v57 =	vor.u32 v16, v18;
	v41 =	vadd.s32 v12, v3;
	[tilespmem:s9+$0x410] =	vst v49  }
.Ltmp2:
0xa5: {  	v42 =	vadd.s32 v15, v3;
	v18 =	vand.u32 $0x300, v52;
	v47 =	vld.idx.msk [tilespmem:v43+s18+$0x0], $0xffff;
	v43 =	vadd.s32 v40, v5;
	[tilespmem:s7+$0x470] =	vst v48;
	s7 =	smov.u32 s9;
	s9 =	smov.u32 s10;
	(pc) =	sbr.rel @p1 .LBB2_3-.Ltmp2, $4  }
0xa6: {  	v58 =	vadd.s32 v21, v3;
	v43 =	vor.u32 v4, v43;
	v48 =	vld.idx.msk [tilespmem:v44+s18+$0x0], $0xffff;
	v44 =	vadd.s32 v21, v2  }
0xa7: {  	s10 =	sadd.s32 $0x1, s0;
	[tilespmem:s2+$0x30] =	vst v46;
	v46 =	vadd.s32 v31, v7;
	v51 =	vor.u32 v35, v43;
	v43 =	vor.u32 v1, v44  }
0xa8: {  	v49 =	vadd.s32 v40, v7;
	v44 =	vmov s10;
	v50 =	vld.idx.msk [tilespmem:v53+s18+$0x0], $0xffff;
	[tilespmem:s17+$0x410] =	vst v45;
	v52 =	vor.u32 v14, v43  }
0xa9: {  	s0 =	sadd.s32 $0x2, s0;
	v55 =	vor.u32 v6, v49;
	v43 =	vshll.u32 v44, $0x8;
	v53 =	vor.u32 v0, v58;
	v49 =	vld.idx.msk [tilespmem:v57+s18+$0x0], $0xffff;
	[tilespmem:s8+$0x470] =	vst v56;
	s8 =	smov.u32 s17;
	s17 =	smov.u32 s2  }
0xaa: {  	v43 =	vand.u32 $0x3800, v43;
	v44 =	vshll.u32 v44, $0x7  }
0xab: {  	v45 =	vand.u32 $0x3800, v54;
	v56 =	vadd.s32 v26, v43;
	v44 =	vand.u32 $0x380, v44  }
0xac: {  	v61 =	vadd.s32 v26, v45;
	v60 =	vor.u32 v44, v56  }
0xad: {  	v26 =	vor.u32 v18, v61;
	v54 =	vor.u32 v28, v60  }
0xae: {  	v26 =	vor.u32 v28, v26;
	_ =	sdelay $0x2  }
0xaf: {  	v62 =	vadd.s32 v32, v43  }
0xb0: {  	v63 =	vadd.s32 v32, v45;
	v28 =	vor.u32 v44, v62;
	v54 =	vld.idx.msk [tilespmem:v54+s18+$0x0], $0xffff  }
0xb1: {  	s0 =	sadd.s32 $0x200, s5;
	v32 =	vor.u32 v18, v63;
	v28 =	vor.u32 v30, v28;
	v26 =	vld.idx.msk [tilespmem:v26+s18+$0x0], $0xffff  }
0xb2: {  	s2 =	sadd.s32 $0x100, s22;
	s0 =	sand.u32 $0x3800, s0;
	v56 =	vor.u32 v30, v32  }
0xb3: {  	s11 =	sadd.s32 $0xFFFFFF80, s2;
	s2 =	sand.u32 $0x380, s2;
	s0 =	sor.u32 $0x10200, s0  }
0xb4: {  	s10 =	sand.u32 $0x300, s11;
	s16 =	sadd.s32 s2, s0  }
0xb5: {  	v57 =	vadd.s32 v33, v43;
	s0 =	sadd.s32 s10, s0;
	[tilespmem:s16+$0x0] =	vst v54  }
0xb6: {  	v58 =	vadd.s32 v33, v45;
	v32 =	vor.u32 v44, v57;
	[tilespmem:s0+$0x0] =	vst v26;
	v28 =	vld.idx.msk [tilespmem:v28+s18+$0x0], $0xffff  }
0xb7: {  	v32 =	vor.u32 v34, v32;
	v26 =	vor.u32 v18, v58;
	v30 =	vld.idx.msk [tilespmem:v56+s18+$0x0], $0xffff  }
0xb8: {  	v26 =	vor.u32 v34, v26;
	_ =	sdelay $0x2  }
0xb9: {  	v59 =	vadd.s32 v37, v43;
	[tilespmem:s16+$0x10] =	vst v28  }
0xba: {  	v60 =	vadd.s32 v37, v45;
	v28 =	vor.u32 v44, v59;
	[tilespmem:s0+$0x10] =	vst v30;
	v32 =	vld.idx.msk [tilespmem:v32+s18+$0x0], $0xffff  }
0xbb: {  	v30 =	vor.u32 v18, v60;
	v28 =	vor.u32 v36, v28;
	v26 =	vld.idx.msk [tilespmem:v26+s18+$0x0], $0xffff  }
0xbc: {  	v30 =	vor.u32 v36, v30;
	_ =	sdelay $0x2  }
0xbd: {  	v61 =	vadd.s32 v39, v43;
	[tilespmem:s16+$0x20] =	vst v32  }
0xbe: {  	v62 =	vadd.s32 v39, v45;
	v32 =	vor.u32 v44, v61;
	[tilespmem:s0+$0x20] =	vst v26;
	v28 =	vld.idx.msk [tilespmem:v28+s18+$0x0], $0xffff  }
0xbf: {  	v26 =	vor.u32 v18, v62;
	v32 =	vor.u32 v38, v32;
	v30 =	vld.idx.msk [tilespmem:v30+s18+$0x0], $0xffff  }
0xc0: {  	v26 =	vor.u32 v38, v26;
	_ =	sdelay $0x2  }
0xc1: {  	v63 =	vor.u32 v35, v55;
	v38 =	vadd.s32 v40, v43;
	[tilespmem:s16+$0x30] =	vst v28  }
0xc2: {  	v39 =	vadd.s32 v40, v45;
	v28 =	vor.u32 v44, v38;
	[tilespmem:s0+$0x30] =	vst v30;
	v32 =	vld.idx.msk [tilespmem:v32+s18+$0x0], $0xffff  }
0xc3: {  	[tilespmem:s9+$0x40] =	vst v47;
	v30 =	vor.u32 v18, v39;
	v28 =	vor.u32 v35, v28;
	v26 =	vld.idx.msk [tilespmem:v26+s18+$0x0], $0xffff  }
0xc4: {  	v47 =	vor.u32 v14, v53;
	v51 =	vld.idx.msk [tilespmem:v51+s18+$0x0], $0xffff;
	[tilespmem:s7+$0x420] =	vst v48;
	v30 =	vor.u32 v35, v30  }
0xc5: {  	v48 =	vadd.s32 v29, v7;
	v53 =	vld.idx.msk [tilespmem:v52+s18+$0x0], $0xffff;
	[tilespmem:s17+$0x40] =	vst v50;
	v40 =	vadd.s32 v31, v5  }
0xc6: {  	v55 =	vadd.s32 v31, v43;
	v57 =	vadd.s32 v17, v2;
	v33 =	vld.idx.msk [tilespmem:v63+s18+$0x0], $0xffff;
	v34 =	vor.u32 v4, v40  }
0xc7: {  	v54 =	vor.u32 v6, v46;
	v56 =	vadd.s32 v31, v45;
	v34 =	vor.u32 v27, v34;
	[tilespmem:s16+$0x40] =	vst v32  }
0xc8: {  	v38 =	vor.u32 v27, v54;
	v32 =	vor.u32 v44, v55;
	[tilespmem:s0+$0x40] =	vst v26;
	v28 =	vld.idx.msk [tilespmem:v28+s18+$0x0], $0xffff  }
0xc9: {  	[tilespmem:s8+$0x420] =	vst v49;
	v31 =	vor.u32 v18, v56;
	v32 =	vor.u32 v27, v32;
	v30 =	vld.idx.msk [tilespmem:v30+s18+$0x0], $0xffff  }
0xca: {  	v50 =	vadd.s32 v29, v43;
	[tilespmem:s9+$0x50] =	vst v51;
	v58 =	vadd.s32 v24, v5;
	v59 =	vor.u32 v27, v31  }
0xcb: {  	v51 =	vadd.s32 v29, v45;
	[tilespmem:s7+$0x430] =	vst v53;
	v60 =	vor.u32 v4, v58;
	v61 =	vadd.s32 v24, v7  }
0xcc: {  	[tilespmem:s17+$0x50] =	vst v33;
	v62 =	vor.u32 v6, v61;
	v31 =	vor.u32 v20, v60;
	v34 =	vld.idx.msk [tilespmem:v34+s18+$0x0], $0xffff  }
0xcd: {  	v33 =	vor.u32 v20, v62;
	v63 =	vld.idx.msk [tilespmem:v38+s18+$0x0], $0xffff;
	v38 =	vadd.s32 v24, v43;
	[tilespmem:s16+$0x50] =	vst v28  }
0xce: {  	v39 =	vadd.s32 v24, v45;
	v28 =	vor.u32 v44, v38;
	[tilespmem:s0+$0x50] =	vst v30;
	v32 =	vld.idx.msk [tilespmem:v32+s18+$0x0], $0xffff  }
0xcf: {  	v53 =	vadd.s32 v15, v2;
	v24 =	vor.u32 v18, v39;
	v28 =	vor.u32 v20, v28;
	v27 =	vld.idx.msk [tilespmem:v59+s18+$0x0], $0xffff  }
0xd0: {  	v46 =	vadd.s32 v29, v5;
	v29 =	vor.u32 v18, v51;
	v35 =	vld.idx.msk [tilespmem:v47+s18+$0x0], $0xffff;
	v47 =	vor.u32 v20, v24  }
0xd1: {  	v51 =	vadd.s32 v12, v2;
	v49 =	vor.u32 v4, v46;
	v46 =	vadd.s32 v22, v43;
	[tilespmem:s9+$0x60] =	vst v34  }
0xd2: {  	v58 =	vadd.s32 v25, v7;
	v36 =	vadd.s32 v22, v5;
	v31 =	vld.idx.msk [tilespmem:v31+s18+$0x0], $0xffff;
	[tilespmem:s17+$0x60] =	vst v63  }
0xd3: {  	v24 =	vor.u32 v6, v48;
	v34 =	vor.u32 v23, v49;
	v33 =	vld.idx.msk [tilespmem:v33+s18+$0x0], $0xffff;
	[tilespmem:s16+$0x60] =	vst v32  }
0xd4: {  	v24 =	vor.u32 v23, v24;
	v32 =	vor.u32 v44, v50;
	[tilespmem:s0+$0x60] =	vst v27;
	v28 =	vld.idx.msk [tilespmem:v28+s18+$0x0], $0xffff  }
0xd5: {  	v40 =	vadd.s32 v17, v3;
	v60 =	vadd.s32 v25, v45;
	v52 =	vor.u32 v23, v32;
	v20 =	vld.idx.msk [tilespmem:v47+s18+$0x0], $0xffff  }
0xd6: {  	v54 =	vadd.s32 v25, v5;
	v26 =	vor.u32 v1, v57;
	v55 =	vor.u32 v23, v29  }
0xd7: {  	v57 =	vor.u32 v4, v54;
	v26 =	vor.u32 v13, v26;
	v30 =	vor.u32 v0, v40;
	[tilespmem:s9+$0x70] =	vst v31  }
0xd8: {  	v30 =	vor.u32 v13, v30;
	v31 =	vor.u32 v19, v57;
	v34 =	vld.idx.msk [tilespmem:v34+s18+$0x0], $0xffff;
	[tilespmem:s17+$0x70] =	vst v33  }
0xd9: {  	v59 =	vadd.s32 v25, v43;
	v24 =	vld.idx.msk [tilespmem:v24+s18+$0x0], $0xffff;
	v32 =	vor.u32 v6, v58;
	[tilespmem:s16+$0x70] =	vst v28  }
0xda: {  	v32 =	vor.u32 v19, v32;
	v28 =	vor.u32 v44, v59;
	[tilespmem:s0+$0x70] =	vst v20;
	v27 =	vld.idx.msk [tilespmem:v52+s18+$0x0], $0xffff  }
0xdb: {  	v56 =	vor.u32 v1, v53;
	v20 =	vor.u32 v18, v60;
	v61 =	vor.u32 v19, v28;
	v23 =	vld.idx.msk [tilespmem:v55+s18+$0x0], $0xffff  }
0xdc: {  	v62 =	vor.u32 v11, v56;
	[tilespmem:s8+$0x430] =	vst v35;
	v26 =	vld.idx.msk [tilespmem:v26+s18+$0x0], $0xffff;
	v37 =	vor.u32 v19, v20  }
0xdd: {  	v39 =	vadd.s32 v22, v7;
	v38 =	vor.u32 v0, v42;
	v63 =	vld.idx.msk [tilespmem:v30+s18+$0x0], $0xffff;
	[tilespmem:s9+$0x400] =	vst v34  }
0xde: {  	v42 =	vor.u32 v6, v39;
	v30 =	vor.u32 v4, v36;
	v31 =	vld.idx.msk [tilespmem:v31+s18+$0x0], $0xffff;
	[tilespmem:s17+$0x400] =	vst v24  }
0xdf: {  	v40 =	vor.u32 v16, v30;
	v30 =	vor.u32 v16, v42;
	v32 =	vld.idx.msk [tilespmem:v32+s18+$0x0], $0xffff;
	[tilespmem:s16+$0x400] =	vst v27  }
0xe0: {  	v47 =	vadd.s32 v22, v45;
	v27 =	vor.u32 v44, v46;
	[tilespmem:s0+$0x400] =	vst v23;
	v25 =	vld.idx.msk [tilespmem:v61+s18+$0x0], $0xffff  }
0xe1: {  	v53 =	vadd.s32 v21, v43;
	v22 =	vor.u32 v18, v47;
	v48 =	vor.u32 v16, v27;
	v19 =	vld.idx.msk [tilespmem:v37+s18+$0x0], $0xffff  }
0xe2: {  	v54 =	vadd.s32 v21, v45;
	v35 =	vadd.s32 v15, v7;
	[tilespmem:s7+$0x440] =	vst v26;
	v50 =	vor.u32 v16, v22  }
0xe3: {  	v49 =	vadd.s32 v21, v5;
	v57 =	vor.u32 v0, v41;
	v26 =	vld.idx.msk [tilespmem:v62+s18+$0x0], $0xffff;
	[tilespmem:s9+$0x410] =	vst v31  }
0xe4: {  	v52 =	vadd.s32 v21, v7;
	v24 =	vld.idx.msk [tilespmem:v40+s18+$0x0], $0xffff;
	[tilespmem:s17+$0x410] =	vst v32;
	v27 =	vor.u32 v4, v49  }
0xe5: {  	v28 =	vor.u32 v6, v52;
	v30 =	vld.idx.msk [tilespmem:v30+s18+$0x0], $0xffff;
	v27 =	vor.u32 v14, v27;
	[tilespmem:s16+$0x410] =	vst v25  }
0xe6: {  	v28 =	vor.u32 v14, v28;
	v25 =	vor.u32 v44, v53;
	[tilespmem:s0+$0x410] =	vst v19;
	v23 =	vld.idx.msk [tilespmem:v48+s18+$0x0], $0xffff  }
0xe7: {  	v41 =	vadd.s32 v12, v5;
	v21 =	vor.u32 v18, v54;
	v56 =	vor.u32 v14, v25;
	v16 =	vld.idx.msk [tilespmem:v50+s18+$0x0], $0xffff  }
0xe8: {  	v62 =	vadd.s32 v17, v43;
	v36 =	vadd.s32 v15, v43;
	[tilespmem:s8+$0x440] =	vst v63;
	v59 =	vor.u32 v14, v21  }
0xe9: {  	v58 =	vadd.s32 v17, v5;
	v34 =	vadd.s32 v10, v2;
	v63 =	vadd.s32 v17, v45;
	[tilespmem:s9+$0x420] =	vst v24  }
0xea: {  	v60 =	vor.u32 v4, v58;
	v61 =	vadd.s32 v17, v7;
	[tilespmem:s17+$0x420] =	vst v30;
	v27 =	vld.idx.msk [tilespmem:v27+s18+$0x0], $0xffff  }
0xeb: {  	v21 =	vor.u32 v13, v60;
	v24 =	vor.u32 v6, v61;
	v28 =	vld.idx.msk [tilespmem:v28+s18+$0x0], $0xffff;
	[tilespmem:s16+$0x420] =	vst v23  }
0xec: {  	v24 =	vor.u32 v13, v24;
	v23 =	vor.u32 v44, v62;
	[tilespmem:s0+$0x420] =	vst v16;
	v22 =	vld.idx.msk [tilespmem:v56+s18+$0x0], $0xffff  }
0xed: {  	v2 =	vor.u32 v4, v41;
	v16 =	vor.u32 v18, v63;
	v30 =	vor.u32 v13, v23;
	v14 =	vld.idx.msk [tilespmem:v59+s18+$0x0], $0xffff  }
0xee: {  	v2 =	vor.u32 v9, v2;
	v47 =	vadd.s32 v12, v43;
	v33 =	vor.u32 v13, v16  }
0xef: {  	v20 =	vor.u32 v11, v38;
	v55 =	vor.u32 v1, v51;
	v32 =	vadd.s32 v15, v5;
	[tilespmem:s9+$0x430] =	vst v27  }
0xf0: {  	v37 =	vadd.s32 v15, v45;
	v25 =	vor.u32 v4, v32;
	[tilespmem:s17+$0x430] =	vst v28;
	v21 =	vld.idx.msk [tilespmem:v21+s18+$0x0], $0xffff  }
0xf1: {  	v25 =	vor.u32 v11, v25;
	v16 =	vor.u32 v6, v35;
	v24 =	vld.idx.msk [tilespmem:v24+s18+$0x0], $0xffff;
	[tilespmem:s16+$0x430] =	vst v22  }
0xf2: {  	v16 =	vor.u32 v11, v16;
	v22 =	vor.u32 v44, v36;
	[tilespmem:s0+$0x430] =	vst v14;
	v19 =	vld.idx.msk [tilespmem:v30+s18+$0x0], $0xffff  }
0xf3: {  	v31 =	vor.u32 v9, v57;
	v15 =	vor.u32 v18, v37;
	v39 =	vor.u32 v11, v22;
	v13 =	vld.idx.msk [tilespmem:v33+s18+$0x0], $0xffff  }
0xf4: {  	[tilespmem:s7+$0x450] =	vst v26;
	v38 =	vadd.s32 v10, v3;
	v54 =	vadd.s32 v10, v7;
	v42 =	vor.u32 v11, v15  }
0xf5: {  	v29 =	vor.u32 v9, v55;
	v20 =	vld.idx.msk [tilespmem:v20+s18+$0x0], $0xffff;
	v46 =	vadd.s32 v12, v7;
	[tilespmem:s9+$0x440] =	vst v21  }
0xf6: {  	v57 =	vadd.s32 v10, v43;
	v15 =	vor.u32 v6, v46;
	[tilespmem:s17+$0x440] =	vst v24;
	v21 =	vld.idx.msk [tilespmem:v25+s18+$0x0], $0xffff  }
0xf7: {  	v40 =	vor.u32 v1, v34;
	v15 =	vor.u32 v9, v15;
	v16 =	vld.idx.msk [tilespmem:v16+s18+$0x0], $0xffff;
	[tilespmem:s16+$0x440] =	vst v19  }
0xf8: {  	v48 =	vadd.s32 v12, v45;
	v19 =	vor.u32 v44, v47;
	[tilespmem:s0+$0x440] =	vst v13;
	v14 =	vld.idx.msk [tilespmem:v39+s18+$0x0], $0xffff  }
0xf9: {  	v51 =	vor.u32 v0, v38;
	v12 =	vor.u32 v18, v48;
	v49 =	vor.u32 v9, v19;
	v11 =	vld.idx.msk [tilespmem:v42+s18+$0x0], $0xffff  }
0xfa: {  	v52 =	vadd.s32 v10, v5;
	v17 =	vld.idx.msk [tilespmem:v29+s18+$0x0], $0xffff;
	[tilespmem:s8+$0x450] =	vst v20;
	v53 =	vor.u32 v9, v12  }
0xfb: {  	v55 =	vor.u32 v6, v54;
	v1 =	vor.u32 v8, v40;
	v50 =	vld.idx.msk [tilespmem:v31+s18+$0x0], $0xffff;
	[tilespmem:s9+$0x450] =	vst v21  }
0xfc: {  	v0 =	vor.u32 v8, v51;
	v3 =	vor.u32 v4, v52;
	[tilespmem:s17+$0x450] =	vst v16;
	v2 =	vld.idx.msk [tilespmem:v2+s18+$0x0], $0xffff  }
0xfd: {  	v3 =	vor.u32 v8, v3;
	v7 =	vor.u32 v44, v57;
	v56 =	vld.idx.msk [tilespmem:v15+s18+$0x0], $0xffff;
	[tilespmem:s16+$0x450] =	vst v14  }
0xfe: {  	v4 =	vor.u32 v8, v55;
	v59 =	vadd.s32 v10, v45;
	[tilespmem:s0+$0x450] =	vst v11;
	v58 =	vld.idx.msk [tilespmem:v49+s18+$0x0], $0xffff  }
0xff: {  	v7 =	vor.u32 v8, v7;
	[tilespmem:s7+$0x460] =	vst v17;
	v10 =	vor.u32 v18, v59;
	v5 =	vld.idx.msk [tilespmem:v53+s18+$0x0], $0xffff  }
0x100: {  	v1 =	vld.idx.msk [tilespmem:v1+s18+$0x0], $0xffff;
	[tilespmem:s8+$0x460] =	vst v50;
	v60 =	vor.u32 v8, v10  }
0x101: {  	v0 =	vld.idx.msk [tilespmem:v0+s18+$0x0], $0xffff;
	[tilespmem:s9+$0x460] =	vst v2  }
0x102: {  	[tilespmem:s17+$0x460] =	vst v56;
	v2 =	vld.idx.msk [tilespmem:v3+s18+$0x0], $0xffff  }
0x103: {  	v61 =	vld.idx.msk [tilespmem:v4+s18+$0x0], $0xffff;
	[tilespmem:s16+$0x460] =	vst v58  }
0x104: {  	[tilespmem:s0+$0x460] =	vst v5;
	v62 =	vld.idx.msk [tilespmem:v7+s18+$0x0], $0xffff  }
0x105: {  	[tilespmem:s7+$0x470] =	vst v1;
	v63 =	vld.idx.msk [tilespmem:v60+s18+$0x0], $0xffff  }
0x106: {  	p1 =	sne.s32 s1, $0xF;
	[tilespmem:s8+$0x470] =	vst v0  }
.Ltmp3:
0x107: {  	[tilespmem:s9+$0x470] =	vst v2;
	(pc) =	sbr.rel @p1 .LBB2_6-.Ltmp3, $4  }
0x108: {  	[tilespmem:s17+$0x470] =	vst v61  }
0x109: {  	s22 =	rddreg [dreg:$0x2];
	s7 =	sor.u32 s4, s6;
	[tilespmem:s16+$0x470] =	vst v62  }
0x10a: {  	[tilespmem:s0+$0x470] =	vst v63;
	s0 =	sadd.s32 s22, s7  }
0x10b: {  	[hbm4b:s0+s3] =	stream.linear.scatter [tilespmem:s24], [sflag:$0x5], $0x4000, $0x38;
	[tilespmem:$0x18200] =	vst v63  }
.Ltmp4:
0x10c: {  	(pc) =	sbr.rel .LBB2_7-.Ltmp4, $4  }
0x10d: {  	_ = 	snop  }
0x10e: {  	_ =	swait.ge [sflag:s25], $0x4000  }
0x10f: {  	[sflag:s25] =	ssyncset.done $0x0  }
0x110: {  	[sflag:s25] =	ssyncadd.s32 $0xFFFFC000  }
.LBB2_6:
0x111: {  	s0 =	rddreg [dreg:$0x9]  }
.Ltmp5:
0x112: {  	s0 =	sadd.s32 s6, s0;
	(pc) =	sbr.rel @p0 .LBB2_8-.Ltmp5, $4  }
0x113: {  	[tilespmem:s18], [sflag:$0x1] =	stream.linear.gather [hbm4b:s0+s3], $0x4000, $0x38;
	[tilespmem:$0x18200] =	vst v63  }
0x114: {  	_ =	swait.ge [sflag:s25], $0x4000  }
0x115: {  	[sflag:s25] =	ssyncset.done $0x0  }
0x116: {  	[sflag:s25] =	ssyncadd.s32 $0xFFFFC000  }
.LBB2_7:
0x117: {  	_ =	swait.ge [sflag:s26], $0x4000  }
0x118: {  	[sflag:s26] =	ssyncset.done $0x0  }
0x119: {  	[sflag:s26] =	ssyncadd.s32 $0xFFFFC000  }
.LBB2_8:
0x11a: {  	v0 =	vld [tilespmem:$0x100];
	_ =	sdelay $0x2  }
0x11b: {  	v4 =	vld [tilespmem:$0x110];
	s0 =	simm.s32 $0x1  }
0x11c: {  	v5 =	vld [tilespmem:$0x120];
	v1 =	vmov s0  }
0x11d: {  	v6 =	vld [tilespmem:$0x130];
	v3 =	vshll.u32 v1, $0x8;
	v2 =	vshll.u32 v0, $0x3  }
0x11e: {  	v7 =	vld [tilespmem:$0x140];
	s11 =	simm.s32 $0x0;
	v1 =	vshll.u32 v1, $0x7;
	v26 =	vand.u32 $0xFFFFFC00, v2;
	v2 =	vand.u32 $0x3800, v3  }
0x11f: {  	v14 =	vld [tilespmem:$0x150];
	v1 =	vand.u32 $0x380, v1;
	v3 =	vmov s11;
	v8 =	vadd.s32 v26, v2  }
0x120: {  	v15 =	vld [tilespmem:$0x160];
	v28 =	vand.u32 $0x7F, v0;
	v0 =	vshll.u32 v3, $0x8;
	v8 =	vor.u32 v1, v8  }
0x121: {  	v16 =	vld [tilespmem:$0x170];
	v9 =	vshll.u32 v3, $0x7;
	v3 =	vand.u32 $0x3800, v0;
	v8 =	vor.u32 v28, v8  }
0x122: {  	v17 =	vld [tilespmem:$0x180];
	v0 =	vand.u32 $0x300, v9;
	v9 =	vadd.s32 v26, v3  }
0x123: {  	v18 =	vld [tilespmem:$0x190];
	v10 =	vshll.u32 v4, $0x3;
	v9 =	vor.u32 v0, v9  }
0x124: {  	v13 =	vld [tilespmem:$0x1A0];
	v32 =	vand.u32 $0xFFFFFC00, v10;
	v10 =	vor.u32 v28, v9  }
0x125: {  	v12 =	vld [tilespmem:$0x1B0];
	v9 =	vadd.s32 v32, v2  }
0x126: {  	v30 =	vand.u32 $0x7F, v4;
	v4 =	vld.idx.msk [tilespmem:v8+s19+$0x0], $0xffff;
	v8 =	vor.u32 v1, v9  }
0x127: {  	v11 =	vld [tilespmem:$0x1C0];
	v19 =	vor.u32 v30, v8  }
0x128: {  	s2 =	simm.s32 $0x80;
	s0 =	sand.u32 $0x3800, s11;
	v20 =	vadd.s32 v32, v3;
	v9 =	vld [tilespmem:$0x1D0]  }
0x129: {  	s2 =	sand.u32 $0x380, s2;
	s0 =	sor.u32 $0x14200, s0;
	v21 =	vshll.u32 v5, $0x3;
	v20 =	vor.u32 v0, v20;
	v22 =	vld.idx.msk [tilespmem:v10+s19+$0x0], $0xffff  }
0x12a: {  	s8 =	sadd.s32 s2, s0;
	v33 =	vand.u32 $0xFFFFFC00, v21;
	v20 =	vor.u32 v30, v20;
	v8 =	vld [tilespmem:$0x1E0]  }
0x12b: {  	s16 =	simm.s32 $0x0;
	v10 =	vld [tilespmem:$0x1F0];
	[tilespmem:s8+$0x0] =	vst v4;
	v4 =	vadd.s32 v33, v2  }
0x12c: {  	s2 =	sand.u32 $0x300, s16;
	v34 =	vand.u32 $0x7F, v5;
	v5 =	vld.idx.msk [tilespmem:v19+s19+$0x0], $0xffff;
	v4 =	vor.u32 v1, v4  }
0x12d: {  	s9 =	sadd.s32 s2, s0;
	v4 =	vor.u32 v34, v4  }
0x12e: {  	v19 =	vadd.s32 v33, v3;
	[tilespmem:s9+$0x0] =	vst v22  }
0x12f: {  	v21 =	vshll.u32 v6, $0x3;
	v19 =	vor.u32 v0, v19;
	v20 =	vld.idx.msk [tilespmem:v20+s19+$0x0], $0xffff  }
0x130: {  	v37 =	vand.u32 $0xFFFFFC00, v21;
	v19 =	vor.u32 v34, v19  }
0x131: {  	[tilespmem:s8+$0x10] =	vst v5;
	v5 =	vadd.s32 v37, v2  }
0x132: {  	v36 =	vand.u32 $0x7F, v6;
	v4 =	vld.idx.msk [tilespmem:v4+s19+$0x0], $0xffff;
	v5 =	vor.u32 v1, v5  }
0x133: {  	v5 =	vor.u32 v36, v5  }
0x134: {  	v6 =	vadd.s32 v37, v3;
	[tilespmem:s9+$0x10] =	vst v20  }
0x135: {  	v6 =	vor.u32 v0, v6;
	v20 =	vshll.u32 v7, $0x3;
	v19 =	vld.idx.msk [tilespmem:v19+s19+$0x0], $0xffff  }
0x136: {  	v6 =	vor.u32 v36, v6;
	v39 =	vand.u32 $0xFFFFFC00, v20  }
0x137: {  	[tilespmem:s8+$0x20] =	vst v4;
	v4 =	vadd.s32 v39, v2  }
0x138: {  	v38 =	vand.u32 $0x7F, v7;
	v5 =	vld.idx.msk [tilespmem:v5+s19+$0x0], $0xffff;
	v4 =	vor.u32 v1, v4  }
0x139: {  	v35 =	vand.u32 $0x7F, v14;
	v4 =	vor.u32 v38, v4  }
0x13a: {  	v27 =	vand.u32 $0x7F, v15;
	v7 =	vshll.u32 v14, $0x3;
	[tilespmem:s9+$0x20] =	vst v19;
	v19 =	vadd.s32 v39, v3  }
0x13b: {  	v23 =	vand.u32 $0x7F, v17;
	v40 =	vand.u32 $0xFFFFFC00, v7;
	v6 =	vld.idx.msk [tilespmem:v6+s19+$0x0], $0xffff;
	v7 =	vor.u32 v0, v19  }
0x13c: {  	v17 =	vshll.u32 v17, $0x3;
	v14 =	vshll.u32 v15, $0x3;
	v7 =	vor.u32 v38, v7  }
0x13d: {  	s17 =	simm.s32 $0x2;
	v31 =	vand.u32 $0xFFFFFC00, v14;
	v14 =	vshll.u32 v16, $0x3;
	[tilespmem:s8+$0x30] =	vst v5;
	v5 =	vadd.s32 v40, v2  }
0x13e: {  	s22 =	simm.s32 $0x3;
	v15 =	vmov s17;
	v24 =	vand.u32 $0xFFFFFC00, v14;
	v14 =	vld.idx.msk [tilespmem:v4+s19+$0x0], $0xffff;
	v4 =	vor.u32 v1, v5  }
0x13f: {  	v20 =	vand.u32 $0x7F, v16;
	v16 =	vor.u32 v35, v4;
	v4 =	vmov s22  }
0x140: {  	v19 =	vshll.u32 v15, $0x7;
	v5 =	vadd.s32 v40, v3;
	[tilespmem:s9+$0x30] =	vst v6;
	v6 =	vshll.u32 v4, $0x8  }
0x141: {  	v21 =	vld.idx.msk [tilespmem:v7+s19+$0x0], $0xffff;
	v7 =	vor.u32 v0, v5;
	v4 =	vshll.u32 v4, $0x7;
	v5 =	vand.u32 $0x3800, v6  }
0x142: {  	v22 =	vor.u32 v35, v7;
	v4 =	vand.u32 $0x380, v4;
	v6 =	vadd.s32 v26, v5  }
0x143: {  	v7 =	vshll.u32 v15, $0x8;
	[tilespmem:s8+$0x40] =	vst v14;
	v6 =	vor.u32 v4, v6;
	v14 =	vadd.s32 v31, v2  }
0x144: {  	v7 =	vand.u32 $0x3800, v7;
	v15 =	vld.idx.msk [tilespmem:v16+s19+$0x0], $0xffff;
	v16 =	vor.u32 v28, v6;
	v14 =	vor.u32 v1, v14  }
0x145: {  	v6 =	vand.u32 $0x300, v19;
	v19 =	vadd.s32 v26, v7;
	v14 =	vor.u32 v27, v14  }
0x146: {  	v29 =	vand.u32 $0xFFFFFC00, v17;
	v25 =	vadd.s32 v31, v3;
	[tilespmem:s9+$0x40] =	vst v21;
	v19 =	vor.u32 v6, v19  }
0x147: {  	v45 =	vadd.s32 v29, v3;
	v21 =	vld.idx.msk [tilespmem:v22+s19+$0x0], $0xffff;
	v22 =	vor.u32 v28, v19;
	v19 =	vor.u32 v0, v25  }
0x148: {  	v45 =	vor.u32 v0, v45;
	v25 =	vadd.s32 v32, v5;
	v17 =	vor.u32 v27, v19  }
0x149: {  	v19 =	vand.u32 $0x7F, v18;
	v18 =	vshll.u32 v18, $0x3;
	v41 =	vld.idx.msk [tilespmem:v16+s19+$0x0], $0xffff;
	[tilespmem:s8+$0x50] =	vst v15;
	v16 =	vadd.s32 v24, v2  }
0x14a: {  	v15 =	vor.u32 v4, v25;
	v25 =	vand.u32 $0xFFFFFC00, v18;
	v42 =	vld.idx.msk [tilespmem:v14+s19+$0x0], $0xffff;
	v14 =	vor.u32 v1, v16  }
0x14b: {  	s22 =	simm.s32 $0x200;
	v15 =	vor.u32 v30, v15;
	v18 =	vor.u32 v20, v14;
	v14 =	vadd.s32 v32, v7  }
0x14c: {  	s0 =	simm.s32 $0x180;
	s5 =	sand.u32 $0x3800, s22;
	v16 =	vand.u32 $0x7F, v13;
	v43 =	vld.idx.msk [tilespmem:v22+s19+$0x0], $0xffff;
	[tilespmem:s9+$0x50] =	vst v21;
	v21 =	vadd.s32 v24, v3;
	v14 =	vor.u32 v6, v14  }
0x14d: {  	s2 =	sor.u32 $0x14200, s5;
	s5 =	sand.u32 $0x380, s0;
	v13 =	vshll.u32 v13, $0x3;
	v17 =	vld.idx.msk [tilespmem:v17+s19+$0x0], $0xffff;
	v44 =	vor.u32 v30, v14;
	v14 =	vor.u32 v0, v21  }
0x14e: {  	s10 =	simm.s32 $0x100;
	s17 =	sadd.s32 s5, s2;
	v22 =	vand.u32 $0xFFFFFC00, v13;
	v13 =	vadd.s32 v33, v5;
	v48 =	vor.u32 v20, v14  }
0x14f: {  	v45 =	vor.u32 v23, v45;
	s5 =	sand.u32 $0x300, s10;
	v13 =	vor.u32 v4, v13;
	v21 =	vadd.s32 v29, v2;
	[tilespmem:s17+$0x0] =	vst v41  }
0x150: {  	s5 =	sadd.s32 s5, s2;
	v49 =	vor.u32 v34, v13;
	v14 =	vand.u32 $0x7F, v12;
	v12 =	vshll.u32 v12, $0x3;
	v15 =	vld.idx.msk [tilespmem:v15+s19+$0x0], $0xffff;
	[tilespmem:s8+$0x60] =	vst v42  }
0x151: {  	v13 =	vor.u32 v1, v21;
	v21 =	vand.u32 $0xFFFFFC00, v12;
	v12 =	vadd.s32 v33, v7;
	v18 =	vld.idx.msk [tilespmem:v18+s19+$0x0], $0xffff;
	[tilespmem:s5+$0x0] =	vst v43  }
0x152: {  	v50 =	vor.u32 v23, v13;
	v12 =	vor.u32 v6, v12;
	[tilespmem:s9+$0x60] =	vst v17;
	v44 =	vld.idx.msk [tilespmem:v44+s19+$0x0], $0xffff  }
0x153: {  	v55 =	vadd.s32 v39, v5;
	v60 =	vadd.s32 v40, v5;
	v12 =	vor.u32 v34, v12;
	v41 =	vld.idx.msk [tilespmem:v48+s19+$0x0], $0xffff  }
0x154: {  	v51 =	vadd.s32 v37, v7;
	v57 =	vadd.s32 v39, v7;
	v63 =	vadd.s32 v40, v7  }
0x155: {  	v52 =	vadd.s32 v25, v3;
	v56 =	vadd.s32 v22, v2;
	[tilespmem:s17+$0x10] =	vst v15;
	v15 =	vadd.s32 v37, v5  }
0x156: {  	s11 =	simm.s32 $0x4;
	v42 =	vld.idx.msk [tilespmem:v49+s19+$0x0], $0xffff;
	[tilespmem:s8+$0x70] =	vst v18;
	v15 =	vor.u32 v4, v15;
	v18 =	vadd.s32 v25, v2  }
0x157: {  	v58 =	vmov s11;
	v43 =	vld.idx.msk [tilespmem:v50+s19+$0x0], $0xffff;
	v46 =	vor.u32 v36, v15;
	v18 =	vor.u32 v1, v18;
	[tilespmem:s5+$0x10] =	vst v44  }
0x158: {  	v13 =	vand.u32 $0x7F, v11;
	v18 =	vor.u32 v19, v18;
	v47 =	vld.idx.msk [tilespmem:v12+s19+$0x0], $0xffff;
	[tilespmem:s9+$0x70] =	vst v41;
	v12 =	vor.u32 v6, v51  }
0x159: {  	v11 =	vshll.u32 v11, $0x3;
	v41 =	vor.u32 v0, v52;
	v53 =	vld.idx.msk [tilespmem:v45+s19+$0x0], $0xffff;
	v54 =	vor.u32 v36, v12  }
0x15a: {  	v61 =	vadd.s32 v21, v2;
	v17 =	vand.u32 $0xFFFFFC00, v11;
	v41 =	vor.u32 v19, v41  }
0x15b: {  	v11 =	vand.u32 $0x7F, v9;
	v62 =	vor.u32 v1, v61;
	v48 =	vadd.s32 v22, v3;
	[tilespmem:s17+$0x20] =	vst v42  }
0x15c: {  	v9 =	vshll.u32 v9, $0x3;
	v59 =	vor.u32 v0, v48;
	v42 =	vor.u32 v4, v55;
	v46 =	vld.idx.msk [tilespmem:v46+s19+$0x0], $0xffff;
	[tilespmem:s8+$0x400] =	vst v43  }
0x15d: {  	v15 =	vand.u32 $0xFFFFFC00, v9;
	v42 =	vor.u32 v38, v42;
	v43 =	vor.u32 v1, v56;
	v18 =	vld.idx.msk [tilespmem:v18+s19+$0x0], $0xffff;
	[tilespmem:s5+$0x20] =	vst v47  }
0x15e: {  	v9 =	vand.u32 $0x7F, v8;
	v43 =	vor.u32 v16, v43;
	v47 =	vor.u32 v6, v57;
	v45 =	vld.idx.msk [tilespmem:v54+s19+$0x0], $0xffff;
	[tilespmem:s9+$0x400] =	vst v53  }
0x15f: {  	v8 =	vshll.u32 v8, $0x3;
	v50 =	vshll.u32 v58, $0x7;
	v52 =	vor.u32 v38, v47;
	v49 =	vld.idx.msk [tilespmem:v41+s19+$0x0], $0xffff  }
0x160: {  	v44 =	vadd.s32 v15, v3;
	v12 =	vand.u32 $0xFFFFFC00, v8;
	v53 =	vor.u32 v16, v59  }
0x161: {  	v8 =	vand.u32 $0x7F, v10;
	v10 =	vshll.u32 v10, $0x3;
	v55 =	vor.u32 v6, v63;
	[tilespmem:s17+$0x30] =	vst v46  }
0x162: {  	v10 =	vand.u32 $0xFFFFFC00, v10;
	v56 =	vadd.s32 v21, v3;
	[tilespmem:s8+$0x410] =	vst v18;
	v47 =	vld.idx.msk [tilespmem:v42+s19+$0x0], $0xffff;
	v42 =	vor.u32 v4, v60  }
0x163: {  	s16 =	simm.s32 $0x5;
	v54 =	vshll.u32 v58, $0x8;
	v41 =	vadd.s32 v12, v3;
	v48 =	vld.idx.msk [tilespmem:v43+s19+$0x0], $0xffff;
	v51 =	vor.u32 v35, v42;
	[tilespmem:s5+$0x30] =	vst v45  }
0x164: {  	v18 =	vand.u32 $0x300, v50;
	v43 =	vmov s16;
	v50 =	vld.idx.msk [tilespmem:v52+s19+$0x0], $0xffff;
	[tilespmem:s9+$0x410] =	vst v49;
	v52 =	vor.u32 v14, v62  }
0x165: {  	s2 =	simm.s32 $0x6;
	v46 =	vadd.s32 v31, v7;
	v42 =	vshll.u32 v43, $0x8;
	v49 =	vld.idx.msk [tilespmem:v53+s19+$0x0], $0xffff;
	v53 =	vor.u32 v0, v56  }
.LBB2_9:
0x166: {  	p0 =	slt.u32 s2, $0x3E;
	v45 =	vand.u32 $0x3800, v42;
	v42 =	vshll.u32 v43, $0x7;
	v55 =	vor.u32 v35, v55  }
0x167: {  	v56 =	vadd.s32 v26, v45;
	v43 =	vand.u32 $0x380, v42;
	[tilespmem:s17+$0x40] =	vst v47;
	v47 =	vor.u32 v14, v53  }
0x168: {  	v42 =	vand.u32 $0x3800, v54;
	v54 =	vadd.s32 v31, v5;
	v53 =	vor.u32 v43, v56;
	v51 =	vld.idx.msk [tilespmem:v51+s19+$0x0], $0xffff;
	[tilespmem:s8+$0x420] =	vst v48  }
0x169: {  	v48 =	vor.u32 v28, v53;
	v53 =	vor.u32 v4, v54;
	v52 =	vld.idx.msk [tilespmem:v52+s19+$0x0], $0xffff;
	v54 =	vadd.s32 v17, v2  }
0x16a: {  	v56 =	vadd.s32 v26, v42;
	[tilespmem:s5+$0x40] =	vst v50;
	v50 =	vor.u32 v27, v53;
	v53 =	vor.u32 v1, v54  }
0x16b: {  	v54 =	vor.u32 v18, v56;
	v55 =	vld.idx.msk [tilespmem:v55+s19+$0x0], $0xffff;
	[tilespmem:s9+$0x420] =	vst v49;
	v49 =	vor.u32 v13, v53  }
0x16c: {  	v46 =	vor.u32 v6, v46;
	v53 =	vor.u32 v28, v54;
	v54 =	vadd.s32 v17, v3;
	v47 =	vld.idx.msk [tilespmem:v47+s19+$0x0], $0xffff  }
0x16d: {  	v46 =	vor.u32 v27, v46;
	v56 =	vadd.s32 v29, v7;
	v54 =	vor.u32 v0, v54  }
0x16e: {  	v57 =	vadd.s32 v32, v45;
	v48 =	vld.idx.msk [tilespmem:v48+s19+$0x0], $0xffff;
	[tilespmem:s17+$0x50] =	vst v51;
	v51 =	vor.u32 v13, v54  }
0x16f: {  	v54 =	vor.u32 v43, v57;
	v57 =	vadd.s32 v24, v5;
	v50 =	vld.idx.msk [tilespmem:v50+s19+$0x0], $0xffff;
	[tilespmem:s8+$0x430] =	vst v52  }
0x170: {  	s22 =	sadd.s32 $0x200, s22;
	v52 =	vor.u32 v30, v54;
	v54 =	vor.u32 v4, v57;
	v57 =	vadd.s32 v15, v2;
	v49 =	vld.idx.msk [tilespmem:v49+s19+$0x0], $0xffff  }
0x171: {  	s0 =	sadd.s32 $0x100, s0;
	s10 =	sand.u32 $0x3800, s22;
	v54 =	vor.u32 v20, v54;
	v53 =	vld.idx.msk [tilespmem:v53+s19+$0x0], $0xffff;
	[tilespmem:s5+$0x50] =	vst v55;
	v55 =	vor.u32 v1, v57  }
0x172: {  	s11 =	sadd.s32 $0xFFFFFF80, s0;
	s16 =	sand.u32 $0x380, s0;
	s10 =	sor.u32 $0x14200, s10;
	v57 =	vadd.s32 v32, v42;
	v46 =	vld.idx.msk [tilespmem:v46+s19+$0x0], $0xffff;
	[tilespmem:s9+$0x430] =	vst v47;
	v47 =	vor.u32 v11, v55  }
0x173: {  	v44 =	vor.u32 v0, v44;
	s11 =	sand.u32 $0x300, s11;
	s16 =	sadd.s32 s16, s10;
	v55 =	vor.u32 v18, v57;
	v57 =	vadd.s32 v24, v7;
	v51 =	vld.idx.msk [tilespmem:v51+s19+$0x0], $0xffff  }
0x174: {  	v44 =	vor.u32 v11, v44;
	s10 =	sadd.s32 s11, s10;
	v55 =	vor.u32 v30, v55;
	[tilespmem:s16+$0x0] =	vst v48;
	v48 =	vor.u32 v6, v57  }
0x175: {  	v57 =	vadd.s32 v33, v45;
	v52 =	vld.idx.msk [tilespmem:v52+s19+$0x0], $0xffff;
	v48 =	vor.u32 v20, v48;
	[tilespmem:s17+$0x60] =	vst v50  }
0x176: {  	v50 =	vor.u32 v43, v57;
	v57 =	vadd.s32 v29, v5;
	v54 =	vld.idx.msk [tilespmem:v54+s19+$0x0], $0xffff;
	[tilespmem:s8+$0x440] =	vst v49  }
0x177: {  	v49 =	vor.u32 v34, v50;
	v50 =	vor.u32 v4, v57;
	v57 =	vadd.s32 v12, v2;
	v47 =	vld.idx.msk [tilespmem:v47+s19+$0x0], $0xffff  }
0x178: {  	v50 =	vor.u32 v23, v50;
	v57 =	vor.u32 v1, v57;
	[tilespmem:s10+$0x0] =	vst v53;
	v53 =	vadd.s32 v33, v42  }
0x179: {  	v41 =	vor.u32 v0, v41;
	v55 =	vld.idx.msk [tilespmem:v55+s19+$0x0], $0xffff;
	[tilespmem:s5+$0x60] =	vst v46;
	v46 =	vor.u32 v9, v57  }
0x17a: {  	v56 =	vor.u32 v6, v56;
	v53 =	vor.u32 v18, v53;
	v48 =	vld.idx.msk [tilespmem:v48+s19+$0x0], $0xffff;
	[tilespmem:s9+$0x440] =	vst v51  }
0x17b: {  	v41 =	vor.u32 v9, v41;
	v51 =	vor.u32 v34, v53;
	[tilespmem:s16+$0x10] =	vst v52;
	v44 =	vld.idx.msk [tilespmem:v44+s19+$0x0], $0xffff  }
0x17c: {  	v53 =	vor.u32 v23, v56;
	v52 =	vadd.s32 v37, v45;
	v49 =	vld.idx.msk [tilespmem:v49+s19+$0x0], $0xffff;
	[tilespmem:s17+$0x70] =	vst v54  }
0x17d: {  	v52 =	vor.u32 v43, v52;
	v54 =	vadd.s32 v25, v5;
	v50 =	vld.idx.msk [tilespmem:v50+s19+$0x0], $0xffff;
	[tilespmem:s8+$0x450] =	vst v47  }
0x17e: {  	v56 =	vadd.s32 v10, v2;
	v47 =	vor.u32 v36, v52;
	v52 =	vor.u32 v4, v54;
	v46 =	vld.idx.msk [tilespmem:v46+s19+$0x0], $0xffff  }
0x17f: {  	v3 =	vadd.s32 v10, v3;
	v1 =	vor.u32 v1, v56;
	v52 =	vor.u32 v19, v52;
	[tilespmem:s10+$0x10] =	vst v55  }
0x180: {  	v2 =	vmov v5;
	v54 =	vadd.s32 v37, v42;
	v51 =	vld.idx.msk [tilespmem:v51+s19+$0x0], $0xffff;
	[tilespmem:s5+$0x70] =	vst v48;
	v48 =	vor.u32 v8, v1  }
0x181: {  	v5 =	vmov v45;
	v55 =	vor.u32 v18, v54;
	v54 =	vadd.s32 v25, v7;
	v53 =	vld.idx.msk [tilespmem:v53+s19+$0x0], $0xffff;
	[tilespmem:s9+$0x450] =	vst v44  }
0x182: {  	v45 =	vor.u32 v6, v54;
	v1 =	vmov v4;
	v44 =	vor.u32 v36, v55;
	[tilespmem:s16+$0x20] =	vst v49;
	v41 =	vld.idx.msk [tilespmem:v41+s19+$0x0], $0xffff  }
0x183: {  	v54 =	vor.u32 v0, v3;
	v4 =	vmov v43;
	v45 =	vor.u32 v19, v45;
	v47 =	vld.idx.msk [tilespmem:v47+s19+$0x0], $0xffff;
	[tilespmem:s17+$0x400] =	vst v50  }
0x184: {  	v43 =	vadd.s32 v39, v5;
	v3 =	vmov v7;
	v50 =	vor.u32 v8, v54;
	v49 =	vld.idx.msk [tilespmem:v52+s19+$0x0], $0xffff;
	[tilespmem:s8+$0x460] =	vst v46  }
0x185: {  	v7 =	vmovc v42;
	v0 =	vmov v6;
	v43 =	vor.u32 v4, v43;
	v46 =	vadd.s32 v22, v2;
	v48 =	vld.idx.msk [tilespmem:v48+s19+$0x0], $0xffff  }
0x186: {  	v6 =	vmov v18;
	v42 =	vor.u32 v38, v43;
	v43 =	vor.u32 v1, v46;
	[tilespmem:s10+$0x20] =	vst v51  }
0x187: {  	v18 =	vadd.s32 v39, v7;
	v43 =	vor.u32 v16, v43;
	v46 =	vld.idx.msk [tilespmem:v44+s19+$0x0], $0xffff;
	[tilespmem:s5+$0x400] =	vst v53  }
0x188: {  	v18 =	vor.u32 v6, v18;
	v51 =	vadd.s32 v22, v3;
	v44 =	vmov s2;
	v45 =	vld.idx.msk [tilespmem:v45+s19+$0x0], $0xffff;
	[tilespmem:s9+$0x460] =	vst v41  }
0x189: {  	v53 =	vor.u32 v38, v18;
	v18 =	vor.u32 v0, v51;
	v52 =	vshll.u32 v44, $0x7;
	[tilespmem:s16+$0x30] =	vst v47;
	v56 =	vld.idx.msk [tilespmem:v50+s19+$0x0], $0xffff  }
0x18a: {  	v54 =	vshll.u32 v44, $0x8;
	v57 =	vor.u32 v16, v18;
	v41 =	vadd.s32 v12, v3;
	[tilespmem:s17+$0x410] =	vst v49  }
.Ltmp6:
0x18b: {  	v44 =	vadd.s32 v15, v3;
	v18 =	vand.u32 $0x300, v52;
	v47 =	vld.idx.msk [tilespmem:v42+s19+$0x0], $0xffff;
	v42 =	vadd.s32 v40, v5;
	[tilespmem:s8+$0x470] =	vst v48;
	s8 =	smov.u32 s17;
	s17 =	smov.u32 s16;
	(pc) =	sbr.rel @p0 .LBB2_9-.Ltmp6, $4  }
0x18c: {  	v58 =	vadd.s32 v21, v3;
	v42 =	vor.u32 v4, v42;
	v48 =	vld.idx.msk [tilespmem:v43+s19+$0x0], $0xffff;
	v43 =	vadd.s32 v21, v2  }
0x18d: {  	s11 =	sadd.s32 $0x1, s2;
	[tilespmem:s10+$0x30] =	vst v46;
	v46 =	vadd.s32 v31, v7;
	v51 =	vor.u32 v35, v42;
	v42 =	vor.u32 v1, v43  }
0x18e: {  	v49 =	vadd.s32 v40, v7;
	v43 =	vmov s11;
	v50 =	vld.idx.msk [tilespmem:v53+s19+$0x0], $0xffff;
	[tilespmem:s5+$0x410] =	vst v45;
	v52 =	vor.u32 v14, v42  }
0x18f: {  	s2 =	sadd.s32 $0x2, s2;
	v55 =	vor.u32 v6, v49;
	v42 =	vshll.u32 v43, $0x8;
	v53 =	vor.u32 v0, v58;
	v49 =	vld.idx.msk [tilespmem:v57+s19+$0x0], $0xffff;
	[tilespmem:s9+$0x470] =	vst v56;
	s9 =	smov.u32 s5;
	s5 =	smov.u32 s10  }
0x190: {  	v42 =	vand.u32 $0x3800, v42;
	v43 =	vshll.u32 v43, $0x7  }
0x191: {  	v45 =	vand.u32 $0x3800, v54;
	v56 =	vadd.s32 v26, v42;
	v43 =	vand.u32 $0x380, v43  }
0x192: {  	v26 =	vadd.s32 v26, v45;
	v63 =	vor.u32 v43, v56  }
0x193: {  	v26 =	vor.u32 v18, v26;
	v54 =	vor.u32 v28, v63  }
0x194: {  	v26 =	vor.u32 v28, v26;
	_ =	sdelay $0x2  }
0x195: {  	v28 =	vadd.s32 v32, v42  }
0x196: {  	v56 =	vadd.s32 v32, v45;
	v28 =	vor.u32 v43, v28;
	v54 =	vld.idx.msk [tilespmem:v54+s19+$0x0], $0xffff  }
0x197: {  	s2 =	sadd.s32 $0x200, s22;
	v32 =	vor.u32 v18, v56;
	v28 =	vor.u32 v30, v28;
	v26 =	vld.idx.msk [tilespmem:v26+s19+$0x0], $0xffff  }
0x198: {  	s0 =	sadd.s32 $0x100, s0;
	s2 =	sand.u32 $0x3800, s2;
	v30 =	vor.u32 v30, v32  }
0x199: {  	s10 =	sadd.s32 $0xFFFFFF80, s0;
	s0 =	sand.u32 $0x380, s0;
	s2 =	sor.u32 $0x14200, s2  }
0x19a: {  	s10 =	sand.u32 $0x300, s10;
	s0 =	sadd.s32 s0, s2  }
0x19b: {  	v57 =	vadd.s32 v33, v42;
	s16 =	sadd.s32 s10, s2;
	[tilespmem:s0+$0x0] =	vst v54  }
0x19c: {  	v32 =	vor.u32 v43, v57;
	[tilespmem:s16+$0x0] =	vst v26;
	v26 =	vadd.s32 v33, v45;
	v28 =	vld.idx.msk [tilespmem:v28+s19+$0x0], $0xffff  }
0x19d: {  	v32 =	vor.u32 v34, v32;
	v30 =	vld.idx.msk [tilespmem:v30+s19+$0x0], $0xffff;
	v26 =	vor.u32 v18, v26  }
0x19e: {  	v26 =	vor.u32 v34, v26;
	_ =	sdelay $0x2  }
0x19f: {  	[tilespmem:s0+$0x10] =	vst v28;
	v28 =	vadd.s32 v37, v42  }
0x1a0: {  	[tilespmem:s16+$0x10] =	vst v30;
	v30 =	vadd.s32 v37, v45;
	v32 =	vld.idx.msk [tilespmem:v32+s19+$0x0], $0xffff;
	v28 =	vor.u32 v43, v28  }
0x1a1: {  	v26 =	vld.idx.msk [tilespmem:v26+s19+$0x0], $0xffff;
	v30 =	vor.u32 v18, v30;
	v28 =	vor.u32 v36, v28  }
0x1a2: {  	v30 =	vor.u32 v36, v30;
	_ =	sdelay $0x2  }
0x1a3: {  	v58 =	vadd.s32 v39, v42;
	[tilespmem:s0+$0x20] =	vst v32  }
0x1a4: {  	v32 =	vor.u32 v43, v58;
	[tilespmem:s16+$0x20] =	vst v26;
	v26 =	vadd.s32 v39, v45;
	v28 =	vld.idx.msk [tilespmem:v28+s19+$0x0], $0xffff  }
0x1a5: {  	v32 =	vor.u32 v38, v32;
	v30 =	vld.idx.msk [tilespmem:v30+s19+$0x0], $0xffff;
	v26 =	vor.u32 v18, v26  }
0x1a6: {  	v26 =	vor.u32 v38, v26;
	_ =	sdelay $0x2  }
0x1a7: {  	v59 =	vor.u32 v35, v55;
	[tilespmem:s0+$0x30] =	vst v28;
	v28 =	vadd.s32 v40, v42  }
0x1a8: {  	[tilespmem:s16+$0x30] =	vst v30;
	v30 =	vadd.s32 v40, v45;
	v32 =	vld.idx.msk [tilespmem:v32+s19+$0x0], $0xffff;
	v28 =	vor.u32 v43, v28  }
0x1a9: {  	v26 =	vld.idx.msk [tilespmem:v26+s19+$0x0], $0xffff;
	v30 =	vor.u32 v18, v30;
	v28 =	vor.u32 v35, v28  }
0x1aa: {  	[tilespmem:s17+$0x40] =	vst v47;
	v60 =	vadd.s32 v31, v5;
	v30 =	vor.u32 v35, v30  }
0x1ab: {  	v61 =	vor.u32 v14, v53;
	v46 =	vor.u32 v6, v46;
	v55 =	vadd.s32 v15, v2;
	[tilespmem:s8+$0x420] =	vst v48  }
0x1ac: {  	v62 =	vld.idx.msk [tilespmem:v51+s19+$0x0], $0xffff;
	v47 =	vadd.s32 v31, v42;
	[tilespmem:s5+$0x40] =	vst v50;
	v34 =	vor.u32 v4, v60  }
0x1ad: {  	v31 =	vadd.s32 v31, v45;
	v33 =	vld.idx.msk [tilespmem:v59+s19+$0x0], $0xffff;
	v34 =	vor.u32 v27, v34;
	[tilespmem:s0+$0x40] =	vst v32  }
0x1ae: {  	v38 =	vor.u32 v27, v46;
	v32 =	vor.u32 v43, v47;
	[tilespmem:s16+$0x40] =	vst v26;
	v28 =	vld.idx.msk [tilespmem:v28+s19+$0x0], $0xffff  }
0x1af: {  	v48 =	vadd.s32 v24, v5;
	v31 =	vor.u32 v18, v31;
	v32 =	vor.u32 v27, v32;
	v30 =	vld.idx.msk [tilespmem:v30+s19+$0x0], $0xffff  }
0x1b0: {  	v63 =	vld.idx.msk [tilespmem:v52+s19+$0x0], $0xffff;
	[tilespmem:s9+$0x420] =	vst v49;
	v49 =	vadd.s32 v24, v7;
	v27 =	vor.u32 v27, v31  }
0x1b1: {  	v52 =	vadd.s32 v29, v5;
	v56 =	vadd.s32 v25, v5;
	v50 =	vor.u32 v6, v49;
	[tilespmem:s17+$0x50] =	vst v62  }
0x1b2: {  	[tilespmem:s5+$0x50] =	vst v33;
	v33 =	vor.u32 v20, v50;
	v34 =	vld.idx.msk [tilespmem:v34+s19+$0x0], $0xffff;
	v31 =	vor.u32 v4, v48  }
0x1b3: {  	v51 =	vld.idx.msk [tilespmem:v38+s19+$0x0], $0xffff;
	v31 =	vor.u32 v20, v31;
	[tilespmem:s0+$0x50] =	vst v28;
	v28 =	vadd.s32 v24, v42  }
0x1b4: {  	[tilespmem:s16+$0x50] =	vst v30;
	v24 =	vadd.s32 v24, v45;
	v32 =	vld.idx.msk [tilespmem:v32+s19+$0x0], $0xffff;
	v28 =	vor.u32 v43, v28  }
0x1b5: {  	v53 =	vor.u32 v4, v52;
	v27 =	vld.idx.msk [tilespmem:v27+s19+$0x0], $0xffff;
	v24 =	vor.u32 v18, v24;
	v28 =	vor.u32 v20, v28  }
0x1b6: {  	[tilespmem:s8+$0x430] =	vst v63;
	v54 =	vadd.s32 v29, v42;
	v26 =	vadd.s32 v17, v2;
	v20 =	vor.u32 v20, v24  }
0x1b7: {  	[tilespmem:s17+$0x60] =	vst v34;
	v34 =	vor.u32 v23, v53;
	v35 =	vld.idx.msk [tilespmem:v61+s19+$0x0], $0xffff;
	v26 =	vor.u32 v1, v26  }
0x1b8: {  	[tilespmem:s5+$0x60] =	vst v51;
	v26 =	vor.u32 v13, v26;
	v31 =	vld.idx.msk [tilespmem:v31+s19+$0x0], $0xffff;
	v24 =	vadd.s32 v29, v7  }
0x1b9: {  	v33 =	vld.idx.msk [tilespmem:v33+s19+$0x0], $0xffff;
	v29 =	vadd.s32 v29, v45;
	v24 =	vor.u32 v6, v24;
	[tilespmem:s0+$0x60] =	vst v32  }
0x1ba: {  	v24 =	vor.u32 v23, v24;
	v32 =	vor.u32 v43, v54;
	[tilespmem:s16+$0x60] =	vst v27;
	v28 =	vld.idx.msk [tilespmem:v28+s19+$0x0], $0xffff  }
0x1bb: {  	v30 =	vadd.s32 v17, v3;
	v29 =	vor.u32 v18, v29;
	v27 =	vor.u32 v23, v32;
	v20 =	vld.idx.msk [tilespmem:v20+s19+$0x0], $0xffff  }
0x1bc: {  	v57 =	vadd.s32 v25, v7;
	[tilespmem:s9+$0x430] =	vst v35;
	v30 =	vor.u32 v0, v30;
	v23 =	vor.u32 v23, v29  }
0x1bd: {  	v26 =	vld.idx.msk [tilespmem:v26+s19+$0x0], $0xffff;
	v30 =	vor.u32 v13, v30;
	[tilespmem:s17+$0x70] =	vst v31;
	v31 =	vor.u32 v4, v56  }
0x1be: {  	[tilespmem:s5+$0x70] =	vst v33;
	v34 =	vld.idx.msk [tilespmem:v34+s19+$0x0], $0xffff;
	v31 =	vor.u32 v19, v31;
	v32 =	vor.u32 v6, v57  }
0x1bf: {  	v32 =	vor.u32 v19, v32;
	v24 =	vld.idx.msk [tilespmem:v24+s19+$0x0], $0xffff;
	[tilespmem:s0+$0x70] =	vst v28;
	v28 =	vadd.s32 v25, v42  }
0x1c0: {  	[tilespmem:s16+$0x70] =	vst v20;
	v20 =	vadd.s32 v25, v45;
	v27 =	vld.idx.msk [tilespmem:v27+s19+$0x0], $0xffff;
	v28 =	vor.u32 v43, v28  }
0x1c1: {  	v29 =	vor.u32 v1, v55;
	v23 =	vld.idx.msk [tilespmem:v23+s19+$0x0], $0xffff;
	v20 =	vor.u32 v18, v20;
	v25 =	vor.u32 v19, v28  }
0x1c2: {  	v28 =	vor.u32 v11, v29;
	v29 =	vld.idx.msk [tilespmem:v30+s19+$0x0], $0xffff;
	v30 =	vadd.s32 v22, v5;
	v19 =	vor.u32 v19, v20  }
0x1c3: {  	v58 =	vadd.s32 v22, v7;
	v3 =	vadd.s32 v10, v3;
	[tilespmem:s17+$0x400] =	vst v34;
	v30 =	vor.u32 v4, v30  }
0x1c4: {  	v31 =	vld.idx.msk [tilespmem:v31+s19+$0x0], $0xffff;
	[tilespmem:s5+$0x400] =	vst v24;
	v24 =	vor.u32 v16, v30;
	v30 =	vor.u32 v6, v58  }
0x1c5: {  	v32 =	vld.idx.msk [tilespmem:v32+s19+$0x0], $0xffff;
	v30 =	vor.u32 v16, v30;
	[tilespmem:s0+$0x400] =	vst v27;
	v27 =	vadd.s32 v22, v42  }
0x1c6: {  	[tilespmem:s16+$0x400] =	vst v23;
	v22 =	vadd.s32 v22, v45;
	v25 =	vld.idx.msk [tilespmem:v25+s19+$0x0], $0xffff;
	v27 =	vor.u32 v43, v27  }
0x1c7: {  	[tilespmem:s8+$0x440] =	vst v26;
	v19 =	vld.idx.msk [tilespmem:v19+s19+$0x0], $0xffff;
	v22 =	vor.u32 v18, v22;
	v23 =	vor.u32 v16, v27  }
0x1c8: {  	v20 =	vor.u32 v0, v44;
	v26 =	vld.idx.msk [tilespmem:v28+s19+$0x0], $0xffff;
	v28 =	vadd.s32 v21, v7;
	v16 =	vor.u32 v16, v22  }
0x1c9: {  	[tilespmem:s17+$0x410] =	vst v31;
	v27 =	vadd.s32 v21, v5;
	v22 =	vadd.s32 v12, v2;
	v28 =	vor.u32 v6, v28  }
0x1ca: {  	[tilespmem:s5+$0x410] =	vst v32;
	v27 =	vor.u32 v4, v27;
	v24 =	vld.idx.msk [tilespmem:v24+s19+$0x0], $0xffff;
	v28 =	vor.u32 v14, v28  }
0x1cb: {  	v27 =	vor.u32 v14, v27;
	v30 =	vld.idx.msk [tilespmem:v30+s19+$0x0], $0xffff;
	[tilespmem:s0+$0x410] =	vst v25;
	v25 =	vadd.s32 v21, v42  }
0x1cc: {  	v21 =	vadd.s32 v21, v45;
	[tilespmem:s16+$0x410] =	vst v19;
	v23 =	vld.idx.msk [tilespmem:v23+s19+$0x0], $0xffff;
	v25 =	vor.u32 v43, v25  }
0x1cd: {  	v19 =	vor.u32 v1, v22;
	v16 =	vld.idx.msk [tilespmem:v16+s19+$0x0], $0xffff;
	v21 =	vor.u32 v18, v21;
	v22 =	vor.u32 v14, v25  }
0x1ce: {  	v20 =	vor.u32 v11, v20;
	[tilespmem:s9+$0x440] =	vst v29;
	v29 =	vadd.s32 v17, v5;
	v14 =	vor.u32 v14, v21  }
0x1cf: {  	v25 =	vor.u32 v0, v41;
	[tilespmem:s17+$0x420] =	vst v24;
	v21 =	vor.u32 v4, v29;
	v24 =	vadd.s32 v17, v7  }
0x1d0: {  	v27 =	vld.idx.msk [tilespmem:v27+s19+$0x0], $0xffff;
	[tilespmem:s5+$0x420] =	vst v30;
	v21 =	vor.u32 v13, v21;
	v24 =	vor.u32 v6, v24  }
0x1d1: {  	v28 =	vld.idx.msk [tilespmem:v28+s19+$0x0], $0xffff;
	v24 =	vor.u32 v13, v24;
	[tilespmem:s0+$0x420] =	vst v23;
	v23 =	vadd.s32 v17, v42  }
0x1d2: {  	[tilespmem:s16+$0x420] =	vst v16;
	v16 =	vadd.s32 v17, v45;
	v22 =	vld.idx.msk [tilespmem:v22+s19+$0x0], $0xffff;
	v23 =	vor.u32 v43, v23  }
0x1d3: {  	v17 =	vor.u32 v9, v19;
	v14 =	vld.idx.msk [tilespmem:v14+s19+$0x0], $0xffff;
	v16 =	vor.u32 v18, v16;
	v19 =	vor.u32 v13, v23  }
0x1d4: {  	v20 =	vld.idx.msk [tilespmem:v20+s19+$0x0], $0xffff;
	v23 =	vor.u32 v9, v25;
	v25 =	vadd.s32 v15, v5;
	v13 =	vor.u32 v13, v16  }
0x1d5: {  	v2 =	vadd.s32 v10, v2;
	v16 =	vadd.s32 v15, v7;
	[tilespmem:s17+$0x430] =	vst v27;
	v25 =	vor.u32 v4, v25  }
0x1d6: {  	v21 =	vld.idx.msk [tilespmem:v21+s19+$0x0], $0xffff;
	[tilespmem:s5+$0x430] =	vst v28;
	v16 =	vor.u32 v6, v16;
	v25 =	vor.u32 v11, v25  }
0x1d7: {  	v24 =	vld.idx.msk [tilespmem:v24+s19+$0x0], $0xffff;
	v16 =	vor.u32 v11, v16;
	[tilespmem:s0+$0x430] =	vst v22;
	v22 =	vadd.s32 v15, v42  }
0x1d8: {  	v15 =	vadd.s32 v15, v45;
	[tilespmem:s16+$0x430] =	vst v14;
	v19 =	vld.idx.msk [tilespmem:v19+s19+$0x0], $0xffff;
	v22 =	vor.u32 v43, v22  }
0x1d9: {  	[tilespmem:s8+$0x450] =	vst v26;
	v13 =	vld.idx.msk [tilespmem:v13+s19+$0x0], $0xffff;
	v15 =	vor.u32 v18, v15;
	v14 =	vor.u32 v11, v22  }
0x1da: {  	v1 =	vor.u32 v1, v2;
	v2 =	vadd.s32 v12, v5;
	[tilespmem:s9+$0x450] =	vst v20;
	v11 =	vor.u32 v11, v15  }
0x1db: {  	v1 =	vor.u32 v8, v1;
	v2 =	vor.u32 v4, v2;
	v15 =	vadd.s32 v12, v7;
	[tilespmem:s17+$0x440] =	vst v21  }
0x1dc: {  	v2 =	vor.u32 v9, v2;
	v21 =	vld.idx.msk [tilespmem:v25+s19+$0x0], $0xffff;
	v15 =	vor.u32 v6, v15;
	[tilespmem:s5+$0x440] =	vst v24  }
0x1dd: {  	v16 =	vld.idx.msk [tilespmem:v16+s19+$0x0], $0xffff;
	v15 =	vor.u32 v9, v15;
	[tilespmem:s0+$0x440] =	vst v19;
	v19 =	vadd.s32 v12, v42  }
0x1de: {  	v12 =	vadd.s32 v12, v45;
	[tilespmem:s16+$0x440] =	vst v13;
	v14 =	vld.idx.msk [tilespmem:v14+s19+$0x0], $0xffff;
	v19 =	vor.u32 v43, v19  }
0x1df: {  	v0 =	vor.u32 v0, v3;
	v12 =	vor.u32 v18, v12;
	v11 =	vld.idx.msk [tilespmem:v11+s19+$0x0], $0xffff;
	v13 =	vor.u32 v9, v19  }
0x1e0: {  	v3 =	vadd.s32 v10, v5;
	v0 =	vor.u32 v8, v0;
	v17 =	vld.idx.msk [tilespmem:v17+s19+$0x0], $0xffff;
	v5 =	vor.u32 v9, v12  }
0x1e1: {  	v3 =	vor.u32 v4, v3;
	v7 =	vadd.s32 v10, v7;
	v19 =	vld.idx.msk [tilespmem:v23+s19+$0x0], $0xffff;
	[tilespmem:s17+$0x450] =	vst v21  }
0x1e2: {  	v3 =	vor.u32 v8, v3;
	v4 =	vor.u32 v6, v7;
	v2 =	vld.idx.msk [tilespmem:v2+s19+$0x0], $0xffff;
	[tilespmem:s5+$0x450] =	vst v16  }
0x1e3: {  	v7 =	vadd.s32 v10, v42;
	v10 =	vadd.s32 v10, v45;
	v6 =	vld.idx.msk [tilespmem:v15+s19+$0x0], $0xffff;
	[tilespmem:s0+$0x450] =	vst v14  }
0x1e4: {  	v4 =	vor.u32 v8, v4;
	v7 =	vor.u32 v43, v7;
	[tilespmem:s16+$0x450] =	vst v11;
	v9 =	vld.idx.msk [tilespmem:v13+s19+$0x0], $0xffff  }
0x1e5: {  	[tilespmem:s8+$0x460] =	vst v17;
	v10 =	vor.u32 v18, v10;
	v7 =	vor.u32 v8, v7;
	v5 =	vld.idx.msk [tilespmem:v5+s19+$0x0], $0xffff  }
0x1e6: {  	v1 =	vld.idx.msk [tilespmem:v1+s19+$0x0], $0xffff;
	v8 =	vor.u32 v8, v10;
	[tilespmem:s9+$0x460] =	vst v19  }
0x1e7: {  	v0 =	vld.idx.msk [tilespmem:v0+s19+$0x0], $0xffff;
	[tilespmem:s17+$0x460] =	vst v2  }
0x1e8: {  	v2 =	vld.idx.msk [tilespmem:v3+s19+$0x0], $0xffff;
	[tilespmem:s5+$0x460] =	vst v6  }
0x1e9: {  	v3 =	vld.idx.msk [tilespmem:v4+s19+$0x0], $0xffff;
	[tilespmem:s0+$0x460] =	vst v9  }
0x1ea: {  	[tilespmem:s16+$0x460] =	vst v5;
	v4 =	vld.idx.msk [tilespmem:v7+s19+$0x0], $0xffff  }
0x1eb: {  	[tilespmem:s8+$0x470] =	vst v1;
	v1 =	vld.idx.msk [tilespmem:v8+s19+$0x0], $0xffff  }
0x1ec: {  	[tilespmem:s9+$0x470] =	vst v0  }
0x1ed: {  	[tilespmem:s17+$0x470] =	vst v2  }
0x1ee: {  	[tilespmem:s5+$0x470] =	vst v3  }
0x1ef: {  	[tilespmem:s0+$0x470] =	vst v4  }
0x1f0: {  	[tilespmem:s16+$0x470] =	vst v1  }
0x1f1: {  	s0 =	rddreg [dreg:$0xa]  }
0x1f2: {  	p0 =	seq.s32 s1, $0xF;
	s0 =	sadd.s32 s6, s0  }
0x1f3: {  	[hbm4b:s0+s3] =	stream.linear.scatter [tilespmem:s28], [sflag:$0x6], $0x4000, $0x38;
	[tilespmem:$0x18200] =	vst v63  }
0x1f4: {  	s2 =	simm.s32 @!p0 $0x0;
	s5 =	simm.s32 @!p0 $0x4200;
	s0 =	sadd.s32 @!p0 s6, s12  }
0x1f5: {  	[tilespmem:s5], [sflag:$0x2] =	stream.linear.gather @!p0 [hbm4b:s0+s2], $0x4000, $0x38;
	[tilespmem:$0x18200] =	vst v63  }
0x1f6: {  	_ =	swait.ge [sflag:s29], $0x4000  }
0x1f7: {  	[sflag:s29] =	ssyncset.done $0x0  }
0x1f8: {  	[sflag:s29] =	ssyncadd.s32 $0xFFFFC000  }
0x1f9: {  	_ =	swait.ge [sflag:s30], $0x4000  }
0x1fa: {  	[sflag:s30] =	ssyncset.done $0x0  }
0x1fb: {  	[sflag:s30] =	ssyncadd.s32 $0xFFFFC000  }
0x1fc: {  	v0 =	vld [tilespmem:$0x0];
	_ =	sdelay $0x2  }
0x1fd: {  	s2 =	simm.s32 $0x1;
	v4 =	vld [tilespmem:$0x10]  }
0x1fe: {  	v1 =	vmov s2;
	v5 =	vld [tilespmem:$0x20]  }
0x1ff: {  	v3 =	vshll.u32 v1, $0x8;
	v6 =	vld [tilespmem:$0x30];
	v2 =	vshll.u32 v0, $0x3  }
0x200: {  	s5 =	simm.s32 $0x0;
	v1 =	vshll.u32 v1, $0x7;
	v7 =	vld [tilespmem:$0x40];
	v26 =	vand.u32 $0xFFFFFC00, v2;
	v2 =	vand.u32 $0x3800, v3  }
0x201: {  	v1 =	vand.u32 $0x380, v1;
	v14 =	vld [tilespmem:$0x50];
	v3 =	vmov s5;
	v8 =	vadd.s32 v26, v2  }
0x202: {  	v15 =	vld [tilespmem:$0x60];
	v28 =	vand.u32 $0x7F, v0;
	v0 =	vshll.u32 v3, $0x8;
	v8 =	vor.u32 v1, v8  }
0x203: {  	v16 =	vld [tilespmem:$0x70];
	v9 =	vshll.u32 v3, $0x7;
	v3 =	vand.u32 $0x3800, v0;
	v8 =	vor.u32 v28, v8  }
0x204: {  	v17 =	vld [tilespmem:$0x80];
	v0 =	vand.u32 $0x300, v9;
	v9 =	vadd.s32 v26, v3  }
0x205: {  	v18 =	vld [tilespmem:$0x90];
	v10 =	vshll.u32 v4, $0x3;
	v9 =	vor.u32 v0, v9  }
0x206: {  	v13 =	vld [tilespmem:$0xA0];
	v32 =	vand.u32 $0xFFFFFC00, v10;
	v10 =	vor.u32 v28, v9  }
0x207: {  	v12 =	vld [tilespmem:$0xB0];
	v9 =	vadd.s32 v32, v2  }
0x208: {  	v30 =	vand.u32 $0x7F, v4;
	v4 =	vld.idx.msk [tilespmem:v8+s20+$0x0], $0xffff;
	v8 =	vor.u32 v1, v9  }
0x209: {  	v11 =	vld [tilespmem:$0xC0];
	v19 =	vor.u32 v30, v8  }
0x20a: {  	s8 =	simm.s32 $0x80;
	s0 =	sand.u32 $0x3800, s5;
	v20 =	vadd.s32 v32, v3;
	v9 =	vld [tilespmem:$0xD0]  }
0x20b: {  	s2 =	sand.u32 $0x380, s8;
	s0 =	sor.u32 $0x10200, s0;
	v21 =	vshll.u32 v5, $0x3;
	v20 =	vor.u32 v0, v20;
	v22 =	vld.idx.msk [tilespmem:v10+s20+$0x0], $0xffff  }
0x20c: {  	s8 =	sadd.s32 s2, s0;
	v33 =	vand.u32 $0xFFFFFC00, v21;
	v20 =	vor.u32 v30, v20;
	v8 =	vld [tilespmem:$0xE0]  }
0x20d: {  	s9 =	simm.s32 $0x0;
	v10 =	vld [tilespmem:$0xF0];
	[tilespmem:s8+$0x0] =	vst v4;
	v4 =	vadd.s32 v33, v2  }
0x20e: {  	s2 =	sand.u32 $0x300, s9;
	v34 =	vand.u32 $0x7F, v5;
	v5 =	vld.idx.msk [tilespmem:v19+s20+$0x0], $0xffff;
	v4 =	vor.u32 v1, v4  }
0x20f: {  	s9 =	sadd.s32 s2, s0;
	v4 =	vor.u32 v34, v4  }
0x210: {  	v19 =	vadd.s32 v33, v3;
	[tilespmem:s9+$0x0] =	vst v22  }
0x211: {  	v21 =	vshll.u32 v6, $0x3;
	v19 =	vor.u32 v0, v19;
	v20 =	vld.idx.msk [tilespmem:v20+s20+$0x0], $0xffff  }
0x212: {  	v37 =	vand.u32 $0xFFFFFC00, v21;
	v19 =	vor.u32 v34, v19  }
0x213: {  	[tilespmem:s8+$0x10] =	vst v5;
	v5 =	vadd.s32 v37, v2  }
0x214: {  	v36 =	vand.u32 $0x7F, v6;
	v4 =	vld.idx.msk [tilespmem:v4+s20+$0x0], $0xffff;
	v5 =	vor.u32 v1, v5  }
0x215: {  	v5 =	vor.u32 v36, v5  }
0x216: {  	v6 =	vadd.s32 v37, v3;
	[tilespmem:s9+$0x10] =	vst v20  }
0x217: {  	v6 =	vor.u32 v0, v6;
	v20 =	vshll.u32 v7, $0x3;
	v19 =	vld.idx.msk [tilespmem:v19+s20+$0x0], $0xffff  }
0x218: {  	v6 =	vor.u32 v36, v6;
	v39 =	vand.u32 $0xFFFFFC00, v20  }
0x219: {  	[tilespmem:s8+$0x20] =	vst v4;
	v4 =	vadd.s32 v39, v2  }
0x21a: {  	v38 =	vand.u32 $0x7F, v7;
	v5 =	vld.idx.msk [tilespmem:v5+s20+$0x0], $0xffff;
	v4 =	vor.u32 v1, v4  }
0x21b: {  	v4 =	vor.u32 v38, v4  }
0x21c: {  	v35 =	vand.u32 $0x7F, v14;
	v7 =	vshll.u32 v14, $0x3;
	[tilespmem:s9+$0x20] =	vst v19;
	v19 =	vadd.s32 v39, v3  }
0x21d: {  	v27 =	vand.u32 $0x7F, v15;
	v40 =	vand.u32 $0xFFFFFC00, v7;
	v6 =	vld.idx.msk [tilespmem:v6+s20+$0x0], $0xffff;
	v7 =	vor.u32 v0, v19  }
0x21e: {  	v23 =	vand.u32 $0x7F, v17;
	v14 =	vshll.u32 v15, $0x3;
	v7 =	vor.u32 v38, v7  }
0x21f: {  	s10 =	simm.s32 $0x2;
	v31 =	vand.u32 $0xFFFFFC00, v14;
	v14 =	vshll.u32 v16, $0x3;
	[tilespmem:s8+$0x30] =	vst v5;
	v5 =	vadd.s32 v40, v2  }
0x220: {  	s11 =	simm.s32 $0x3;
	v15 =	vmov s10;
	v24 =	vand.u32 $0xFFFFFC00, v14;
	v14 =	vld.idx.msk [tilespmem:v4+s20+$0x0], $0xffff;
	v4 =	vor.u32 v1, v5  }
0x221: {  	v20 =	vand.u32 $0x7F, v16;
	v16 =	vor.u32 v35, v4;
	v4 =	vmov s11  }
0x222: {  	v19 =	vshll.u32 v15, $0x7;
	v5 =	vadd.s32 v40, v3;
	[tilespmem:s9+$0x30] =	vst v6;
	v6 =	vshll.u32 v4, $0x8  }
0x223: {  	v21 =	vld.idx.msk [tilespmem:v7+s20+$0x0], $0xffff;
	v7 =	vor.u32 v0, v5;
	v4 =	vshll.u32 v4, $0x7;
	v5 =	vand.u32 $0x3800, v6  }
0x224: {  	v22 =	vor.u32 v35, v7;
	v4 =	vand.u32 $0x380, v4;
	v6 =	vadd.s32 v26, v5  }
0x225: {  	v7 =	vshll.u32 v15, $0x8;
	[tilespmem:s8+$0x40] =	vst v14;
	v6 =	vor.u32 v4, v6;
	v14 =	vadd.s32 v31, v2  }
0x226: {  	v7 =	vand.u32 $0x3800, v7;
	v15 =	vld.idx.msk [tilespmem:v16+s20+$0x0], $0xffff;
	v16 =	vor.u32 v28, v6;
	v14 =	vor.u32 v1, v14  }
0x227: {  	v6 =	vand.u32 $0x300, v19;
	v19 =	vadd.s32 v26, v7;
	v14 =	vor.u32 v27, v14  }
0x228: {  	v17 =	vshll.u32 v17, $0x3;
	v25 =	vadd.s32 v31, v3;
	[tilespmem:s9+$0x40] =	vst v21;
	v19 =	vor.u32 v6, v19  }
0x229: {  	v29 =	vand.u32 $0xFFFFFC00, v17;
	v21 =	vld.idx.msk [tilespmem:v22+s20+$0x0], $0xffff;
	v22 =	vor.u32 v28, v19;
	v19 =	vor.u32 v0, v25  }
0x22a: {  	v50 =	vadd.s32 v29, v3;
	v25 =	vadd.s32 v32, v5;
	v17 =	vor.u32 v27, v19  }
0x22b: {  	v19 =	vand.u32 $0x7F, v18;
	v18 =	vshll.u32 v18, $0x3;
	v59 =	vld.idx.msk [tilespmem:v16+s20+$0x0], $0xffff;
	[tilespmem:s8+$0x50] =	vst v15;
	v16 =	vadd.s32 v24, v2  }
0x22c: {  	v15 =	vor.u32 v4, v25;
	v25 =	vand.u32 $0xFFFFFC00, v18;
	v60 =	vld.idx.msk [tilespmem:v14+s20+$0x0], $0xffff;
	v14 =	vor.u32 v1, v16  }
0x22d: {  	s0 =	simm.s32 $0x200;
	v15 =	vor.u32 v30, v15;
	v18 =	vor.u32 v20, v14;
	v14 =	vadd.s32 v32, v7  }
0x22e: {  	s22 =	simm.s32 $0x180;
	s16 =	sand.u32 $0x3800, s0;
	v16 =	vand.u32 $0x7F, v13;
	v61 =	vld.idx.msk [tilespmem:v22+s20+$0x0], $0xffff;
	[tilespmem:s9+$0x50] =	vst v21;
	v21 =	vadd.s32 v24, v3;
	v14 =	vor.u32 v6, v14  }
0x22f: {  	s17 =	sand.u32 $0x380, s22;
	s2 =	sor.u32 $0x10200, s16;
	v13 =	vshll.u32 v13, $0x3;
	v17 =	vld.idx.msk [tilespmem:v17+s20+$0x0], $0xffff;
	v62 =	vor.u32 v30, v14;
	v14 =	vor.u32 v0, v21  }
0x230: {  	s17 =	sadd.s32 s17, s2;
	s10 =	simm.s32 $0x100;
	v22 =	vand.u32 $0xFFFFFC00, v13;
	v13 =	vadd.s32 v33, v5;
	v63 =	vor.u32 v20, v14  }
0x231: {  	v45 =	vor.u32 v0, v50;
	s5 =	sand.u32 $0x300, s10;
	v13 =	vor.u32 v4, v13;
	v21 =	vadd.s32 v29, v2;
	[tilespmem:s17+$0x0] =	vst v59  }
0x232: {  	s5 =	sadd.s32 s5, s2;
	v48 =	vor.u32 v34, v13;
	v14 =	vand.u32 $0x7F, v12;
	v12 =	vshll.u32 v12, $0x3;
	v15 =	vld.idx.msk [tilespmem:v15+s20+$0x0], $0xffff;
	[tilespmem:s8+$0x60] =	vst v60  }
0x233: {  	v13 =	vor.u32 v1, v21;
	v21 =	vand.u32 $0xFFFFFC00, v12;
	v12 =	vadd.s32 v33, v7;
	v18 =	vld.idx.msk [tilespmem:v18+s20+$0x0], $0xffff;
	[tilespmem:s5+$0x0] =	vst v61  }
0x234: {  	v49 =	vor.u32 v23, v13;
	v12 =	vor.u32 v6, v12;
	[tilespmem:s9+$0x60] =	vst v17;
	v44 =	vld.idx.msk [tilespmem:v62+s20+$0x0], $0xffff  }
0x235: {  	v45 =	vor.u32 v23, v45;
	v57 =	vadd.s32 v39, v5;
	v12 =	vor.u32 v34, v12;
	v41 =	vld.idx.msk [tilespmem:v63+s20+$0x0], $0xffff  }
0x236: {  	v52 =	vadd.s32 v37, v7;
	v54 =	vadd.s32 v25, v3;
	v59 =	vadd.s32 v39, v7  }
0x237: {  	v58 =	vadd.s32 v22, v2;
	v47 =	vor.u32 v6, v59;
	[tilespmem:s17+$0x10] =	vst v15;
	v15 =	vadd.s32 v37, v5  }
0x238: {  	v13 =	vand.u32 $0x7F, v11;
	v42 =	vld.idx.msk [tilespmem:v48+s20+$0x0], $0xffff;
	[tilespmem:s8+$0x70] =	vst v18;
	v15 =	vor.u32 v4, v15;
	v18 =	vadd.s32 v25, v2  }
0x239: {  	s11 =	simm.s32 $0x4;
	v11 =	vshll.u32 v11, $0x3;
	v43 =	vld.idx.msk [tilespmem:v49+s20+$0x0], $0xffff;
	v51 =	vor.u32 v36, v15;
	v18 =	vor.u32 v1, v18;
	[tilespmem:s5+$0x10] =	vst v44  }
0x23a: {  	v60 =	vmov s11;
	v18 =	vor.u32 v19, v18;
	v53 =	vld.idx.msk [tilespmem:v12+s20+$0x0], $0xffff;
	[tilespmem:s9+$0x70] =	vst v41;
	v12 =	vor.u32 v6, v52  }
0x23b: {  	v59 =	vadd.s32 v40, v5;
	v41 =	vor.u32 v0, v54;
	v55 =	vld.idx.msk [tilespmem:v45+s20+$0x0], $0xffff;
	v56 =	vor.u32 v36, v12  }
0x23c: {  	v61 =	vadd.s32 v22, v3;
	v17 =	vand.u32 $0xFFFFFC00, v11;
	v41 =	vor.u32 v19, v41  }
0x23d: {  	v11 =	vand.u32 $0x7F, v9;
	v9 =	vshll.u32 v9, $0x3;
	v62 =	vshll.u32 v60, $0x7;
	[tilespmem:s17+$0x20] =	vst v42  }
0x23e: {  	v63 =	vor.u32 v38, v47;
	v15 =	vand.u32 $0xFFFFFC00, v9;
	v42 =	vor.u32 v4, v57;
	v46 =	vld.idx.msk [tilespmem:v51+s20+$0x0], $0xffff;
	[tilespmem:s8+$0x400] =	vst v43  }
0x23f: {  	v9 =	vand.u32 $0x7F, v8;
	v42 =	vor.u32 v38, v42;
	v43 =	vor.u32 v1, v58;
	v18 =	vld.idx.msk [tilespmem:v18+s20+$0x0], $0xffff;
	[tilespmem:s5+$0x20] =	vst v53  }
0x240: {  	v8 =	vshll.u32 v8, $0x3;
	v44 =	vadd.s32 v15, v3;
	v43 =	vor.u32 v16, v43;
	v45 =	vld.idx.msk [tilespmem:v56+s20+$0x0], $0xffff;
	[tilespmem:s9+$0x400] =	vst v55  }
0x241: {  	v54 =	vshll.u32 v60, $0x8;
	v60 =	vadd.s32 v21, v3;
	v58 =	vor.u32 v0, v61;
	v49 =	vld.idx.msk [tilespmem:v41+s20+$0x0], $0xffff  }
0x242: {  	v12 =	vand.u32 $0xFFFFFC00, v8;
	v8 =	vand.u32 $0x7F, v10;
	v53 =	vor.u32 v16, v58  }
0x243: {  	v10 =	vshll.u32 v10, $0x3;
	v61 =	vadd.s32 v21, v2;
	v41 =	vadd.s32 v12, v3;
	[tilespmem:s17+$0x30] =	vst v46  }
0x244: {  	v10 =	vand.u32 $0xFFFFFC00, v10;
	v46 =	vadd.s32 v31, v7;
	[tilespmem:s8+$0x410] =	vst v18;
	v47 =	vld.idx.msk [tilespmem:v42+s20+$0x0], $0xffff;
	v42 =	vor.u32 v4, v59  }
0x245: {  	s16 =	simm.s32 $0x5;
	v18 =	vand.u32 $0x300, v62;
	v62 =	vor.u32 v1, v61;
	v48 =	vld.idx.msk [tilespmem:v43+s20+$0x0], $0xffff;
	v51 =	vor.u32 v35, v42;
	[tilespmem:s5+$0x30] =	vst v45  }
0x246: {  	v43 =	vmov s16;
	v52 =	vor.u32 v14, v62;
	v50 =	vld.idx.msk [tilespmem:v63+s20+$0x0], $0xffff;
	v63 =	vadd.s32 v40, v7;
	[tilespmem:s9+$0x410] =	vst v49  }
0x247: {  	s2 =	simm.s32 $0x6;
	v42 =	vshll.u32 v43, $0x8;
	v55 =	vor.u32 v6, v63;
	v49 =	vld.idx.msk [tilespmem:v53+s20+$0x0], $0xffff;
	v53 =	vor.u32 v0, v60  }
.LBB2_11:
0x248: {  	p1 =	slt.u32 s2, $0x3E;
	v45 =	vand.u32 $0x3800, v42;
	v42 =	vshll.u32 v43, $0x7;
	v55 =	vor.u32 v35, v55  }
0x249: {  	v56 =	vadd.s32 v26, v45;
	v43 =	vand.u32 $0x380, v42;
	[tilespmem:s17+$0x40] =	vst v47;
	v47 =	vor.u32 v14, v53  }
0x24a: {  	v42 =	vand.u32 $0x3800, v54;
	v54 =	vadd.s32 v31, v5;
	v53 =	vor.u32 v43, v56;
	v51 =	vld.idx.msk [tilespmem:v51+s20+$0x0], $0xffff;
	[tilespmem:s8+$0x420] =	vst v48  }
0x24b: {  	v48 =	vor.u32 v28, v53;
	v53 =	vor.u32 v4, v54;
	v52 =	vld.idx.msk [tilespmem:v52+s20+$0x0], $0xffff;
	v54 =	vadd.s32 v17, v2  }
0x24c: {  	v56 =	vadd.s32 v26, v42;
	[tilespmem:s5+$0x40] =	vst v50;
	v50 =	vor.u32 v27, v53;
	v53 =	vor.u32 v1, v54  }
0x24d: {  	v54 =	vor.u32 v18, v56;
	v55 =	vld.idx.msk [tilespmem:v55+s20+$0x0], $0xffff;
	[tilespmem:s9+$0x420] =	vst v49;
	v49 =	vor.u32 v13, v53  }
0x24e: {  	v46 =	vor.u32 v6, v46;
	v53 =	vor.u32 v28, v54;
	v54 =	vadd.s32 v17, v3;
	v47 =	vld.idx.msk [tilespmem:v47+s20+$0x0], $0xffff  }
0x24f: {  	v46 =	vor.u32 v27, v46;
	v56 =	vadd.s32 v29, v7;
	v54 =	vor.u32 v0, v54  }
0x250: {  	v57 =	vadd.s32 v32, v45;
	v48 =	vld.idx.msk [tilespmem:v48+s20+$0x0], $0xffff;
	[tilespmem:s17+$0x50] =	vst v51;
	v51 =	vor.u32 v13, v54  }
0x251: {  	v54 =	vor.u32 v43, v57;
	v57 =	vadd.s32 v24, v5;
	v50 =	vld.idx.msk [tilespmem:v50+s20+$0x0], $0xffff;
	[tilespmem:s8+$0x430] =	vst v52  }
0x252: {  	s0 =	sadd.s32 $0x200, s0;
	v52 =	vor.u32 v30, v54;
	v54 =	vor.u32 v4, v57;
	v57 =	vadd.s32 v15, v2;
	v49 =	vld.idx.msk [tilespmem:v49+s20+$0x0], $0xffff  }
0x253: {  	s22 =	sadd.s32 $0x100, s22;
	s10 =	sand.u32 $0x3800, s0;
	v54 =	vor.u32 v20, v54;
	v53 =	vld.idx.msk [tilespmem:v53+s20+$0x0], $0xffff;
	[tilespmem:s5+$0x50] =	vst v55;
	v55 =	vor.u32 v1, v57  }
0x254: {  	s11 =	sadd.s32 $0xFFFFFF80, s22;
	s16 =	sand.u32 $0x380, s22;
	s10 =	sor.u32 $0x10200, s10;
	v57 =	vadd.s32 v32, v42;
	v46 =	vld.idx.msk [tilespmem:v46+s20+$0x0], $0xffff;
	[tilespmem:s9+$0x430] =	vst v47;
	v47 =	vor.u32 v11, v55  }
0x255: {  	v44 =	vor.u32 v0, v44;
	s11 =	sand.u32 $0x300, s11;
	s16 =	sadd.s32 s16, s10;
	v55 =	vor.u32 v18, v57;
	v57 =	vadd.s32 v24, v7;
	v51 =	vld.idx.msk [tilespmem:v51+s20+$0x0], $0xffff  }
0x256: {  	v44 =	vor.u32 v11, v44;
	s10 =	sadd.s32 s11, s10;
	v55 =	vor.u32 v30, v55;
	[tilespmem:s16+$0x0] =	vst v48;
	v48 =	vor.u32 v6, v57  }
0x257: {  	v57 =	vadd.s32 v33, v45;
	v52 =	vld.idx.msk [tilespmem:v52+s20+$0x0], $0xffff;
	v48 =	vor.u32 v20, v48;
	[tilespmem:s17+$0x60] =	vst v50  }
0x258: {  	v50 =	vor.u32 v43, v57;
	v57 =	vadd.s32 v29, v5;
	v54 =	vld.idx.msk [tilespmem:v54+s20+$0x0], $0xffff;
	[tilespmem:s8+$0x440] =	vst v49  }
0x259: {  	v49 =	vor.u32 v34, v50;
	v50 =	vor.u32 v4, v57;
	v57 =	vadd.s32 v12, v2;
	v47 =	vld.idx.msk [tilespmem:v47+s20+$0x0], $0xffff  }
0x25a: {  	v50 =	vor.u32 v23, v50;
	v57 =	vor.u32 v1, v57;
	[tilespmem:s10+$0x0] =	vst v53;
	v53 =	vadd.s32 v33, v42  }
0x25b: {  	v41 =	vor.u32 v0, v41;
	v55 =	vld.idx.msk [tilespmem:v55+s20+$0x0], $0xffff;
	[tilespmem:s5+$0x60] =	vst v46;
	v46 =	vor.u32 v9, v57  }
0x25c: {  	v56 =	vor.u32 v6, v56;
	v53 =	vor.u32 v18, v53;
	v48 =	vld.idx.msk [tilespmem:v48+s20+$0x0], $0xffff;
	[tilespmem:s9+$0x440] =	vst v51  }
0x25d: {  	v41 =	vor.u32 v9, v41;
	v51 =	vor.u32 v34, v53;
	[tilespmem:s16+$0x10] =	vst v52;
	v44 =	vld.idx.msk [tilespmem:v44+s20+$0x0], $0xffff  }
0x25e: {  	v53 =	vor.u32 v23, v56;
	v52 =	vadd.s32 v37, v45;
	v49 =	vld.idx.msk [tilespmem:v49+s20+$0x0], $0xffff;
	[tilespmem:s17+$0x70] =	vst v54  }
0x25f: {  	v52 =	vor.u32 v43, v52;
	v54 =	vadd.s32 v25, v5;
	v50 =	vld.idx.msk [tilespmem:v50+s20+$0x0], $0xffff;
	[tilespmem:s8+$0x450] =	vst v47  }
0x260: {  	v56 =	vadd.s32 v10, v2;
	v47 =	vor.u32 v36, v52;
	v52 =	vor.u32 v4, v54;
	v46 =	vld.idx.msk [tilespmem:v46+s20+$0x0], $0xffff  }
0x261: {  	v3 =	vadd.s32 v10, v3;
	v1 =	vor.u32 v1, v56;
	v52 =	vor.u32 v19, v52;
	[tilespmem:s10+$0x10] =	vst v55  }
0x262: {  	v2 =	vmov v5;
	v54 =	vadd.s32 v37, v42;
	v51 =	vld.idx.msk [tilespmem:v51+s20+$0x0], $0xffff;
	[tilespmem:s5+$0x70] =	vst v48;
	v48 =	vor.u32 v8, v1  }
0x263: {  	v5 =	vmov v45;
	v55 =	vor.u32 v18, v54;
	v54 =	vadd.s32 v25, v7;
	v53 =	vld.idx.msk [tilespmem:v53+s20+$0x0], $0xffff;
	[tilespmem:s9+$0x450] =	vst v44  }
0x264: {  	v45 =	vor.u32 v6, v54;
	v1 =	vmov v4;
	v44 =	vor.u32 v36, v55;
	[tilespmem:s16+$0x20] =	vst v49;
	v41 =	vld.idx.msk [tilespmem:v41+s20+$0x0], $0xffff  }
0x265: {  	v54 =	vor.u32 v0, v3;
	v4 =	vmov v43;
	v45 =	vor.u32 v19, v45;
	v47 =	vld.idx.msk [tilespmem:v47+s20+$0x0], $0xffff;
	[tilespmem:s17+$0x400] =	vst v50  }
0x266: {  	v43 =	vadd.s32 v39, v5;
	v3 =	vmov v7;
	v50 =	vor.u32 v8, v54;
	v49 =	vld.idx.msk [tilespmem:v52+s20+$0x0], $0xffff;
	[tilespmem:s8+$0x460] =	vst v46  }
0x267: {  	v7 =	vmovc v42;
	v0 =	vmov v6;
	v43 =	vor.u32 v4, v43;
	v46 =	vadd.s32 v22, v2;
	v48 =	vld.idx.msk [tilespmem:v48+s20+$0x0], $0xffff  }
0x268: {  	v6 =	vmov v18;
	v42 =	vor.u32 v38, v43;
	v43 =	vor.u32 v1, v46;
	[tilespmem:s10+$0x20] =	vst v51  }
0x269: {  	v18 =	vadd.s32 v39, v7;
	v43 =	vor.u32 v16, v43;
	v46 =	vld.idx.msk [tilespmem:v44+s20+$0x0], $0xffff;
	[tilespmem:s5+$0x400] =	vst v53  }
0x26a: {  	v18 =	vor.u32 v6, v18;
	v51 =	vadd.s32 v22, v3;
	v44 =	vmov s2;
	v45 =	vld.idx.msk [tilespmem:v45+s20+$0x0], $0xffff;
	[tilespmem:s9+$0x460] =	vst v41  }
0x26b: {  	v53 =	vor.u32 v38, v18;
	v18 =	vor.u32 v0, v51;
	v52 =	vshll.u32 v44, $0x7;
	[tilespmem:s16+$0x30] =	vst v47;
	v56 =	vld.idx.msk [tilespmem:v50+s20+$0x0], $0xffff  }
0x26c: {  	v54 =	vshll.u32 v44, $0x8;
	v57 =	vor.u32 v16, v18;
	v41 =	vadd.s32 v12, v3;
	[tilespmem:s17+$0x410] =	vst v49  }
.Ltmp7:
0x26d: {  	v44 =	vadd.s32 v15, v3;
	v18 =	vand.u32 $0x300, v52;
	v47 =	vld.idx.msk [tilespmem:v42+s20+$0x0], $0xffff;
	v42 =	vadd.s32 v40, v5;
	[tilespmem:s8+$0x470] =	vst v48;
	s8 =	smov.u32 s17;
	s17 =	smov.u32 s16;
	(pc) =	sbr.rel @p1 .LBB2_11-.Ltmp7, $4  }
0x26e: {  	v58 =	vadd.s32 v21, v3;
	v42 =	vor.u32 v4, v42;
	v48 =	vld.idx.msk [tilespmem:v43+s20+$0x0], $0xffff;
	v43 =	vadd.s32 v21, v2  }
0x26f: {  	s11 =	sadd.s32 $0x1, s2;
	[tilespmem:s10+$0x30] =	vst v46;
	v46 =	vadd.s32 v31, v7;
	v51 =	vor.u32 v35, v42;
	v42 =	vor.u32 v1, v43  }
0x270: {  	v49 =	vadd.s32 v40, v7;
	v43 =	vmov s11;
	v50 =	vld.idx.msk [tilespmem:v53+s20+$0x0], $0xffff;
	[tilespmem:s5+$0x410] =	vst v45;
	v52 =	vor.u32 v14, v42  }
0x271: {  	s2 =	sadd.s32 $0x2, s2;
	v55 =	vor.u32 v6, v49;
	v42 =	vshll.u32 v43, $0x8;
	v53 =	vor.u32 v0, v58;
	v49 =	vld.idx.msk [tilespmem:v57+s20+$0x0], $0xffff;
	[tilespmem:s9+$0x470] =	vst v56;
	s9 =	smov.u32 s5;
	s5 =	smov.u32 s10  }
0x272: {  	v42 =	vand.u32 $0x3800, v42;
	v43 =	vshll.u32 v43, $0x7  }
0x273: {  	v45 =	vand.u32 $0x3800, v54;
	v56 =	vadd.s32 v26, v42;
	v43 =	vand.u32 $0x380, v43  }
0x274: {  	v26 =	vadd.s32 v26, v45;
	v63 =	vor.u32 v43, v56  }
0x275: {  	v26 =	vor.u32 v18, v26;
	v54 =	vor.u32 v28, v63  }
0x276: {  	v26 =	vor.u32 v28, v26;
	_ =	sdelay $0x2  }
0x277: {  	v28 =	vadd.s32 v32, v42  }
0x278: {  	v56 =	vadd.s32 v32, v45;
	v28 =	vor.u32 v43, v28;
	v54 =	vld.idx.msk [tilespmem:v54+s20+$0x0], $0xffff  }
0x279: {  	s0 =	sadd.s32 $0x200, s0;
	v32 =	vor.u32 v18, v56;
	v28 =	vor.u32 v30, v28;
	v26 =	vld.idx.msk [tilespmem:v26+s20+$0x0], $0xffff  }
0x27a: {  	s2 =	sadd.s32 $0x100, s22;
	s0 =	sand.u32 $0x3800, s0;
	v30 =	vor.u32 v30, v32  }
0x27b: {  	s10 =	sadd.s32 $0xFFFFFF80, s2;
	s2 =	sand.u32 $0x380, s2;
	s11 =	sor.u32 $0x10200, s0  }
0x27c: {  	s10 =	sand.u32 $0x300, s10;
	s0 =	sadd.s32 s2, s11  }
0x27d: {  	v57 =	vadd.s32 v33, v42;
	s16 =	sadd.s32 s10, s11;
	[tilespmem:s0+$0x0] =	vst v54  }
0x27e: {  	v32 =	vor.u32 v43, v57;
	[tilespmem:s16+$0x0] =	vst v26;
	v26 =	vadd.s32 v33, v45;
	v28 =	vld.idx.msk [tilespmem:v28+s20+$0x0], $0xffff  }
0x27f: {  	v32 =	vor.u32 v34, v32;
	v30 =	vld.idx.msk [tilespmem:v30+s20+$0x0], $0xffff;
	v26 =	vor.u32 v18, v26  }
0x280: {  	v26 =	vor.u32 v34, v26;
	_ =	sdelay $0x2  }
0x281: {  	[tilespmem:s0+$0x10] =	vst v28;
	v28 =	vadd.s32 v37, v42  }
0x282: {  	[tilespmem:s16+$0x10] =	vst v30;
	v30 =	vadd.s32 v37, v45;
	v32 =	vld.idx.msk [tilespmem:v32+s20+$0x0], $0xffff;
	v28 =	vor.u32 v43, v28  }
0x283: {  	v26 =	vld.idx.msk [tilespmem:v26+s20+$0x0], $0xffff;
	v30 =	vor.u32 v18, v30;
	v28 =	vor.u32 v36, v28  }
0x284: {  	v30 =	vor.u32 v36, v30;
	_ =	sdelay $0x2  }
0x285: {  	v58 =	vadd.s32 v39, v42;
	[tilespmem:s0+$0x20] =	vst v32  }
0x286: {  	v32 =	vor.u32 v43, v58;
	[tilespmem:s16+$0x20] =	vst v26;
	v26 =	vadd.s32 v39, v45;
	v28 =	vld.idx.msk [tilespmem:v28+s20+$0x0], $0xffff  }
0x287: {  	v32 =	vor.u32 v38, v32;
	v30 =	vld.idx.msk [tilespmem:v30+s20+$0x0], $0xffff;
	v26 =	vor.u32 v18, v26  }
0x288: {  	v26 =	vor.u32 v38, v26;
	_ =	sdelay $0x2  }
0x289: {  	v59 =	vor.u32 v35, v55;
	[tilespmem:s0+$0x30] =	vst v28;
	v28 =	vadd.s32 v40, v42  }
0x28a: {  	[tilespmem:s16+$0x30] =	vst v30;
	v30 =	vadd.s32 v40, v45;
	v32 =	vld.idx.msk [tilespmem:v32+s20+$0x0], $0xffff;
	v28 =	vor.u32 v43, v28  }
0x28b: {  	v26 =	vld.idx.msk [tilespmem:v26+s20+$0x0], $0xffff;
	v30 =	vor.u32 v18, v30;
	v28 =	vor.u32 v35, v28  }
0x28c: {  	[tilespmem:s17+$0x40] =	vst v47;
	v60 =	vadd.s32 v31, v5;
	v30 =	vor.u32 v35, v30  }
0x28d: {  	v61 =	vor.u32 v14, v53;
	v46 =	vor.u32 v6, v46;
	v55 =	vadd.s32 v15, v2;
	[tilespmem:s8+$0x420] =	vst v48  }
0x28e: {  	v62 =	vld.idx.msk [tilespmem:v51+s20+$0x0], $0xffff;
	v47 =	vadd.s32 v31, v42;
	[tilespmem:s5+$0x40] =	vst v50;
	v34 =	vor.u32 v4, v60  }
0x28f: {  	v31 =	vadd.s32 v31, v45;
	v33 =	vld.idx.msk [tilespmem:v59+s20+$0x0], $0xffff;
	v34 =	vor.u32 v27, v34;
	[tilespmem:s0+$0x40] =	vst v32  }
0x290: {  	v38 =	vor.u32 v27, v46;
	v32 =	vor.u32 v43, v47;
	[tilespmem:s16+$0x40] =	vst v26;
	v28 =	vld.idx.msk [tilespmem:v28+s20+$0x0], $0xffff  }
0x291: {  	v48 =	vadd.s32 v24, v5;
	v31 =	vor.u32 v18, v31;
	v32 =	vor.u32 v27, v32;
	v30 =	vld.idx.msk [tilespmem:v30+s20+$0x0], $0xffff  }
0x292: {  	v63 =	vld.idx.msk [tilespmem:v52+s20+$0x0], $0xffff;
	[tilespmem:s9+$0x420] =	vst v49;
	v49 =	vadd.s32 v24, v7;
	v27 =	vor.u32 v27, v31  }
0x293: {  	v52 =	vadd.s32 v29, v5;
	v56 =	vadd.s32 v25, v5;
	v50 =	vor.u32 v6, v49;
	[tilespmem:s17+$0x50] =	vst v62  }
0x294: {  	[tilespmem:s5+$0x50] =	vst v33;
	v33 =	vor.u32 v20, v50;
	v34 =	vld.idx.msk [tilespmem:v34+s20+$0x0], $0xffff;
	v31 =	vor.u32 v4, v48  }
0x295: {  	v51 =	vld.idx.msk [tilespmem:v38+s20+$0x0], $0xffff;
	v31 =	vor.u32 v20, v31;
	[tilespmem:s0+$0x50] =	vst v28;
	v28 =	vadd.s32 v24, v42  }
0x296: {  	[tilespmem:s16+$0x50] =	vst v30;
	v24 =	vadd.s32 v24, v45;
	v32 =	vld.idx.msk [tilespmem:v32+s20+$0x0], $0xffff;
	v28 =	vor.u32 v43, v28  }
0x297: {  	v53 =	vor.u32 v4, v52;
	v27 =	vld.idx.msk [tilespmem:v27+s20+$0x0], $0xffff;
	v24 =	vor.u32 v18, v24;
	v28 =	vor.u32 v20, v28  }
0x298: {  	[tilespmem:s8+$0x430] =	vst v63;
	v54 =	vadd.s32 v29, v42;
	v26 =	vadd.s32 v17, v2;
	v20 =	vor.u32 v20, v24  }
0x299: {  	[tilespmem:s17+$0x60] =	vst v34;
	v34 =	vor.u32 v23, v53;
	v35 =	vld.idx.msk [tilespmem:v61+s20+$0x0], $0xffff;
	v26 =	vor.u32 v1, v26  }
0x29a: {  	[tilespmem:s5+$0x60] =	vst v51;
	v26 =	vor.u32 v13, v26;
	v31 =	vld.idx.msk [tilespmem:v31+s20+$0x0], $0xffff;
	v24 =	vadd.s32 v29, v7  }
0x29b: {  	v33 =	vld.idx.msk [tilespmem:v33+s20+$0x0], $0xffff;
	v29 =	vadd.s32 v29, v45;
	v24 =	vor.u32 v6, v24;
	[tilespmem:s0+$0x60] =	vst v32  }
0x29c: {  	v24 =	vor.u32 v23, v24;
	v32 =	vor.u32 v43, v54;
	[tilespmem:s16+$0x60] =	vst v27;
	v28 =	vld.idx.msk [tilespmem:v28+s20+$0x0], $0xffff  }
0x29d: {  	v30 =	vadd.s32 v17, v3;
	v29 =	vor.u32 v18, v29;
	v27 =	vor.u32 v23, v32;
	v20 =	vld.idx.msk [tilespmem:v20+s20+$0x0], $0xffff  }
0x29e: {  	v57 =	vadd.s32 v25, v7;
	[tilespmem:s9+$0x430] =	vst v35;
	v30 =	vor.u32 v0, v30;
	v23 =	vor.u32 v23, v29  }
0x29f: {  	v26 =	vld.idx.msk [tilespmem:v26+s20+$0x0], $0xffff;
	v30 =	vor.u32 v13, v30;
	[tilespmem:s17+$0x70] =	vst v31;
	v31 =	vor.u32 v4, v56  }
0x2a0: {  	[tilespmem:s5+$0x70] =	vst v33;
	v34 =	vld.idx.msk [tilespmem:v34+s20+$0x0], $0xffff;
	v31 =	vor.u32 v19, v31;
	v32 =	vor.u32 v6, v57  }
0x2a1: {  	v32 =	vor.u32 v19, v32;
	v24 =	vld.idx.msk [tilespmem:v24+s20+$0x0], $0xffff;
	[tilespmem:s0+$0x70] =	vst v28;
	v28 =	vadd.s32 v25, v42  }
0x2a2: {  	[tilespmem:s16+$0x70] =	vst v20;
	v20 =	vadd.s32 v25, v45;
	v27 =	vld.idx.msk [tilespmem:v27+s20+$0x0], $0xffff;
	v28 =	vor.u32 v43, v28  }
0x2a3: {  	v29 =	vor.u32 v1, v55;
	v23 =	vld.idx.msk [tilespmem:v23+s20+$0x0], $0xffff;
	v20 =	vor.u32 v18, v20;
	v25 =	vor.u32 v19, v28  }
0x2a4: {  	v28 =	vor.u32 v11, v29;
	v29 =	vld.idx.msk [tilespmem:v30+s20+$0x0], $0xffff;
	v30 =	vadd.s32 v22, v5;
	v19 =	vor.u32 v19, v20  }
0x2a5: {  	v58 =	vadd.s32 v22, v7;
	v3 =	vadd.s32 v10, v3;
	[tilespmem:s17+$0x400] =	vst v34;
	v30 =	vor.u32 v4, v30  }
0x2a6: {  	v31 =	vld.idx.msk [tilespmem:v31+s20+$0x0], $0xffff;
	[tilespmem:s5+$0x400] =	vst v24;
	v24 =	vor.u32 v16, v30;
	v30 =	vor.u32 v6, v58  }
0x2a7: {  	v32 =	vld.idx.msk [tilespmem:v32+s20+$0x0], $0xffff;
	v30 =	vor.u32 v16, v30;
	[tilespmem:s0+$0x400] =	vst v27;
	v27 =	vadd.s32 v22, v42  }
0x2a8: {  	[tilespmem:s16+$0x400] =	vst v23;
	v22 =	vadd.s32 v22, v45;
	v25 =	vld.idx.msk [tilespmem:v25+s20+$0x0], $0xffff;
	v27 =	vor.u32 v43, v27  }
0x2a9: {  	[tilespmem:s8+$0x440] =	vst v26;
	v19 =	vld.idx.msk [tilespmem:v19+s20+$0x0], $0xffff;
	v22 =	vor.u32 v18, v22;
	v23 =	vor.u32 v16, v27  }
0x2aa: {  	v20 =	vor.u32 v0, v44;
	v26 =	vld.idx.msk [tilespmem:v28+s20+$0x0], $0xffff;
	v28 =	vadd.s32 v21, v7;
	v16 =	vor.u32 v16, v22  }
0x2ab: {  	[tilespmem:s17+$0x410] =	vst v31;
	v27 =	vadd.s32 v21, v5;
	v22 =	vadd.s32 v12, v2;
	v28 =	vor.u32 v6, v28  }
0x2ac: {  	[tilespmem:s5+$0x410] =	vst v32;
	v27 =	vor.u32 v4, v27;
	v24 =	vld.idx.msk [tilespmem:v24+s20+$0x0], $0xffff;
	v28 =	vor.u32 v14, v28  }
0x2ad: {  	v27 =	vor.u32 v14, v27;
	v30 =	vld.idx.msk [tilespmem:v30+s20+$0x0], $0xffff;
	[tilespmem:s0+$0x410] =	vst v25;
	v25 =	vadd.s32 v21, v42  }
0x2ae: {  	v21 =	vadd.s32 v21, v45;
	[tilespmem:s16+$0x410] =	vst v19;
	v23 =	vld.idx.msk [tilespmem:v23+s20+$0x0], $0xffff;
	v25 =	vor.u32 v43, v25  }
0x2af: {  	v19 =	vor.u32 v1, v22;
	v16 =	vld.idx.msk [tilespmem:v16+s20+$0x0], $0xffff;
	v21 =	vor.u32 v18, v21;
	v22 =	vor.u32 v14, v25  }
0x2b0: {  	v20 =	vor.u32 v11, v20;
	[tilespmem:s9+$0x440] =	vst v29;
	v29 =	vadd.s32 v17, v5;
	v14 =	vor.u32 v14, v21  }
0x2b1: {  	v25 =	vor.u32 v0, v41;
	[tilespmem:s17+$0x420] =	vst v24;
	v21 =	vor.u32 v4, v29;
	v24 =	vadd.s32 v17, v7  }
0x2b2: {  	v27 =	vld.idx.msk [tilespmem:v27+s20+$0x0], $0xffff;
	[tilespmem:s5+$0x420] =	vst v30;
	v21 =	vor.u32 v13, v21;
	v24 =	vor.u32 v6, v24  }
0x2b3: {  	v28 =	vld.idx.msk [tilespmem:v28+s20+$0x0], $0xffff;
	v24 =	vor.u32 v13, v24;
	[tilespmem:s0+$0x420] =	vst v23;
	v23 =	vadd.s32 v17, v42  }
0x2b4: {  	[tilespmem:s16+$0x420] =	vst v16;
	v16 =	vadd.s32 v17, v45;
	v22 =	vld.idx.msk [tilespmem:v22+s20+$0x0], $0xffff;
	v23 =	vor.u32 v43, v23  }
0x2b5: {  	v17 =	vor.u32 v9, v19;
	v14 =	vld.idx.msk [tilespmem:v14+s20+$0x0], $0xffff;
	v16 =	vor.u32 v18, v16;
	v19 =	vor.u32 v13, v23  }
0x2b6: {  	v20 =	vld.idx.msk [tilespmem:v20+s20+$0x0], $0xffff;
	v23 =	vor.u32 v9, v25;
	v25 =	vadd.s32 v15, v5;
	v13 =	vor.u32 v13, v16  }
0x2b7: {  	v2 =	vadd.s32 v10, v2;
	v16 =	vadd.s32 v15, v7;
	[tilespmem:s17+$0x430] =	vst v27;
	v25 =	vor.u32 v4, v25  }
0x2b8: {  	v21 =	vld.idx.msk [tilespmem:v21+s20+$0x0], $0xffff;
	[tilespmem:s5+$0x430] =	vst v28;
	v16 =	vor.u32 v6, v16;
	v25 =	vor.u32 v11, v25  }
0x2b9: {  	v24 =	vld.idx.msk [tilespmem:v24+s20+$0x0], $0xffff;
	v16 =	vor.u32 v11, v16;
	[tilespmem:s0+$0x430] =	vst v22;
	v22 =	vadd.s32 v15, v42  }
0x2ba: {  	v15 =	vadd.s32 v15, v45;
	[tilespmem:s16+$0x430] =	vst v14;
	v19 =	vld.idx.msk [tilespmem:v19+s20+$0x0], $0xffff;
	v22 =	vor.u32 v43, v22  }
0x2bb: {  	[tilespmem:s8+$0x450] =	vst v26;
	v13 =	vld.idx.msk [tilespmem:v13+s20+$0x0], $0xffff;
	v15 =	vor.u32 v18, v15;
	v14 =	vor.u32 v11, v22  }
0x2bc: {  	v1 =	vor.u32 v1, v2;
	v2 =	vadd.s32 v12, v5;
	[tilespmem:s9+$0x450] =	vst v20;
	v11 =	vor.u32 v11, v15  }
0x2bd: {  	v1 =	vor.u32 v8, v1;
	v2 =	vor.u32 v4, v2;
	v15 =	vadd.s32 v12, v7;
	[tilespmem:s17+$0x440] =	vst v21  }
0x2be: {  	v2 =	vor.u32 v9, v2;
	v21 =	vld.idx.msk [tilespmem:v25+s20+$0x0], $0xffff;
	v15 =	vor.u32 v6, v15;
	[tilespmem:s5+$0x440] =	vst v24  }
0x2bf: {  	v16 =	vld.idx.msk [tilespmem:v16+s20+$0x0], $0xffff;
	v15 =	vor.u32 v9, v15;
	[tilespmem:s0+$0x440] =	vst v19;
	v19 =	vadd.s32 v12, v42  }
0x2c0: {  	v12 =	vadd.s32 v12, v45;
	[tilespmem:s16+$0x440] =	vst v13;
	v14 =	vld.idx.msk [tilespmem:v14+s20+$0x0], $0xffff;
	v19 =	vor.u32 v43, v19  }
0x2c1: {  	v0 =	vor.u32 v0, v3;
	v12 =	vor.u32 v18, v12;
	v11 =	vld.idx.msk [tilespmem:v11+s20+$0x0], $0xffff;
	v13 =	vor.u32 v9, v19  }
0x2c2: {  	v3 =	vadd.s32 v10, v5;
	v0 =	vor.u32 v8, v0;
	v17 =	vld.idx.msk [tilespmem:v17+s20+$0x0], $0xffff;
	v5 =	vor.u32 v9, v12  }
0x2c3: {  	v3 =	vor.u32 v4, v3;
	v7 =	vadd.s32 v10, v7;
	v19 =	vld.idx.msk [tilespmem:v23+s20+$0x0], $0xffff;
	[tilespmem:s17+$0x450] =	vst v21  }
0x2c4: {  	v3 =	vor.u32 v8, v3;
	v4 =	vor.u32 v6, v7;
	v2 =	vld.idx.msk [tilespmem:v2+s20+$0x0], $0xffff;
	[tilespmem:s5+$0x450] =	vst v16  }
0x2c5: {  	v7 =	vadd.s32 v10, v42;
	v10 =	vadd.s32 v10, v45;
	v6 =	vld.idx.msk [tilespmem:v15+s20+$0x0], $0xffff;
	[tilespmem:s0+$0x450] =	vst v14  }
0x2c6: {  	v4 =	vor.u32 v8, v4;
	v7 =	vor.u32 v43, v7;
	[tilespmem:s16+$0x450] =	vst v11;
	v9 =	vld.idx.msk [tilespmem:v13+s20+$0x0], $0xffff  }
0x2c7: {  	[tilespmem:s8+$0x460] =	vst v17;
	v10 =	vor.u32 v18, v10;
	v7 =	vor.u32 v8, v7;
	v5 =	vld.idx.msk [tilespmem:v5+s20+$0x0], $0xffff  }
0x2c8: {  	v1 =	vld.idx.msk [tilespmem:v1+s20+$0x0], $0xffff;
	v8 =	vor.u32 v8, v10;
	[tilespmem:s9+$0x460] =	vst v19  }
0x2c9: {  	v0 =	vld.idx.msk [tilespmem:v0+s20+$0x0], $0xffff;
	[tilespmem:s17+$0x460] =	vst v2  }
0x2ca: {  	v2 =	vld.idx.msk [tilespmem:v3+s20+$0x0], $0xffff;
	[tilespmem:s5+$0x460] =	vst v6  }
0x2cb: {  	v3 =	vld.idx.msk [tilespmem:v4+s20+$0x0], $0xffff;
	[tilespmem:s0+$0x460] =	vst v9  }
0x2cc: {  	[tilespmem:s16+$0x460] =	vst v5;
	v4 =	vld.idx.msk [tilespmem:v7+s20+$0x0], $0xffff  }
0x2cd: {  	[tilespmem:s8+$0x470] =	vst v1;
	v1 =	vld.idx.msk [tilespmem:v8+s20+$0x0], $0xffff  }
0x2ce: {  	[tilespmem:s9+$0x470] =	vst v0  }
0x2cf: {  	[tilespmem:s17+$0x470] =	vst v2  }
0x2d0: {  	[tilespmem:s5+$0x470] =	vst v3  }
0x2d1: {  	[tilespmem:s0+$0x470] =	vst v4  }
0x2d2: {  	s22 =	sadd.s32 s7, s13;
	[tilespmem:s16+$0x470] =	vst v1  }
0x2d3: {  	[hbm4b:s22+s3] =	stream.linear.scatter [tilespmem:s24], [sflag:$0x5], $0x4000, $0x38;
	[tilespmem:$0x18200] =	vst v63  }
0x2d4: {  	s2 =	simm.s32 @!p0 $0x0;
	s5 =	simm.s32 @!p0 $0x8200;
	s0 =	sadd.s32 @!p0 s6, s14  }
0x2d5: {  	[tilespmem:s5], [sflag:$0x3] =	stream.linear.gather @!p0 [hbm4b:s0+s2], $0x4000, $0x38;
	[tilespmem:$0x18200] =	vst v63  }
0x2d6: {  	_ =	swait.ge [sflag:s31], $0x4000  }
0x2d7: {  	[sflag:s31] =	ssyncset.done $0x0  }
0x2d8: {  	[sflag:s31] =	ssyncadd.s32 $0xFFFFC000  }
0x2d9: {  	_ =	swait.ge [sflag:s26], $0x4000  }
0x2da: {  	[sflag:s26] =	ssyncset.done $0x0  }
0x2db: {  	[sflag:s26] =	ssyncadd.s32 $0xFFFFC000  }
0x2dc: {  	v0 =	vld [tilespmem:$0x100];
	_ =	sdelay $0x2  }
0x2dd: {  	s2 =	simm.s32 $0x1;
	v4 =	vld [tilespmem:$0x110]  }
0x2de: {  	v1 =	vmov s2;
	v5 =	vld [tilespmem:$0x120]  }
0x2df: {  	v3 =	vshll.u32 v1, $0x8;
	v6 =	vld [tilespmem:$0x130];
	v2 =	vshll.u32 v0, $0x3  }
0x2e0: {  	s5 =	simm.s32 $0x0;
	v1 =	vshll.u32 v1, $0x7;
	v7 =	vld [tilespmem:$0x140];
	v26 =	vand.u32 $0xFFFFFC00, v2;
	v2 =	vand.u32 $0x3800, v3  }
0x2e1: {  	v1 =	vand.u32 $0x380, v1;
	v14 =	vld [tilespmem:$0x150];
	v3 =	vmov s5;
	v8 =	vadd.s32 v26, v2  }
0x2e2: {  	v15 =	vld [tilespmem:$0x160];
	v28 =	vand.u32 $0x7F, v0;
	v0 =	vshll.u32 v3, $0x8;
	v8 =	vor.u32 v1, v8  }
0x2e3: {  	v16 =	vld [tilespmem:$0x170];
	v9 =	vshll.u32 v3, $0x7;
	v3 =	vand.u32 $0x3800, v0;
	v8 =	vor.u32 v28, v8  }
0x2e4: {  	v17 =	vld [tilespmem:$0x180];
	v0 =	vand.u32 $0x300, v9;
	v9 =	vadd.s32 v26, v3  }
0x2e5: {  	v18 =	vld [tilespmem:$0x190];
	v10 =	vshll.u32 v4, $0x3;
	v9 =	vor.u32 v0, v9  }
0x2e6: {  	v13 =	vld [tilespmem:$0x1A0];
	v32 =	vand.u32 $0xFFFFFC00, v10;
	v10 =	vor.u32 v28, v9  }
0x2e7: {  	v12 =	vld [tilespmem:$0x1B0];
	v9 =	vadd.s32 v32, v2  }
0x2e8: {  	v30 =	vand.u32 $0x7F, v4;
	v4 =	vld.idx.msk [tilespmem:v8+s21+$0x0], $0xffff;
	v8 =	vor.u32 v1, v9  }
0x2e9: {  	v11 =	vld [tilespmem:$0x1C0];
	v19 =	vor.u32 v30, v8  }
0x2ea: {  	s8 =	simm.s32 $0x80;
	s0 =	sand.u32 $0x3800, s5;
	v20 =	vadd.s32 v32, v3;
	v9 =	vld [tilespmem:$0x1D0]  }
0x2eb: {  	s2 =	sand.u32 $0x380, s8;
	s0 =	sor.u32 $0x14200, s0;
	v21 =	vshll.u32 v5, $0x3;
	v20 =	vor.u32 v0, v20;
	v22 =	vld.idx.msk [tilespmem:v10+s21+$0x0], $0xffff  }
0x2ec: {  	s8 =	sadd.s32 s2, s0;
	v33 =	vand.u32 $0xFFFFFC00, v21;
	v20 =	vor.u32 v30, v20;
	v8 =	vld [tilespmem:$0x1E0]  }
0x2ed: {  	s9 =	simm.s32 $0x0;
	v10 =	vld [tilespmem:$0x1F0];
	[tilespmem:s8+$0x0] =	vst v4;
	v4 =	vadd.s32 v33, v2  }
0x2ee: {  	s2 =	sand.u32 $0x300, s9;
	v34 =	vand.u32 $0x7F, v5;
	v5 =	vld.idx.msk [tilespmem:v19+s21+$0x0], $0xffff;
	v4 =	vor.u32 v1, v4  }
0x2ef: {  	s9 =	sadd.s32 s2, s0;
	v4 =	vor.u32 v34, v4  }
0x2f0: {  	v19 =	vadd.s32 v33, v3;
	[tilespmem:s9+$0x0] =	vst v22  }
0x2f1: {  	v21 =	vshll.u32 v6, $0x3;
	v19 =	vor.u32 v0, v19;
	v20 =	vld.idx.msk [tilespmem:v20+s21+$0x0], $0xffff  }
0x2f2: {  	v37 =	vand.u32 $0xFFFFFC00, v21;
	v19 =	vor.u32 v34, v19  }
0x2f3: {  	[tilespmem:s8+$0x10] =	vst v5;
	v5 =	vadd.s32 v37, v2  }
0x2f4: {  	v36 =	vand.u32 $0x7F, v6;
	v4 =	vld.idx.msk [tilespmem:v4+s21+$0x0], $0xffff;
	v5 =	vor.u32 v1, v5  }
0x2f5: {  	v5 =	vor.u32 v36, v5  }
0x2f6: {  	v6 =	vadd.s32 v37, v3;
	[tilespmem:s9+$0x10] =	vst v20  }
0x2f7: {  	v6 =	vor.u32 v0, v6;
	v20 =	vshll.u32 v7, $0x3;
	v19 =	vld.idx.msk [tilespmem:v19+s21+$0x0], $0xffff  }
0x2f8: {  	v6 =	vor.u32 v36, v6;
	v39 =	vand.u32 $0xFFFFFC00, v20  }
0x2f9: {  	[tilespmem:s8+$0x20] =	vst v4;
	v4 =	vadd.s32 v39, v2  }
0x2fa: {  	v38 =	vand.u32 $0x7F, v7;
	v5 =	vld.idx.msk [tilespmem:v5+s21+$0x0], $0xffff;
	v4 =	vor.u32 v1, v4  }
0x2fb: {  	v4 =	vor.u32 v38, v4  }
0x2fc: {  	v35 =	vand.u32 $0x7F, v14;
	v7 =	vshll.u32 v14, $0x3;
	[tilespmem:s9+$0x20] =	vst v19;
	v19 =	vadd.s32 v39, v3  }
0x2fd: {  	v27 =	vand.u32 $0x7F, v15;
	v40 =	vand.u32 $0xFFFFFC00, v7;
	v6 =	vld.idx.msk [tilespmem:v6+s21+$0x0], $0xffff;
	v7 =	vor.u32 v0, v19  }
0x2fe: {  	v23 =	vand.u32 $0x7F, v17;
	v14 =	vshll.u32 v15, $0x3;
	v7 =	vor.u32 v38, v7  }
0x2ff: {  	s10 =	simm.s32 $0x2;
	v31 =	vand.u32 $0xFFFFFC00, v14;
	v14 =	vshll.u32 v16, $0x3;
	[tilespmem:s8+$0x30] =	vst v5;
	v5 =	vadd.s32 v40, v2  }
0x300: {  	s11 =	simm.s32 $0x3;
	v15 =	vmov s10;
	v24 =	vand.u32 $0xFFFFFC00, v14;
	v14 =	vld.idx.msk [tilespmem:v4+s21+$0x0], $0xffff;
	v4 =	vor.u32 v1, v5  }
0x301: {  	v20 =	vand.u32 $0x7F, v16;
	v16 =	vor.u32 v35, v4;
	v4 =	vmov s11  }
0x302: {  	v19 =	vshll.u32 v15, $0x7;
	v5 =	vadd.s32 v40, v3;
	[tilespmem:s9+$0x30] =	vst v6;
	v6 =	vshll.u32 v4, $0x8  }
0x303: {  	v21 =	vld.idx.msk [tilespmem:v7+s21+$0x0], $0xffff;
	v7 =	vor.u32 v0, v5;
	v4 =	vshll.u32 v4, $0x7;
	v5 =	vand.u32 $0x3800, v6  }
0x304: {  	v22 =	vor.u32 v35, v7;
	v4 =	vand.u32 $0x380, v4;
	v6 =	vadd.s32 v26, v5  }
0x305: {  	v7 =	vshll.u32 v15, $0x8;
	[tilespmem:s8+$0x40] =	vst v14;
	v6 =	vor.u32 v4, v6;
	v14 =	vadd.s32 v31, v2  }
0x306: {  	v7 =	vand.u32 $0x3800, v7;
	v15 =	vld.idx.msk [tilespmem:v16+s21+$0x0], $0xffff;
	v16 =	vor.u32 v28, v6;
	v14 =	vor.u32 v1, v14  }
0x307: {  	v6 =	vand.u32 $0x300, v19;
	v19 =	vadd.s32 v26, v7;
	v14 =	vor.u32 v27, v14  }
0x308: {  	v17 =	vshll.u32 v17, $0x3;
	v25 =	vadd.s32 v31, v3;
	[tilespmem:s9+$0x40] =	vst v21;
	v19 =	vor.u32 v6, v19  }
0x309: {  	v29 =	vand.u32 $0xFFFFFC00, v17;
	v21 =	vld.idx.msk [tilespmem:v22+s21+$0x0], $0xffff;
	v22 =	vor.u32 v28, v19;
	v19 =	vor.u32 v0, v25  }
0x30a: {  	v50 =	vadd.s32 v29, v3;
	v25 =	vadd.s32 v32, v5;
	v17 =	vor.u32 v27, v19  }
0x30b: {  	v19 =	vand.u32 $0x7F, v18;
	v18 =	vshll.u32 v18, $0x3;
	v59 =	vld.idx.msk [tilespmem:v16+s21+$0x0], $0xffff;
	[tilespmem:s8+$0x50] =	vst v15;
	v16 =	vadd.s32 v24, v2  }
0x30c: {  	v15 =	vor.u32 v4, v25;
	v25 =	vand.u32 $0xFFFFFC00, v18;
	v60 =	vld.idx.msk [tilespmem:v14+s21+$0x0], $0xffff;
	v14 =	vor.u32 v1, v16  }
0x30d: {  	s0 =	simm.s32 $0x200;
	v15 =	vor.u32 v30, v15;
	v18 =	vor.u32 v20, v14;
	v14 =	vadd.s32 v32, v7  }
0x30e: {  	s22 =	simm.s32 $0x180;
	s16 =	sand.u32 $0x3800, s0;
	v16 =	vand.u32 $0x7F, v13;
	v61 =	vld.idx.msk [tilespmem:v22+s21+$0x0], $0xffff;
	[tilespmem:s9+$0x50] =	vst v21;
	v21 =	vadd.s32 v24, v3;
	v14 =	vor.u32 v6, v14  }
0x30f: {  	s17 =	sand.u32 $0x380, s22;
	s2 =	sor.u32 $0x14200, s16;
	v13 =	vshll.u32 v13, $0x3;
	v17 =	vld.idx.msk [tilespmem:v17+s21+$0x0], $0xffff;
	v62 =	vor.u32 v30, v14;
	v14 =	vor.u32 v0, v21  }
0x310: {  	s17 =	sadd.s32 s17, s2;
	s10 =	simm.s32 $0x100;
	v22 =	vand.u32 $0xFFFFFC00, v13;
	v13 =	vadd.s32 v33, v5;
	v63 =	vor.u32 v20, v14  }
0x311: {  	v45 =	vor.u32 v0, v50;
	s5 =	sand.u32 $0x300, s10;
	v13 =	vor.u32 v4, v13;
	v21 =	vadd.s32 v29, v2;
	[tilespmem:s17+$0x0] =	vst v59  }
0x312: {  	s5 =	sadd.s32 s5, s2;
	v48 =	vor.u32 v34, v13;
	v14 =	vand.u32 $0x7F, v12;
	v12 =	vshll.u32 v12, $0x3;
	v15 =	vld.idx.msk [tilespmem:v15+s21+$0x0], $0xffff;
	[tilespmem:s8+$0x60] =	vst v60  }
0x313: {  	v13 =	vor.u32 v1, v21;
	v21 =	vand.u32 $0xFFFFFC00, v12;
	v12 =	vadd.s32 v33, v7;
	v18 =	vld.idx.msk [tilespmem:v18+s21+$0x0], $0xffff;
	[tilespmem:s5+$0x0] =	vst v61  }
0x314: {  	v49 =	vor.u32 v23, v13;
	v12 =	vor.u32 v6, v12;
	[tilespmem:s9+$0x60] =	vst v17;
	v44 =	vld.idx.msk [tilespmem:v62+s21+$0x0], $0xffff  }
0x315: {  	v45 =	vor.u32 v23, v45;
	v57 =	vadd.s32 v39, v5;
	v12 =	vor.u32 v34, v12;
	v41 =	vld.idx.msk [tilespmem:v63+s21+$0x0], $0xffff  }
0x316: {  	v52 =	vadd.s32 v37, v7;
	v54 =	vadd.s32 v25, v3;
	v59 =	vadd.s32 v39, v7  }
0x317: {  	v58 =	vadd.s32 v22, v2;
	v47 =	vor.u32 v6, v59;
	[tilespmem:s17+$0x10] =	vst v15;
	v15 =	vadd.s32 v37, v5  }
0x318: {  	v13 =	vand.u32 $0x7F, v11;
	v42 =	vld.idx.msk [tilespmem:v48+s21+$0x0], $0xffff;
	[tilespmem:s8+$0x70] =	vst v18;
	v15 =	vor.u32 v4, v15;
	v18 =	vadd.s32 v25, v2  }
0x319: {  	s11 =	simm.s32 $0x4;
	v11 =	vshll.u32 v11, $0x3;
	v43 =	vld.idx.msk [tilespmem:v49+s21+$0x0], $0xffff;
	v51 =	vor.u32 v36, v15;
	v18 =	vor.u32 v1, v18;
	[tilespmem:s5+$0x10] =	vst v44  }
0x31a: {  	v60 =	vmov s11;
	v18 =	vor.u32 v19, v18;
	v53 =	vld.idx.msk [tilespmem:v12+s21+$0x0], $0xffff;
	[tilespmem:s9+$0x70] =	vst v41;
	v12 =	vor.u32 v6, v52  }
0x31b: {  	v59 =	vadd.s32 v40, v5;
	v41 =	vor.u32 v0, v54;
	v55 =	vld.idx.msk [tilespmem:v45+s21+$0x0], $0xffff;
	v56 =	vor.u32 v36, v12  }
0x31c: {  	v61 =	vadd.s32 v22, v3;
	v17 =	vand.u32 $0xFFFFFC00, v11;
	v41 =	vor.u32 v19, v41  }
0x31d: {  	v11 =	vand.u32 $0x7F, v9;
	v9 =	vshll.u32 v9, $0x3;
	v62 =	vshll.u32 v60, $0x7;
	[tilespmem:s17+$0x20] =	vst v42  }
0x31e: {  	v63 =	vor.u32 v38, v47;
	v15 =	vand.u32 $0xFFFFFC00, v9;
	v42 =	vor.u32 v4, v57;
	v46 =	vld.idx.msk [tilespmem:v51+s21+$0x0], $0xffff;
	[tilespmem:s8+$0x400] =	vst v43  }
0x31f: {  	v9 =	vand.u32 $0x7F, v8;
	v42 =	vor.u32 v38, v42;
	v43 =	vor.u32 v1, v58;
	v18 =	vld.idx.msk [tilespmem:v18+s21+$0x0], $0xffff;
	[tilespmem:s5+$0x20] =	vst v53  }
0x320: {  	v8 =	vshll.u32 v8, $0x3;
	v44 =	vadd.s32 v15, v3;
	v43 =	vor.u32 v16, v43;
	v45 =	vld.idx.msk [tilespmem:v56+s21+$0x0], $0xffff;
	[tilespmem:s9+$0x400] =	vst v55  }
0x321: {  	v54 =	vshll.u32 v60, $0x8;
	v60 =	vadd.s32 v21, v3;
	v58 =	vor.u32 v0, v61;
	v49 =	vld.idx.msk [tilespmem:v41+s21+$0x0], $0xffff  }
0x322: {  	v12 =	vand.u32 $0xFFFFFC00, v8;
	v8 =	vand.u32 $0x7F, v10;
	v53 =	vor.u32 v16, v58  }
0x323: {  	v10 =	vshll.u32 v10, $0x3;
	v61 =	vadd.s32 v21, v2;
	v41 =	vadd.s32 v12, v3;
	[tilespmem:s17+$0x30] =	vst v46  }
0x324: {  	v10 =	vand.u32 $0xFFFFFC00, v10;
	v46 =	vadd.s32 v31, v7;
	[tilespmem:s8+$0x410] =	vst v18;
	v47 =	vld.idx.msk [tilespmem:v42+s21+$0x0], $0xffff;
	v42 =	vor.u32 v4, v59  }
0x325: {  	s16 =	simm.s32 $0x5;
	v18 =	vand.u32 $0x300, v62;
	v62 =	vor.u32 v1, v61;
	v48 =	vld.idx.msk [tilespmem:v43+s21+$0x0], $0xffff;
	v51 =	vor.u32 v35, v42;
	[tilespmem:s5+$0x30] =	vst v45  }
0x326: {  	v43 =	vmov s16;
	v52 =	vor.u32 v14, v62;
	v50 =	vld.idx.msk [tilespmem:v63+s21+$0x0], $0xffff;
	v63 =	vadd.s32 v40, v7;
	[tilespmem:s9+$0x410] =	vst v49  }
0x327: {  	s2 =	simm.s32 $0x6;
	v42 =	vshll.u32 v43, $0x8;
	v55 =	vor.u32 v6, v63;
	v49 =	vld.idx.msk [tilespmem:v53+s21+$0x0], $0xffff;
	v53 =	vor.u32 v0, v60  }
.LBB2_13:
0x328: {  	p1 =	slt.u32 s2, $0x3E;
	v45 =	vand.u32 $0x3800, v42;
	v42 =	vshll.u32 v43, $0x7;
	v55 =	vor.u32 v35, v55  }
0x329: {  	v56 =	vadd.s32 v26, v45;
	v43 =	vand.u32 $0x380, v42;
	[tilespmem:s17+$0x40] =	vst v47;
	v47 =	vor.u32 v14, v53  }
0x32a: {  	v42 =	vand.u32 $0x3800, v54;
	v54 =	vadd.s32 v31, v5;
	v53 =	vor.u32 v43, v56;
	v51 =	vld.idx.msk [tilespmem:v51+s21+$0x0], $0xffff;
	[tilespmem:s8+$0x420] =	vst v48  }
0x32b: {  	v48 =	vor.u32 v28, v53;
	v53 =	vor.u32 v4, v54;
	v52 =	vld.idx.msk [tilespmem:v52+s21+$0x0], $0xffff;
	v54 =	vadd.s32 v17, v2  }
0x32c: {  	v56 =	vadd.s32 v26, v42;
	[tilespmem:s5+$0x40] =	vst v50;
	v50 =	vor.u32 v27, v53;
	v53 =	vor.u32 v1, v54  }
0x32d: {  	v54 =	vor.u32 v18, v56;
	v55 =	vld.idx.msk [tilespmem:v55+s21+$0x0], $0xffff;
	[tilespmem:s9+$0x420] =	vst v49;
	v49 =	vor.u32 v13, v53  }
0x32e: {  	v46 =	vor.u32 v6, v46;
	v53 =	vor.u32 v28, v54;
	v54 =	vadd.s32 v17, v3;
	v47 =	vld.idx.msk [tilespmem:v47+s21+$0x0], $0xffff  }
0x32f: {  	v46 =	vor.u32 v27, v46;
	v56 =	vadd.s32 v29, v7;
	v54 =	vor.u32 v0, v54  }
0x330: {  	v57 =	vadd.s32 v32, v45;
	v48 =	vld.idx.msk [tilespmem:v48+s21+$0x0], $0xffff;
	[tilespmem:s17+$0x50] =	vst v51;
	v51 =	vor.u32 v13, v54  }
0x331: {  	v54 =	vor.u32 v43, v57;
	v57 =	vadd.s32 v24, v5;
	v50 =	vld.idx.msk [tilespmem:v50+s21+$0x0], $0xffff;
	[tilespmem:s8+$0x430] =	vst v52  }
0x332: {  	s0 =	sadd.s32 $0x200, s0;
	v52 =	vor.u32 v30, v54;
	v54 =	vor.u32 v4, v57;
	v57 =	vadd.s32 v15, v2;
	v49 =	vld.idx.msk [tilespmem:v49+s21+$0x0], $0xffff  }
0x333: {  	s22 =	sadd.s32 $0x100, s22;
	s10 =	sand.u32 $0x3800, s0;
	v54 =	vor.u32 v20, v54;
	v53 =	vld.idx.msk [tilespmem:v53+s21+$0x0], $0xffff;
	[tilespmem:s5+$0x50] =	vst v55;
	v55 =	vor.u32 v1, v57  }
0x334: {  	s11 =	sadd.s32 $0xFFFFFF80, s22;
	s16 =	sand.u32 $0x380, s22;
	s10 =	sor.u32 $0x14200, s10;
	v57 =	vadd.s32 v32, v42;
	v46 =	vld.idx.msk [tilespmem:v46+s21+$0x0], $0xffff;
	[tilespmem:s9+$0x430] =	vst v47;
	v47 =	vor.u32 v11, v55  }
0x335: {  	v44 =	vor.u32 v0, v44;
	s11 =	sand.u32 $0x300, s11;
	s16 =	sadd.s32 s16, s10;
	v55 =	vor.u32 v18, v57;
	v57 =	vadd.s32 v24, v7;
	v51 =	vld.idx.msk [tilespmem:v51+s21+$0x0], $0xffff  }
0x336: {  	v44 =	vor.u32 v11, v44;
	s10 =	sadd.s32 s11, s10;
	v55 =	vor.u32 v30, v55;
	[tilespmem:s16+$0x0] =	vst v48;
	v48 =	vor.u32 v6, v57  }
0x337: {  	v57 =	vadd.s32 v33, v45;
	v52 =	vld.idx.msk [tilespmem:v52+s21+$0x0], $0xffff;
	v48 =	vor.u32 v20, v48;
	[tilespmem:s17+$0x60] =	vst v50  }
0x338: {  	v50 =	vor.u32 v43, v57;
	v57 =	vadd.s32 v29, v5;
	v54 =	vld.idx.msk [tilespmem:v54+s21+$0x0], $0xffff;
	[tilespmem:s8+$0x440] =	vst v49  }
0x339: {  	v49 =	vor.u32 v34, v50;
	v50 =	vor.u32 v4, v57;
	v57 =	vadd.s32 v12, v2;
	v47 =	vld.idx.msk [tilespmem:v47+s21+$0x0], $0xffff  }
0x33a: {  	v50 =	vor.u32 v23, v50;
	v57 =	vor.u32 v1, v57;
	[tilespmem:s10+$0x0] =	vst v53;
	v53 =	vadd.s32 v33, v42  }
0x33b: {  	v41 =	vor.u32 v0, v41;
	v55 =	vld.idx.msk [tilespmem:v55+s21+$0x0], $0xffff;
	[tilespmem:s5+$0x60] =	vst v46;
	v46 =	vor.u32 v9, v57  }
0x33c: {  	v56 =	vor.u32 v6, v56;
	v53 =	vor.u32 v18, v53;
	v48 =	vld.idx.msk [tilespmem:v48+s21+$0x0], $0xffff;
	[tilespmem:s9+$0x440] =	vst v51  }
0x33d: {  	v41 =	vor.u32 v9, v41;
	v51 =	vor.u32 v34, v53;
	[tilespmem:s16+$0x10] =	vst v52;
	v44 =	vld.idx.msk [tilespmem:v44+s21+$0x0], $0xffff  }
0x33e: {  	v53 =	vor.u32 v23, v56;
	v52 =	vadd.s32 v37, v45;
	v49 =	vld.idx.msk [tilespmem:v49+s21+$0x0], $0xffff;
	[tilespmem:s17+$0x70] =	vst v54  }
0x33f: {  	v52 =	vor.u32 v43, v52;
	v54 =	vadd.s32 v25, v5;
	v50 =	vld.idx.msk [tilespmem:v50+s21+$0x0], $0xffff;
	[tilespmem:s8+$0x450] =	vst v47  }
0x340: {  	v56 =	vadd.s32 v10, v2;
	v47 =	vor.u32 v36, v52;
	v52 =	vor.u32 v4, v54;
	v46 =	vld.idx.msk [tilespmem:v46+s21+$0x0], $0xffff  }
0x341: {  	v3 =	vadd.s32 v10, v3;
	v1 =	vor.u32 v1, v56;
	v52 =	vor.u32 v19, v52;
	[tilespmem:s10+$0x10] =	vst v55  }
0x342: {  	v2 =	vmov v5;
	v54 =	vadd.s32 v37, v42;
	v51 =	vld.idx.msk [tilespmem:v51+s21+$0x0], $0xffff;
	[tilespmem:s5+$0x70] =	vst v48;
	v48 =	vor.u32 v8, v1  }
0x343: {  	v5 =	vmov v45;
	v55 =	vor.u32 v18, v54;
	v54 =	vadd.s32 v25, v7;
	v53 =	vld.idx.msk [tilespmem:v53+s21+$0x0], $0xffff;
	[tilespmem:s9+$0x450] =	vst v44  }
0x344: {  	v45 =	vor.u32 v6, v54;
	v1 =	vmov v4;
	v44 =	vor.u32 v36, v55;
	[tilespmem:s16+$0x20] =	vst v49;
	v41 =	vld.idx.msk [tilespmem:v41+s21+$0x0], $0xffff  }
0x345: {  	v54 =	vor.u32 v0, v3;
	v4 =	vmov v43;
	v45 =	vor.u32 v19, v45;
	v47 =	vld.idx.msk [tilespmem:v47+s21+$0x0], $0xffff;
	[tilespmem:s17+$0x400] =	vst v50  }
0x346: {  	v43 =	vadd.s32 v39, v5;
	v3 =	vmov v7;
	v50 =	vor.u32 v8, v54;
	v49 =	vld.idx.msk [tilespmem:v52+s21+$0x0], $0xffff;
	[tilespmem:s8+$0x460] =	vst v46  }
0x347: {  	v7 =	vmovc v42;
	v0 =	vmov v6;
	v43 =	vor.u32 v4, v43;
	v46 =	vadd.s32 v22, v2;
	v48 =	vld.idx.msk [tilespmem:v48+s21+$0x0], $0xffff  }
0x348: {  	v6 =	vmov v18;
	v42 =	vor.u32 v38, v43;
	v43 =	vor.u32 v1, v46;
	[tilespmem:s10+$0x20] =	vst v51  }
0x349: {  	v18 =	vadd.s32 v39, v7;
	v43 =	vor.u32 v16, v43;
	v46 =	vld.idx.msk [tilespmem:v44+s21+$0x0], $0xffff;
	[tilespmem:s5+$0x400] =	vst v53  }
0x34a: {  	v18 =	vor.u32 v6, v18;
	v51 =	vadd.s32 v22, v3;
	v44 =	vmov s2;
	v45 =	vld.idx.msk [tilespmem:v45+s21+$0x0], $0xffff;
	[tilespmem:s9+$0x460] =	vst v41  }
0x34b: {  	v53 =	vor.u32 v38, v18;
	v18 =	vor.u32 v0, v51;
	v52 =	vshll.u32 v44, $0x7;
	[tilespmem:s16+$0x30] =	vst v47;
	v56 =	vld.idx.msk [tilespmem:v50+s21+$0x0], $0xffff  }
0x34c: {  	v54 =	vshll.u32 v44, $0x8;
	v57 =	vor.u32 v16, v18;
	v41 =	vadd.s32 v12, v3;
	[tilespmem:s17+$0x410] =	vst v49  }
.Ltmp8:
0x34d: {  	v44 =	vadd.s32 v15, v3;
	v18 =	vand.u32 $0x300, v52;
	v47 =	vld.idx.msk [tilespmem:v42+s21+$0x0], $0xffff;
	v42 =	vadd.s32 v40, v5;
	[tilespmem:s8+$0x470] =	vst v48;
	s8 =	smov.u32 s17;
	s17 =	smov.u32 s16;
	(pc) =	sbr.rel @p1 .LBB2_13-.Ltmp8, $4  }
0x34e: {  	v58 =	vadd.s32 v21, v3;
	v42 =	vor.u32 v4, v42;
	v48 =	vld.idx.msk [tilespmem:v43+s21+$0x0], $0xffff;
	v43 =	vadd.s32 v21, v2  }
0x34f: {  	s11 =	sadd.s32 $0x1, s2;
	[tilespmem:s10+$0x30] =	vst v46;
	v46 =	vadd.s32 v31, v7;
	v51 =	vor.u32 v35, v42;
	v42 =	vor.u32 v1, v43  }
0x350: {  	v49 =	vadd.s32 v40, v7;
	v43 =	vmov s11;
	v50 =	vld.idx.msk [tilespmem:v53+s21+$0x0], $0xffff;
	[tilespmem:s5+$0x410] =	vst v45;
	v52 =	vor.u32 v14, v42  }
0x351: {  	s2 =	sadd.s32 $0x2, s2;
	v55 =	vor.u32 v6, v49;
	v42 =	vshll.u32 v43, $0x8;
	v53 =	vor.u32 v0, v58;
	v49 =	vld.idx.msk [tilespmem:v57+s21+$0x0], $0xffff;
	[tilespmem:s9+$0x470] =	vst v56;
	s9 =	smov.u32 s5;
	s5 =	smov.u32 s10  }
0x352: {  	v42 =	vand.u32 $0x3800, v42;
	v43 =	vshll.u32 v43, $0x7  }
0x353: {  	v45 =	vand.u32 $0x3800, v54;
	v56 =	vadd.s32 v26, v42;
	v43 =	vand.u32 $0x380, v43  }
0x354: {  	v61 =	vadd.s32 v26, v45;
	v60 =	vor.u32 v43, v56  }
0x355: {  	v26 =	vor.u32 v18, v61;
	v54 =	vor.u32 v28, v60  }
0x356: {  	v26 =	vor.u32 v28, v26;
	_ =	sdelay $0x2  }
0x357: {  	v62 =	vadd.s32 v32, v42  }
0x358: {  	v63 =	vadd.s32 v32, v45;
	v28 =	vor.u32 v43, v62;
	v54 =	vld.idx.msk [tilespmem:v54+s21+$0x0], $0xffff  }
0x359: {  	s0 =	sadd.s32 $0x200, s0;
	v32 =	vor.u32 v18, v63;
	v28 =	vor.u32 v30, v28;
	v26 =	vld.idx.msk [tilespmem:v26+s21+$0x0], $0xffff  }
0x35a: {  	s2 =	sadd.s32 $0x100, s22;
	s0 =	sand.u32 $0x3800, s0;
	v56 =	vor.u32 v30, v32  }
0x35b: {  	s10 =	sadd.s32 $0xFFFFFF80, s2;
	s2 =	sand.u32 $0x380, s2;
	s11 =	sor.u32 $0x14200, s0  }
0x35c: {  	s10 =	sand.u32 $0x300, s10;
	s0 =	sadd.s32 s2, s11  }
0x35d: {  	v57 =	vadd.s32 v33, v42;
	s16 =	sadd.s32 s10, s11;
	[tilespmem:s0+$0x0] =	vst v54  }
0x35e: {  	v58 =	vadd.s32 v33, v45;
	v32 =	vor.u32 v43, v57;
	[tilespmem:s16+$0x0] =	vst v26;
	v28 =	vld.idx.msk [tilespmem:v28+s21+$0x0], $0xffff  }
0x35f: {  	v32 =	vor.u32 v34, v32;
	v26 =	vor.u32 v18, v58;
	v30 =	vld.idx.msk [tilespmem:v56+s21+$0x0], $0xffff  }
0x360: {  	v26 =	vor.u32 v34, v26;
	_ =	sdelay $0x2  }
0x361: {  	v59 =	vadd.s32 v37, v42;
	[tilespmem:s0+$0x10] =	vst v28  }
0x362: {  	v60 =	vadd.s32 v37, v45;
	v28 =	vor.u32 v43, v59;
	[tilespmem:s16+$0x10] =	vst v30;
	v32 =	vld.idx.msk [tilespmem:v32+s21+$0x0], $0xffff  }
0x363: {  	v30 =	vor.u32 v18, v60;
	v28 =	vor.u32 v36, v28;
	v26 =	vld.idx.msk [tilespmem:v26+s21+$0x0], $0xffff  }
0x364: {  	v30 =	vor.u32 v36, v30;
	_ =	sdelay $0x2  }
0x365: {  	v61 =	vadd.s32 v39, v42;
	[tilespmem:s0+$0x20] =	vst v32  }
0x366: {  	v62 =	vadd.s32 v39, v45;
	v32 =	vor.u32 v43, v61;
	[tilespmem:s16+$0x20] =	vst v26;
	v28 =	vld.idx.msk [tilespmem:v28+s21+$0x0], $0xffff  }
0x367: {  	v26 =	vor.u32 v18, v62;
	v32 =	vor.u32 v38, v32;
	v30 =	vld.idx.msk [tilespmem:v30+s21+$0x0], $0xffff  }
0x368: {  	v26 =	vor.u32 v38, v26;
	_ =	sdelay $0x2  }
0x369: {  	v63 =	vor.u32 v35, v55;
	v38 =	vadd.s32 v40, v42;
	[tilespmem:s0+$0x30] =	vst v28  }
0x36a: {  	v39 =	vadd.s32 v40, v45;
	v28 =	vor.u32 v43, v38;
	[tilespmem:s16+$0x30] =	vst v30;
	v32 =	vld.idx.msk [tilespmem:v32+s21+$0x0], $0xffff  }
0x36b: {  	[tilespmem:s17+$0x40] =	vst v47;
	v30 =	vor.u32 v18, v39;
	v28 =	vor.u32 v35, v28;
	v26 =	vld.idx.msk [tilespmem:v26+s21+$0x0], $0xffff  }
0x36c: {  	v47 =	vor.u32 v14, v53;
	v51 =	vld.idx.msk [tilespmem:v51+s21+$0x0], $0xffff;
	[tilespmem:s8+$0x420] =	vst v48;
	v30 =	vor.u32 v35, v30  }
0x36d: {  	v48 =	vadd.s32 v29, v7;
	v53 =	vld.idx.msk [tilespmem:v52+s21+$0x0], $0xffff;
	[tilespmem:s5+$0x40] =	vst v50;
	v40 =	vadd.s32 v31, v5  }
0x36e: {  	v55 =	vadd.s32 v31, v42;
	v57 =	vadd.s32 v17, v2;
	v33 =	vld.idx.msk [tilespmem:v63+s21+$0x0], $0xffff;
	v34 =	vor.u32 v4, v40  }
0x36f: {  	v54 =	vor.u32 v6, v46;
	v56 =	vadd.s32 v31, v45;
	v34 =	vor.u32 v27, v34;
	[tilespmem:s0+$0x40] =	vst v32  }
0x370: {  	v38 =	vor.u32 v27, v54;
	v32 =	vor.u32 v43, v55;
	[tilespmem:s16+$0x40] =	vst v26;
	v28 =	vld.idx.msk [tilespmem:v28+s21+$0x0], $0xffff  }
0x371: {  	[tilespmem:s9+$0x420] =	vst v49;
	v31 =	vor.u32 v18, v56;
	v32 =	vor.u32 v27, v32;
	v30 =	vld.idx.msk [tilespmem:v30+s21+$0x0], $0xffff  }
0x372: {  	v50 =	vadd.s32 v29, v42;
	[tilespmem:s17+$0x50] =	vst v51;
	v58 =	vadd.s32 v24, v5;
	v59 =	vor.u32 v27, v31  }
0x373: {  	v51 =	vadd.s32 v29, v45;
	[tilespmem:s8+$0x430] =	vst v53;
	v60 =	vor.u32 v4, v58;
	v61 =	vadd.s32 v24, v7  }
0x374: {  	[tilespmem:s5+$0x50] =	vst v33;
	v62 =	vor.u32 v6, v61;
	v31 =	vor.u32 v20, v60;
	v34 =	vld.idx.msk [tilespmem:v34+s21+$0x0], $0xffff  }
0x375: {  	v33 =	vor.u32 v20, v62;
	v63 =	vld.idx.msk [tilespmem:v38+s21+$0x0], $0xffff;
	v38 =	vadd.s32 v24, v42;
	[tilespmem:s0+$0x50] =	vst v28  }
0x376: {  	v39 =	vadd.s32 v24, v45;
	v28 =	vor.u32 v43, v38;
	[tilespmem:s16+$0x50] =	vst v30;
	v32 =	vld.idx.msk [tilespmem:v32+s21+$0x0], $0xffff  }
0x377: {  	v53 =	vadd.s32 v15, v2;
	v24 =	vor.u32 v18, v39;
	v28 =	vor.u32 v20, v28;
	v27 =	vld.idx.msk [tilespmem:v59+s21+$0x0], $0xffff  }
0x378: {  	v46 =	vadd.s32 v29, v5;
	v29 =	vor.u32 v18, v51;
	v35 =	vld.idx.msk [tilespmem:v47+s21+$0x0], $0xffff;
	v47 =	vor.u32 v20, v24  }
0x379: {  	v51 =	vadd.s32 v12, v2;
	v49 =	vor.u32 v4, v46;
	v46 =	vadd.s32 v22, v42;
	[tilespmem:s17+$0x60] =	vst v34  }
0x37a: {  	v58 =	vadd.s32 v25, v7;
	v36 =	vadd.s32 v22, v5;
	v31 =	vld.idx.msk [tilespmem:v31+s21+$0x0], $0xffff;
	[tilespmem:s5+$0x60] =	vst v63  }
0x37b: {  	v24 =	vor.u32 v6, v48;
	v34 =	vor.u32 v23, v49;
	v33 =	vld.idx.msk [tilespmem:v33+s21+$0x0], $0xffff;
	[tilespmem:s0+$0x60] =	vst v32  }
0x37c: {  	v24 =	vor.u32 v23, v24;
	v32 =	vor.u32 v43, v50;
	[tilespmem:s16+$0x60] =	vst v27;
	v28 =	vld.idx.msk [tilespmem:v28+s21+$0x0], $0xffff  }
0x37d: {  	v40 =	vadd.s32 v17, v3;
	v60 =	vadd.s32 v25, v45;
	v52 =	vor.u32 v23, v32;
	v20 =	vld.idx.msk [tilespmem:v47+s21+$0x0], $0xffff  }
0x37e: {  	v54 =	vadd.s32 v25, v5;
	v26 =	vor.u32 v1, v57;
	v55 =	vor.u32 v23, v29  }
0x37f: {  	v57 =	vor.u32 v4, v54;
	v26 =	vor.u32 v13, v26;
	v30 =	vor.u32 v0, v40;
	[tilespmem:s17+$0x70] =	vst v31  }
0x380: {  	v30 =	vor.u32 v13, v30;
	v31 =	vor.u32 v19, v57;
	v34 =	vld.idx.msk [tilespmem:v34+s21+$0x0], $0xffff;
	[tilespmem:s5+$0x70] =	vst v33  }
0x381: {  	v59 =	vadd.s32 v25, v42;
	v24 =	vld.idx.msk [tilespmem:v24+s21+$0x0], $0xffff;
	v32 =	vor.u32 v6, v58;
	[tilespmem:s0+$0x70] =	vst v28  }
0x382: {  	v32 =	vor.u32 v19, v32;
	v28 =	vor.u32 v43, v59;
	[tilespmem:s16+$0x70] =	vst v20;
	v27 =	vld.idx.msk [tilespmem:v52+s21+$0x0], $0xffff  }
0x383: {  	v56 =	vor.u32 v1, v53;
	v20 =	vor.u32 v18, v60;
	v61 =	vor.u32 v19, v28;
	v23 =	vld.idx.msk [tilespmem:v55+s21+$0x0], $0xffff  }
0x384: {  	v62 =	vor.u32 v11, v56;
	[tilespmem:s9+$0x430] =	vst v35;
	v26 =	vld.idx.msk [tilespmem:v26+s21+$0x0], $0xffff;
	v37 =	vor.u32 v19, v20  }
0x385: {  	v39 =	vadd.s32 v22, v7;
	v38 =	vor.u32 v0, v44;
	v63 =	vld.idx.msk [tilespmem:v30+s21+$0x0], $0xffff;
	[tilespmem:s17+$0x400] =	vst v34  }
0x386: {  	v44 =	vor.u32 v6, v39;
	v30 =	vor.u32 v4, v36;
	v31 =	vld.idx.msk [tilespmem:v31+s21+$0x0], $0xffff;
	[tilespmem:s5+$0x400] =	vst v24  }
0x387: {  	v40 =	vor.u32 v16, v30;
	v30 =	vor.u32 v16, v44;
	v32 =	vld.idx.msk [tilespmem:v32+s21+$0x0], $0xffff;
	[tilespmem:s0+$0x400] =	vst v27  }
0x388: {  	v47 =	vadd.s32 v22, v45;
	v27 =	vor.u32 v43, v46;
	[tilespmem:s16+$0x400] =	vst v23;
	v25 =	vld.idx.msk [tilespmem:v61+s21+$0x0], $0xffff  }
0x389: {  	v53 =	vadd.s32 v21, v42;
	v22 =	vor.u32 v18, v47;
	v48 =	vor.u32 v16, v27;
	v19 =	vld.idx.msk [tilespmem:v37+s21+$0x0], $0xffff  }
0x38a: {  	v54 =	vadd.s32 v21, v45;
	v35 =	vadd.s32 v15, v7;
	[tilespmem:s8+$0x440] =	vst v26;
	v50 =	vor.u32 v16, v22  }
0x38b: {  	v49 =	vadd.s32 v21, v5;
	v57 =	vor.u32 v0, v41;
	v26 =	vld.idx.msk [tilespmem:v62+s21+$0x0], $0xffff;
	[tilespmem:s17+$0x410] =	vst v31  }
0x38c: {  	v52 =	vadd.s32 v21, v7;
	v24 =	vld.idx.msk [tilespmem:v40+s21+$0x0], $0xffff;
	[tilespmem:s5+$0x410] =	vst v32;
	v27 =	vor.u32 v4, v49  }
0x38d: {  	v28 =	vor.u32 v6, v52;
	v30 =	vld.idx.msk [tilespmem:v30+s21+$0x0], $0xffff;
	v27 =	vor.u32 v14, v27;
	[tilespmem:s0+$0x410] =	vst v25  }
0x38e: {  	v28 =	vor.u32 v14, v28;
	v25 =	vor.u32 v43, v53;
	[tilespmem:s16+$0x410] =	vst v19;
	v23 =	vld.idx.msk [tilespmem:v48+s21+$0x0], $0xffff  }
0x38f: {  	v41 =	vadd.s32 v12, v5;
	v21 =	vor.u32 v18, v54;
	v56 =	vor.u32 v14, v25;
	v16 =	vld.idx.msk [tilespmem:v50+s21+$0x0], $0xffff  }
0x390: {  	v62 =	vadd.s32 v17, v42;
	v36 =	vadd.s32 v15, v42;
	[tilespmem:s9+$0x440] =	vst v63;
	v59 =	vor.u32 v14, v21  }
0x391: {  	v58 =	vadd.s32 v17, v5;
	v34 =	vadd.s32 v10, v2;
	v63 =	vadd.s32 v17, v45;
	[tilespmem:s17+$0x420] =	vst v24  }
0x392: {  	v60 =	vor.u32 v4, v58;
	v61 =	vadd.s32 v17, v7;
	[tilespmem:s5+$0x420] =	vst v30;
	v27 =	vld.idx.msk [tilespmem:v27+s21+$0x0], $0xffff  }
0x393: {  	v21 =	vor.u32 v13, v60;
	v24 =	vor.u32 v6, v61;
	v28 =	vld.idx.msk [tilespmem:v28+s21+$0x0], $0xffff;
	[tilespmem:s0+$0x420] =	vst v23  }
0x394: {  	v24 =	vor.u32 v13, v24;
	v23 =	vor.u32 v43, v62;
	[tilespmem:s16+$0x420] =	vst v16;
	v22 =	vld.idx.msk [tilespmem:v56+s21+$0x0], $0xffff  }
0x395: {  	v2 =	vor.u32 v4, v41;
	v16 =	vor.u32 v18, v63;
	v30 =	vor.u32 v13, v23;
	v14 =	vld.idx.msk [tilespmem:v59+s21+$0x0], $0xffff  }
0x396: {  	v2 =	vor.u32 v9, v2;
	v47 =	vadd.s32 v12, v42;
	v33 =	vor.u32 v13, v16  }
0x397: {  	v20 =	vor.u32 v11, v38;
	v55 =	vor.u32 v1, v51;
	v32 =	vadd.s32 v15, v5;
	[tilespmem:s17+$0x430] =	vst v27  }
0x398: {  	v37 =	vadd.s32 v15, v45;
	v25 =	vor.u32 v4, v32;
	[tilespmem:s5+$0x430] =	vst v28;
	v21 =	vld.idx.msk [tilespmem:v21+s21+$0x0], $0xffff  }
0x399: {  	v25 =	vor.u32 v11, v25;
	v16 =	vor.u32 v6, v35;
	v24 =	vld.idx.msk [tilespmem:v24+s21+$0x0], $0xffff;
	[tilespmem:s0+$0x430] =	vst v22  }
0x39a: {  	v16 =	vor.u32 v11, v16;
	v22 =	vor.u32 v43, v36;
	[tilespmem:s16+$0x430] =	vst v14;
	v19 =	vld.idx.msk [tilespmem:v30+s21+$0x0], $0xffff  }
0x39b: {  	v31 =	vor.u32 v9, v57;
	v15 =	vor.u32 v18, v37;
	v39 =	vor.u32 v11, v22;
	v13 =	vld.idx.msk [tilespmem:v33+s21+$0x0], $0xffff  }
0x39c: {  	[tilespmem:s8+$0x450] =	vst v26;
	v38 =	vadd.s32 v10, v3;
	v54 =	vadd.s32 v10, v7;
	v44 =	vor.u32 v11, v15  }
0x39d: {  	v29 =	vor.u32 v9, v55;
	v20 =	vld.idx.msk [tilespmem:v20+s21+$0x0], $0xffff;
	v46 =	vadd.s32 v12, v7;
	[tilespmem:s17+$0x440] =	vst v21  }
0x39e: {  	v57 =	vadd.s32 v10, v42;
	v15 =	vor.u32 v6, v46;
	[tilespmem:s5+$0x440] =	vst v24;
	v21 =	vld.idx.msk [tilespmem:v25+s21+$0x0], $0xffff  }
0x39f: {  	v40 =	vor.u32 v1, v34;
	v15 =	vor.u32 v9, v15;
	v16 =	vld.idx.msk [tilespmem:v16+s21+$0x0], $0xffff;
	[tilespmem:s0+$0x440] =	vst v19  }
0x3a0: {  	v48 =	vadd.s32 v12, v45;
	v19 =	vor.u32 v43, v47;
	[tilespmem:s16+$0x440] =	vst v13;
	v14 =	vld.idx.msk [tilespmem:v39+s21+$0x0], $0xffff  }
0x3a1: {  	v51 =	vor.u32 v0, v38;
	v12 =	vor.u32 v18, v48;
	v49 =	vor.u32 v9, v19;
	v11 =	vld.idx.msk [tilespmem:v44+s21+$0x0], $0xffff  }
0x3a2: {  	v52 =	vadd.s32 v10, v5;
	v17 =	vld.idx.msk [tilespmem:v29+s21+$0x0], $0xffff;
	[tilespmem:s9+$0x450] =	vst v20;
	v53 =	vor.u32 v9, v12  }
0x3a3: {  	v55 =	vor.u32 v6, v54;
	v1 =	vor.u32 v8, v40;
	v50 =	vld.idx.msk [tilespmem:v31+s21+$0x0], $0xffff;
	[tilespmem:s17+$0x450] =	vst v21  }
0x3a4: {  	v0 =	vor.u32 v8, v51;
	v3 =	vor.u32 v4, v52;
	[tilespmem:s5+$0x450] =	vst v16;
	v2 =	vld.idx.msk [tilespmem:v2+s21+$0x0], $0xffff  }
0x3a5: {  	v3 =	vor.u32 v8, v3;
	v7 =	vor.u32 v43, v57;
	v56 =	vld.idx.msk [tilespmem:v15+s21+$0x0], $0xffff;
	[tilespmem:s0+$0x450] =	vst v14  }
0x3a6: {  	v4 =	vor.u32 v8, v55;
	v59 =	vadd.s32 v10, v45;
	[tilespmem:s16+$0x450] =	vst v11;
	v58 =	vld.idx.msk [tilespmem:v49+s21+$0x0], $0xffff  }
0x3a7: {  	v7 =	vor.u32 v8, v7;
	[tilespmem:s8+$0x460] =	vst v17;
	v10 =	vor.u32 v18, v59;
	v5 =	vld.idx.msk [tilespmem:v53+s21+$0x0], $0xffff  }
0x3a8: {  	v1 =	vld.idx.msk [tilespmem:v1+s21+$0x0], $0xffff;
	[tilespmem:s9+$0x460] =	vst v50;
	v60 =	vor.u32 v8, v10  }
0x3a9: {  	v0 =	vld.idx.msk [tilespmem:v0+s21+$0x0], $0xffff;
	[tilespmem:s17+$0x460] =	vst v2  }
0x3aa: {  	[tilespmem:s5+$0x460] =	vst v56;
	v2 =	vld.idx.msk [tilespmem:v3+s21+$0x0], $0xffff  }
0x3ab: {  	v61 =	vld.idx.msk [tilespmem:v4+s21+$0x0], $0xffff;
	[tilespmem:s0+$0x460] =	vst v58  }
0x3ac: {  	[tilespmem:s16+$0x460] =	vst v5;
	v62 =	vld.idx.msk [tilespmem:v7+s21+$0x0], $0xffff  }
0x3ad: {  	[tilespmem:s8+$0x470] =	vst v1;
	v63 =	vld.idx.msk [tilespmem:v60+s21+$0x0], $0xffff  }
0x3ae: {  	[tilespmem:s9+$0x470] =	vst v0  }
.Ltmp9:
0x3af: {  	[tilespmem:s17+$0x470] =	vst v2;
	(pc) =	sbr.rel @p0 .LBB2_16-.Ltmp9, $4  }
0x3b0: {  	[tilespmem:s5+$0x470] =	vst v61  }
0x3b1: {  	[tilespmem:s0+$0x470] =	vst v62  }
0x3b2: {  	s22 =	sadd.s32 s7, s15;
	[tilespmem:s16+$0x470] =	vst v63  }
0x3b3: {  	[hbm4b:s22+s3] =	stream.linear.scatter [tilespmem:s28], [sflag:$0x6], $0x4000, $0x38;
	[tilespmem:$0x18200] =	vst v63  }
.Ltmp10:
0x3b4: {  	(pc) =	sbr.rel .LBB2_2-.Ltmp10, $4  }
0x3b5: {  	_ = 	snop  }
0x3b6: {  	s0 =	rddreg [dreg:$0xb]  }
0x3b7: {  	s1 =	sadd.s32 $0x1, s1;
	s0 =	sadd.s32 s6, s0  }
0x3b8: {  	[tilespmem:s21], [sflag:$0x4] =	stream.linear.gather [hbm4b:s0+s3], $0x4000, $0x38;
	[tilespmem:$0x18200] =	vst v63  }
.LBB2_17:
0x3b9: {  	_ =	sfence.sel $0x180000  }
0x3ba: {  	[bflag:$0x0] =	sbarrier.arrive $0xFFFF  }
0x3bb: {  	_ =	strace $0x90000047  }
0x3bc: {  	s0 =	stileid.u32;
	[bflag:$0x2] =	sbarrier.arrive $0xFFFF  }
0x3bd: {  	p0 =	sne.s32 s0, $0x0;
	s0 =	rddreg [dreg:$0x3]  }
0x3be: {  	s0 =	sadd.s32 @!p0 $0x100000, s0  }
0x3bf: {  	[sflag:s0] =	ssyncadd.tile.s32 @!p0 $0x1;
	_ =	shalt  }
.Lfunc_end2:
_tile_overlayer_lowered:
.L_overlay_start_2:
0x3c0: {  	(tag) =	ssettag $0x2  }
0x3c1: {  	s0 =	rddreg [dreg:$0x0];
	s2 =	stileid.u32  }
0x3c2: {  	s1 =	rddreg [dreg:$0x1];
	p0 =	sne.s32 s2, $0x0  }
0x3c3: {  	s3 =	rddreg [dreg:$0x2];
	[bflag:$0x3] =	sbarrier.arrive $0xFFFF;
	s2 =	simm.s32 @!p0 $0x1C07  }
0x3c4: {  	[timem:s3], [sflag:s2] =	dma.local @!p0 [hbm:s0], s1  }
0x3c5: {  	s0 =	simm.s32 @!p0 $0x7  }
0x3c6: {  	_ =	swait.ge @!p0 [sflag:s0], s1  }
0x3c7: {  	s1 =	ssub.s32 @!p0 $0x0, s1;
	[sflag:s0] =	ssyncset.done @!p0 $0x0  }
0x3c8: {  	[sflag:s0] =	ssyncadd.s32 @!p0 s1  }
0x3c9: {  	[bflag:$0x3] =	sbarrier.arrive $0xFFFF  }
0x3ca: {  	_ =	shalt  }

</sc_bundles>
